<compile_context>
chip_gen: v7x
topology: tpu7x:2x2x1
jax: 0.10.2.dev20260603
libtpu: 0.0.44.dev20260713+nightly
codegen_flags: <defaults>
</compile_context>

<pallas_src>
import jax
import jax.numpy as jnp
from jax import lax
from jax.experimental import pallas as pl
from jax.experimental.pallas import tpu as pltpu
from jax.experimental.pallas import tpu_sc as plsc

_SDF = 128
_NPTS = 16
_NC = 2
_NS = 16
_NW = _NC * _NS
_BAND = 32


def _sc_body(xs_hbm, ys_hbm, r0_hbm, r1_hbm, o0_hbm, o1_hbm, ztile_hbm,
             out_hbm, xs_v, ys_v, r0_v, r1_v, o0_v, o1_v, buf):
    bpw = 256 // _NW
    wid = lax.axis_index("s") * _NC + lax.axis_index("c")
    base_b = wid * bpw
    pltpu.sync_copy(xs_hbm.at[pl.ds(base_b, bpw)], xs_v)
    pltpu.sync_copy(ys_hbm.at[pl.ds(base_b, bpw)], ys_v)
    pltpu.sync_copy(r0_hbm.at[pl.ds(base_b, bpw)], r0_v)
    pltpu.sync_copy(r1_hbm.at[pl.ds(base_b, bpw)], r1_v)
    pltpu.sync_copy(o0_hbm.at[pl.ds(base_b, bpw)], o0_v)
    pltpu.sync_copy(o1_hbm.at[pl.ds(base_b, bpw)], o1_v)
    pltpu.sync_copy(ztile_hbm, buf)
    ones = jnp.ones((_NPTS,), jnp.float32)
    zeros = jnp.zeros((_NPTS,), jnp.float32)
    p = lax.iota(jnp.int32, _NPTS)
    for k in range(bpw):
        xk = xs_v[k]
        yk = ys_v[k]
        row = jnp.clip((yk / r0_v[k] + o0_v[k]).astype(jnp.int32), 0, _SDF - 1)
        col = jnp.clip((xk / r1_v[k] + o1_v[k]).astype(jnp.int32), 0, _SDF - 1)
        for band in range(_SDF // _BAND):
            lo = band * _BAND
            m = (row >= lo) & (row < lo + _BAND)
            lr = jnp.clip(row - lo, 0, _BAND - 1)
            plsc.store_scatter(buf, [lr, p, col], ones, mask=m)
            pltpu.sync_copy(buf, out_hbm.at[base_b + k, pl.ds(lo, _BAND)])
            plsc.store_scatter(buf, [lr, p, col], zeros, mask=m)


def kernel(x, resolution, origin):
    b = x.shape[0]
    pts = x.reshape(b, _NPTS, 2)
    xs = pts[:, :, 0]
    ys = pts[:, :, 1]
    rs0 = jnp.broadcast_to(resolution[:, 0:1], (b, _NPTS))
    rs1 = jnp.broadcast_to(resolution[:, 1:2], (b, _NPTS))
    og0 = jnp.broadcast_to(origin[:, 0:1], (b, _NPTS))
    og1 = jnp.broadcast_to(origin[:, 1:2], (b, _NPTS))
    ztile = jnp.zeros((_BAND, _NPTS, _SDF), jnp.float32)
    mesh = plsc.VectorSubcoreMesh(
        core_axis_name="c", subcore_axis_name="s",
        num_cores=_NC, num_subcores=_NS)
    out = pl.kernel(
        _sc_body,
        out_type=jax.ShapeDtypeStruct((b, _SDF, _NPTS, _SDF), jnp.float32),
        mesh=mesh,
        compiler_params=pltpu.CompilerParams(needs_layout_passes=False),
        scratch_types=[
            pltpu.VMEM((b // _NW, _NPTS), jnp.float32),
            pltpu.VMEM((b // _NW, _NPTS), jnp.float32),
            pltpu.VMEM((b // _NW, _NPTS), jnp.float32),
            pltpu.VMEM((b // _NW, _NPTS), jnp.float32),
            pltpu.VMEM((b // _NW, _NPTS), jnp.float32),
            pltpu.VMEM((b // _NW, _NPTS), jnp.float32),
            pltpu.VMEM((_BAND, _NPTS, _SDF), jnp.float32),
        ],
    )(xs, ys, rs0, rs1, og0, og1, ztile)
    return jnp.transpose(out, (0, 1, 3, 2))

# --- scband reference (transcript-rebuilt; emitter-appended) ---
"""Pipeline reference for scband-raster-points-43439299231978 (READ-ONLY COPY).

The authoritative reference and input builder live on the scoring server;
editing this copy changes nothing except your own understanding.
"""

import jax, jax.numpy as jnp
import numpy as np

SDF_SHAPE = (128, 128)
N_POINTS = 16
BATCH = 256


def setup_inputs(seed: int = 0):
    key = jax.random.key(seed)
    k1, k2, k3 = jax.random.split(key, 3)
    # rope point coordinates; scaled so floor(y/res + origin) lands in [0, 128)
    x = jax.random.uniform(k1, (BATCH, N_POINTS * 2), dtype=jnp.float32) * 120.0
    resolution = jnp.ones((BATCH, 2), dtype=jnp.float32)
    origin = jnp.zeros((BATCH, 2), dtype=jnp.float32)
    return {"x": x, "resolution": resolution, "origin": origin}


def reference(x, resolution, origin):
    # points_reshape: [B, n_points*2] -> [B, n_points, 2]
    points = jnp.reshape(x, (-1, N_POINTS, 2))
    batch_size = points.shape[0]
    # row index from y coordinate, col index from x coordinate (cast to int = floor for positives)
    row_y = (points[:, :, 1] / resolution[:, 0:1] + origin[:, 0:1]).astype(jnp.int32)
    col_x = (points[:, :, 0] / resolution[:, 1:2] + origin[:, 1:2]).astype(jnp.int32)
    # clip for safety (numpy fancy-index assignment requires in-range indices)
    row_y = jnp.clip(row_y, 0, SDF_SHAPE[0] - 1)
    col_x = jnp.clip(col_x, 0, SDF_SHAPE[1] - 1)
    batch_idx = jnp.repeat(jnp.arange(batch_size), N_POINTS)
    chan_idx = jnp.tile(jnp.arange(N_POINTS), batch_size)
    rope_images = jnp.zeros((batch_size, SDF_SHAPE[0], SDF_SHAPE[1], N_POINTS), dtype=jnp.float32)
    # scatter-overwrite of ones at (b, row, col, point_channel)
    rope_images = rope_images.at[batch_idx, row_y.ravel(), col_x.ravel(), chan_idx].set(1.0)
    return rope_images

if __name__ == "__main__":
    import jax
    _d = setup_inputs()
    print(jax.jit(kernel)(*tuple(_d.values())))

</pallas_src>

<mosaic_0001>
#map = affine_map<(d0, d1) -> (0, 0)>
#map1 = affine_map<(d0, d1) -> (0, 0, 0)>
#map2 = affine_map<(d0, d1) -> (0, 0, 0, 0)>
module attributes {stable_mosaic.version = 14 : i64} {
  func.func @_sc_body(%arg0: i32, %arg1: i32, %arg2: memref<256x16xf32, #tpu.memory_space<hbm>>, %arg3: memref<256x16xf32, #tpu.memory_space<hbm>>, %arg4: memref<256x16xf32, #tpu.memory_space<hbm>>, %arg5: memref<256x16xf32, #tpu.memory_space<hbm>>, %arg6: memref<256x16xf32, #tpu.memory_space<hbm>>, %arg7: memref<256x16xf32, #tpu.memory_space<hbm>>, %arg8: memref<32x16x128xf32, #tpu.memory_space<hbm>>, %arg9: memref<256x128x16x128xf32, #tpu.memory_space<hbm>>, %arg10: memref<8x16xf32, #tpu.memory_space<vmem>>, %arg11: memref<8x16xf32, #tpu.memory_space<vmem>>, %arg12: memref<8x16xf32, #tpu.memory_space<vmem>>, %arg13: memref<8x16xf32, #tpu.memory_space<vmem>>, %arg14: memref<8x16xf32, #tpu.memory_space<vmem>>, %arg15: memref<8x16xf32, #tpu.memory_space<vmem>>, %arg16: memref<32x16x128xf32, #tpu.memory_space<vmem>>) attributes {dimension_semantics = [#tpu.dimension_semantics<core_parallel>, #tpu.dimension_semantics<subcore_parallel>], iteration_bounds = array<i64: 2, 16>, scalar_prefetch = 0 : i64, scratch_operands = 7 : i64, tpu.core_type = #tpu.core_type<sc_vector_subcore>, window_params = [{transform_indices = #map}, {transform_indices = #map}, {transform_indices = #map}, {transform_indices = #map}, {transform_indices = #map}, {transform_indices = #map}, {transform_indices = #map1}, {transform_indices = #map2}]} {
    %mul3A = arith.constant 2 : i32
    %mul3A_0 = arith.muli %arg1, %mul3A : i32
    %add3A = arith.addi %mul3A_0, %arg0 : i32
    %mul3A_1 = arith.constant 8 : i32
    %mul3A_2 = arith.muli %add3A, %mul3A_1 : i32
    "tpu.region"() ({
      %run_scoped3A = tpu.sem_alloc : memref<!tpu.dma_semaphore, #tpu.memory_space<semaphore_mem>>
      %dma_start3A = arith.constant 0 : i32
      %dma_start3A_908 = tpu.memref_slice %arg2[%mul3A_2, %dma_start3A] : memref<256x16xf32, #tpu.memory_space<hbm>> -> memref<8x16xf32, #tpu.memory_space<hbm>>
      %dma_start3A_909 = arith.constant 0 : i32
      %dma_start3A_910 = tpu.memref_slice %arg2[%mul3A_2, %dma_start3A_909] : memref<256x16xf32, #tpu.memory_space<hbm>> -> memref<8x16xf32, #tpu.memory_space<hbm>>
      tpu.enqueue_dma source(%dma_start3A_910 : memref<8x16xf32, #tpu.memory_space<hbm>>) target(%arg10 : memref<8x16xf32, #tpu.memory_space<vmem>>) target_semaphore(%run_scoped3A : memref<!tpu.dma_semaphore, #tpu.memory_space<semaphore_mem>>)
      %dma_wait3A = arith.constant 0 : i32
      %dma_wait3A_911 = tpu.memref_slice %arg2[%mul3A_2, %dma_wait3A] : memref<256x16xf32, #tpu.memory_space<hbm>> -> memref<8x16xf32, #tpu.memory_space<hbm>>
      %dma_wait3A_912 = arith.constant 0 : i32
      %dma_wait3A_913 = tpu.memref_slice %arg2[%mul3A_2, %dma_wait3A_912] : memref<256x16xf32, #tpu.memory_space<hbm>> -> memref<8x16xf32, #tpu.memory_space<hbm>>
      tpu.wait_dma2 semaphore(%run_scoped3A : memref<!tpu.dma_semaphore, #tpu.memory_space<semaphore_mem>>) src(%dma_wait3A_913 : memref<8x16xf32, #tpu.memory_space<hbm>>) dst(%arg10 : memref<8x16xf32, #tpu.memory_space<vmem>>)
      tpu.yield
    }) : () -> ()
    "tpu.region"() ({
      %run_scoped3A = tpu.sem_alloc : memref<!tpu.dma_semaphore, #tpu.memory_space<semaphore_mem>>
      %dma_start3A = arith.constant 0 : i32
      %dma_start3A_908 = tpu.memref_slice %arg3[%mul3A_2, %dma_start3A] : memref<256x16xf32, #tpu.memory_space<hbm>> -> memref<8x16xf32, #tpu.memory_space<hbm>>
      %dma_start3A_909 = arith.constant 0 : i32
      %dma_start3A_910 = tpu.memref_slice %arg3[%mul3A_2, %dma_start3A_909] : memref<256x16xf32, #tpu.memory_space<hbm>> -> memref<8x16xf32, #tpu.memory_space<hbm>>
      tpu.enqueue_dma source(%dma_start3A_910 : memref<8x16xf32, #tpu.memory_space<hbm>>) target(%arg11 : memref<8x16xf32, #tpu.memory_space<vmem>>) target_semaphore(%run_scoped3A : memref<!tpu.dma_semaphore, #tpu.memory_space<semaphore_mem>>)
      %dma_wait3A = arith.constant 0 : i32
      %dma_wait3A_911 = tpu.memref_slice %arg3[%mul3A_2, %dma_wait3A] : memref<256x16xf32, #tpu.memory_space<hbm>> -> memref<8x16xf32, #tpu.memory_space<hbm>>
      %dma_wait3A_912 = arith.constant 0 : i32
      %dma_wait3A_913 = tpu.memref_slice %arg3[%mul3A_2, %dma_wait3A_912] : memref<256x16xf32, #tpu.memory_space<hbm>> -> memref<8x16xf32, #tpu.memory_space<hbm>>
      tpu.wait_dma2 semaphore(%run_scoped3A : memref<!tpu.dma_semaphore, #tpu.memory_space<semaphore_mem>>) src(%dma_wait3A_913 : memref<8x16xf32, #tpu.memory_space<hbm>>) dst(%arg11 : memref<8x16xf32, #tpu.memory_space<vmem>>)
      tpu.yield
    }) : () -> ()
    "tpu.region"() ({
      %run_scoped3A = tpu.sem_alloc : memref<!tpu.dma_semaphore, #tpu.memory_space<semaphore_mem>>
      %dma_start3A = arith.constant 0 : i32
      %dma_start3A_908 = tpu.memref_slice %arg4[%mul3A_2, %dma_start3A] : memref<256x16xf32, #tpu.memory_space<hbm>> -> memref<8x16xf32, #tpu.memory_space<hbm>>
      %dma_start3A_909 = arith.constant 0 : i32
      %dma_start3A_910 = tpu.memref_slice %arg4[%mul3A_2, %dma_start3A_909] : memref<256x16xf32, #tpu.memory_space<hbm>> -> memref<8x16xf32, #tpu.memory_space<hbm>>
      tpu.enqueue_dma source(%dma_start3A_910 : memref<8x16xf32, #tpu.memory_space<hbm>>) target(%arg12 : memref<8x16xf32, #tpu.memory_space<vmem>>) target_semaphore(%run_scoped3A : memref<!tpu.dma_semaphore, #tpu.memory_space<semaphore_mem>>)
      %dma_wait3A = arith.constant 0 : i32
      %dma_wait3A_911 = tpu.memref_slice %arg4[%mul3A_2, %dma_wait3A] : memref<256x16xf32, #tpu.memory_space<hbm>> -> memref<8x16xf32, #tpu.memory_space<hbm>>
      %dma_wait3A_912 = arith.constant 0 : i32
      %dma_wait3A_913 = tpu.memref_slice %arg4[%mul3A_2, %dma_wait3A_912] : memref<256x16xf32, #tpu.memory_space<hbm>> -> memref<8x16xf32, #tpu.memory_space<hbm>>
      tpu.wait_dma2 semaphore(%run_scoped3A : memref<!tpu.dma_semaphore, #tpu.memory_space<semaphore_mem>>) src(%dma_wait3A_913 : memref<8x16xf32, #tpu.memory_space<hbm>>) dst(%arg12 : memref<8x16xf32, #tpu.memory_space<vmem>>)
      tpu.yield
    }) : () -> ()
    "tpu.region"() ({
      %run_scoped3A = tpu.sem_alloc : memref<!tpu.dma_semaphore, #tpu.memory_space<semaphore_mem>>
      %dma_start3A = arith.constant 0 : i32
      %dma_start3A_908 = tpu.memref_slice %arg5[%mul3A_2, %dma_start3A] : memref<256x16xf32, #tpu.memory_space<hbm>> -> memref<8x16xf32, #tpu.memory_space<hbm>>
      %dma_start3A_909 = arith.constant 0 : i32
      %dma_start3A_910 = tpu.memref_slice %arg5[%mul3A_2, %dma_start3A_909] : memref<256x16xf32, #tpu.memory_space<hbm>> -> memref<8x16xf32, #tpu.memory_space<hbm>>
      tpu.enqueue_dma source(%dma_start3A_910 : memref<8x16xf32, #tpu.memory_space<hbm>>) target(%arg13 : memref<8x16xf32, #tpu.memory_space<vmem>>) target_semaphore(%run_scoped3A : memref<!tpu.dma_semaphore, #tpu.memory_space<semaphore_mem>>)
      %dma_wait3A = arith.constant 0 : i32
      %dma_wait3A_911 = tpu.memref_slice %arg5[%mul3A_2, %dma_wait3A] : memref<256x16xf32, #tpu.memory_space<hbm>> -> memref<8x16xf32, #tpu.memory_space<hbm>>
      %dma_wait3A_912 = arith.constant 0 : i32
      %dma_wait3A_913 = tpu.memref_slice %arg5[%mul3A_2, %dma_wait3A_912] : memref<256x16xf32, #tpu.memory_space<hbm>> -> memref<8x16xf32, #tpu.memory_space<hbm>>
      tpu.wait_dma2 semaphore(%run_scoped3A : memref<!tpu.dma_semaphore, #tpu.memory_space<semaphore_mem>>) src(%dma_wait3A_913 : memref<8x16xf32, #tpu.memory_space<hbm>>) dst(%arg13 : memref<8x16xf32, #tpu.memory_space<vmem>>)
      tpu.yield
    }) : () -> ()
    "tpu.region"() ({
      %run_scoped3A = tpu.sem_alloc : memref<!tpu.dma_semaphore, #tpu.memory_space<semaphore_mem>>
      %dma_start3A = arith.constant 0 : i32
      %dma_start3A_908 = tpu.memref_slice %arg6[%mul3A_2, %dma_start3A] : memref<256x16xf32, #tpu.memory_space<hbm>> -> memref<8x16xf32, #tpu.memory_space<hbm>>
      %dma_start3A_909 = arith.constant 0 : i32
      %dma_start3A_910 = tpu.memref_slice %arg6[%mul3A_2, %dma_start3A_909] : memref<256x16xf32, #tpu.memory_space<hbm>> -> memref<8x16xf32, #tpu.memory_space<hbm>>
      tpu.enqueue_dma source(%dma_start3A_910 : memref<8x16xf32, #tpu.memory_space<hbm>>) target(%arg14 : memref<8x16xf32, #tpu.memory_space<vmem>>) target_semaphore(%run_scoped3A : memref<!tpu.dma_semaphore, #tpu.memory_space<semaphore_mem>>)
      %dma_wait3A = arith.constant 0 : i32
      %dma_wait3A_911 = tpu.memref_slice %arg6[%mul3A_2, %dma_wait3A] : memref<256x16xf32, #tpu.memory_space<hbm>> -> memref<8x16xf32, #tpu.memory_space<hbm>>
      %dma_wait3A_912 = arith.constant 0 : i32
      %dma_wait3A_913 = tpu.memref_slice %arg6[%mul3A_2, %dma_wait3A_912] : memref<256x16xf32, #tpu.memory_space<hbm>> -> memref<8x16xf32, #tpu.memory_space<hbm>>
      tpu.wait_dma2 semaphore(%run_scoped3A : memref<!tpu.dma_semaphore, #tpu.memory_space<semaphore_mem>>) src(%dma_wait3A_913 : memref<8x16xf32, #tpu.memory_space<hbm>>) dst(%arg14 : memref<8x16xf32, #tpu.memory_space<vmem>>)
      tpu.yield
    }) : () -> ()
    "tpu.region"() ({
      %run_scoped3A = tpu.sem_alloc : memref<!tpu.dma_semaphore, #tpu.memory_space<semaphore_mem>>
      %dma_start3A = arith.constant 0 : i32
      %dma_start3A_908 = tpu.memref_slice %arg7[%mul3A_2, %dma_start3A] : memref<256x16xf32, #tpu.memory_space<hbm>> -> memref<8x16xf32, #tpu.memory_space<hbm>>
      %dma_start3A_909 = arith.constant 0 : i32
      %dma_start3A_910 = tpu.memref_slice %arg7[%mul3A_2, %dma_start3A_909] : memref<256x16xf32, #tpu.memory_space<hbm>> -> memref<8x16xf32, #tpu.memory_space<hbm>>
      tpu.enqueue_dma source(%dma_start3A_910 : memref<8x16xf32, #tpu.memory_space<hbm>>) target(%arg15 : memref<8x16xf32, #tpu.memory_space<vmem>>) target_semaphore(%run_scoped3A : memref<!tpu.dma_semaphore, #tpu.memory_space<semaphore_mem>>)
      %dma_wait3A = arith.constant 0 : i32
      %dma_wait3A_911 = tpu.memref_slice %arg7[%mul3A_2, %dma_wait3A] : memref<256x16xf32, #tpu.memory_space<hbm>> -> memref<8x16xf32, #tpu.memory_space<hbm>>
      %dma_wait3A_912 = arith.constant 0 : i32
      %dma_wait3A_913 = tpu.memref_slice %arg7[%mul3A_2, %dma_wait3A_912] : memref<256x16xf32, #tpu.memory_space<hbm>> -> memref<8x16xf32, #tpu.memory_space<hbm>>
      tpu.wait_dma2 semaphore(%run_scoped3A : memref<!tpu.dma_semaphore, #tpu.memory_space<semaphore_mem>>) src(%dma_wait3A_913 : memref<8x16xf32, #tpu.memory_space<hbm>>) dst(%arg15 : memref<8x16xf32, #tpu.memory_space<vmem>>)
      tpu.yield
    }) : () -> ()
    "tpu.region"() ({
      %run_scoped3A = tpu.sem_alloc : memref<!tpu.dma_semaphore, #tpu.memory_space<semaphore_mem>>
      tpu.enqueue_dma source(%arg8 : memref<32x16x128xf32, #tpu.memory_space<hbm>>) target(%arg16 : memref<32x16x128xf32, #tpu.memory_space<vmem>>) target_semaphore(%run_scoped3A : memref<!tpu.dma_semaphore, #tpu.memory_space<semaphore_mem>>)
      tpu.wait_dma2 semaphore(%run_scoped3A : memref<!tpu.dma_semaphore, #tpu.memory_space<semaphore_mem>>) src(%arg8 : memref<32x16x128xf32, #tpu.memory_space<hbm>>) dst(%arg16 : memref<32x16x128xf32, #tpu.memory_space<vmem>>)
      tpu.yield
    }) : () -> ()
    %broadcast_in_dim3A = arith.constant 1.000000e+00 : f32
    %broadcast_in_dim3A_3 = vector.broadcast %broadcast_in_dim3A : f32 to vector<16xf32>
    %broadcast_in_dim3A_4 = arith.constant 0.000000e+00 : f32
    %broadcast_in_dim3A_5 = vector.broadcast %broadcast_in_dim3A_4 : f32 to vector<16xf32>
    %iota3A = tpu.iota {dimensions = array<i32: 0>} : vector<16xi32>
    %get3A = arith.constant 0 : i32
    %get3A_6 = arith.index_cast %get3A : i32 to index
    %get3A_7 = arith.constant 0 : index
    %get3A_8 = tpu.vector_load %arg10[%get3A_6, %get3A_7] {strides = array<i32>} : memref<8x16xf32, #tpu.memory_space<vmem>>, vector<16xf32>,
    %get3A_9 = arith.constant 0 : i32
    %get3A_10 = arith.index_cast %get3A_9 : i32 to index
    %get3A_11 = arith.constant 0 : index
    %get3A_12 = tpu.vector_load %arg11[%get3A_10, %get3A_11] {strides = array<i32>} : memref<8x16xf32, #tpu.memory_space<vmem>>, vector<16xf32>,
    %get3A_13 = arith.constant 0 : i32
    %get3A_14 = arith.index_cast %get3A_13 : i32 to index
    %get3A_15 = arith.constant 0 : index
    %get3A_16 = tpu.vector_load %arg12[%get3A_14, %get3A_15] {strides = array<i32>} : memref<8x16xf32, #tpu.memory_space<vmem>>, vector<16xf32>,
    %div3A = arith.divf %get3A_12, %get3A_16 : vector<16xf32>
    %get3A_17 = arith.constant 0 : i32
    %get3A_18 = arith.index_cast %get3A_17 : i32 to index
    %get3A_19 = arith.constant 0 : index
    %get3A_20 = tpu.vector_load %arg14[%get3A_18, %get3A_19] {strides = array<i32>} : memref<8x16xf32, #tpu.memory_space<vmem>>, vector<16xf32>,
    %add3A_21 = arith.addf %div3A, %get3A_20 : vector<16xf32>
    %convert_element_type3A = arith.fptosi %add3A_21 : vector<16xf32> to vector<16xi32>
    %jit3A = arith.constant 0 : i32
    %jit3A_22 = arith.constant 127 : i32
    %max3A = vector.broadcast %jit3A : i32 to vector<16xi32>
    %max3A_23 = arith.maxsi %max3A, %convert_element_type3A : vector<16xi32>
    %min3A = vector.broadcast %jit3A_22 : i32 to vector<16xi32>
    %min3A_24 = arith.minsi %min3A, %max3A_23 : vector<16xi32>
    %get3A_25 = arith.constant 0 : i32
    %get3A_26 = arith.index_cast %get3A_25 : i32 to index
    %get3A_27 = arith.constant 0 : index
    %get3A_28 = tpu.vector_load %arg13[%get3A_26, %get3A_27] {strides = array<i32>} : memref<8x16xf32, #tpu.memory_space<vmem>>, vector<16xf32>,
    %div3A_29 = arith.divf %get3A_8, %get3A_28 : vector<16xf32>
    %get3A_30 = arith.constant 0 : i32
    %get3A_31 = arith.index_cast %get3A_30 : i32 to index
    %get3A_32 = arith.constant 0 : index
    %get3A_33 = tpu.vector_load %arg15[%get3A_31, %get3A_32] {strides = array<i32>} : memref<8x16xf32, #tpu.memory_space<vmem>>, vector<16xf32>,
    %add3A_34 = arith.addf %div3A_29, %get3A_33 : vector<16xf32>
    %convert_element_type3A_35 = arith.fptosi %add3A_34 : vector<16xf32> to vector<16xi32>
    %jit3A_36 = arith.constant 0 : i32
    %jit3A_37 = arith.constant 127 : i32
    %max3A_38 = vector.broadcast %jit3A_36 : i32 to vector<16xi32>
    %max3A_39 = arith.maxsi %max3A_38, %convert_element_type3A_35 : vector<16xi32>
    %min3A_40 = vector.broadcast %jit3A_37 : i32 to vector<16xi32>
    %min3A_41 = arith.minsi %min3A_40, %max3A_39 : vector<16xi32>
    %ge3A = arith.constant 0 : i32
    %ge3A_42 = vector.broadcast %ge3A : i32 to vector<16xi32>
    %ge3A_43 = arith.cmpi sge, %min3A_24, %ge3A_42 : vector<16xi32>
    %lt3A = arith.constant 32 : i32
    %lt3A_44 = vector.broadcast %lt3A : i32 to vector<16xi32>
    %lt3A_45 = arith.cmpi slt, %min3A_24, %lt3A_44 : vector<16xi32>
    %and3A = arith.andi %ge3A_43, %lt3A_45 : vector<16xi1>
    %sub3A = arith.constant 0 : i32
    %sub3A_46 = vector.broadcast %sub3A : i32 to vector<16xi32>
    %sub3A_47 = arith.subi %min3A_24, %sub3A_46 : vector<16xi32>
    %jit3A_48 = arith.constant 0 : i32
    %jit3A_49 = arith.constant 31 : i32
    %max3A_50 = vector.broadcast %jit3A_48 : i32 to vector<16xi32>
    %max3A_51 = arith.maxsi %max3A_50, %sub3A_47 : vector<16xi32>
    %min3A_52 = vector.broadcast %jit3A_49 : i32 to vector<16xi32>
    %min3A_53 = arith.minsi %min3A_52, %max3A_51 : vector<16xi32>
    tpu.vector_store_idx %arg16[%min3A_53, %iota3A, %min3A_41], %broadcast_in_dim3A_3 masked %and3A : memref<32x16x128xf32, #tpu.memory_space<vmem>>[vector<16xi32>, vector<16xi32>, vector<16xi32>], vector<16xf32>, vector<16xi1>
    %add3A_54 = arith.constant 0 : i32
    %add3A_55 = arith.addi %mul3A_2, %add3A_54 : i32
    "tpu.region"() ({
      %run_scoped3A = tpu.sem_alloc : memref<!tpu.dma_semaphore, #tpu.memory_space<semaphore_mem>>
      %dma_start3A = arith.constant 0 : i32
      %dma_start3A_908 = arith.constant 0 : i32
      %dma_start3A_909 = arith.constant 0 : i32
      %dma_start3A_910 = tpu.memref_slice %arg9[%add3A_55, %dma_start3A, %dma_start3A_908, %dma_start3A_909] : memref<256x128x16x128xf32, #tpu.memory_space<hbm>> -> memref<1x32x16x128xf32, #tpu.memory_space<hbm>>
      %dma_start3A_911 = tpu.memref_squeeze %dma_start3A_910 : memref<1x32x16x128xf32, #tpu.memory_space<hbm>> -> memref<32x16x128xf32, #tpu.memory_space<hbm>>
      %dma_start3A_912 = arith.constant 0 : i32
      %dma_start3A_913 = arith.constant 0 : i32
      %dma_start3A_914 = arith.constant 0 : i32
      %dma_start3A_915 = tpu.memref_slice %arg9[%add3A_55, %dma_start3A_912, %dma_start3A_913, %dma_start3A_914] : memref<256x128x16x128xf32, #tpu.memory_space<hbm>> -> memref<1x32x16x128xf32, #tpu.memory_space<hbm>>
      %dma_start3A_916 = tpu.memref_squeeze %dma_start3A_915 : memref<1x32x16x128xf32, #tpu.memory_space<hbm>> -> memref<32x16x128xf32, #tpu.memory_space<hbm>>
      tpu.enqueue_dma source(%arg16 : memref<32x16x128xf32, #tpu.memory_space<vmem>>) target(%dma_start3A_916 : memref<32x16x128xf32, #tpu.memory_space<hbm>>) target_semaphore(%run_scoped3A : memref<!tpu.dma_semaphore, #tpu.memory_space<semaphore_mem>>)
      %dma_wait3A = arith.constant 0 : i32
      %dma_wait3A_917 = arith.constant 0 : i32
      %dma_wait3A_918 = arith.constant 0 : i32
      %dma_wait3A_919 = tpu.memref_slice %arg9[%add3A_55, %dma_wait3A, %dma_wait3A_917, %dma_wait3A_918] : memref<256x128x16x128xf32, #tpu.memory_space<hbm>> -> memref<1x32x16x128xf32, #tpu.memory_space<hbm>>
      %dma_wait3A_920 = tpu.memref_squeeze %dma_wait3A_919 : memref<1x32x16x128xf32, #tpu.memory_space<hbm>> -> memref<32x16x128xf32, #tpu.memory_space<hbm>>
      %dma_wait3A_921 = arith.constant 0 : i32
      %dma_wait3A_922 = arith.constant 0 : i32
      %dma_wait3A_923 = arith.constant 0 : i32
      %dma_wait3A_924 = tpu.memref_slice %arg9[%add3A_55, %dma_wait3A_921, %dma_wait3A_922, %dma_wait3A_923] : memref<256x128x16x128xf32, #tpu.memory_space<hbm>> -> memref<1x32x16x128xf32, #tpu.memory_space<hbm>>
      %dma_wait3A_925 = tpu.memref_squeeze %dma_wait3A_924 : memref<1x32x16x128xf32, #tpu.memory_space<hbm>> -> memref<32x16x128xf32, #tpu.memory_space<hbm>>
      tpu.wait_dma2 semaphore(%run_scoped3A : memref<!tpu.dma_semaphore, #tpu.memory_space<semaphore_mem>>) src(%arg16 : memref<32x16x128xf32, #tpu.memory_space<vmem>>) dst(%dma_wait3A_925 : memref<32x16x128xf32, #tpu.memory_space<hbm>>)
      tpu.yield
    }) : () -> ()
    tpu.vector_store_idx %arg16[%min3A_53, %iota3A, %min3A_41], %broadcast_in_dim3A_5 masked %and3A : memref<32x16x128xf32, #tpu.memory_space<vmem>>[vector<16xi32>, vector<16xi32>, vector<16xi32>], vector<16xf32>, vector<16xi1>
    %ge3A_56 = arith.constant 32 : i32
    %ge3A_57 = vector.broadcast %ge3A_56 : i32 to vector<16xi32>
    %ge3A_58 = arith.cmpi sge, %min3A_24, %ge3A_57 : vector<16xi32>
    %lt3A_59 = arith.constant 64 : i32
    %lt3A_60 = vector.broadcast %lt3A_59 : i32 to vector<16xi32>
    %lt3A_61 = arith.cmpi slt, %min3A_24, %lt3A_60 : vector<16xi32>
    %and3A_62 = arith.andi %ge3A_58, %lt3A_61 : vector<16xi1>
    %sub3A_63 = arith.constant 32 : i32
    %sub3A_64 = vector.broadcast %sub3A_63 : i32 to vector<16xi32>
    %sub3A_65 = arith.subi %min3A_24, %sub3A_64 : vector<16xi32>
    %jit3A_66 = arith.constant 0 : i32
    %jit3A_67 = arith.constant 31 : i32
    %max3A_68 = vector.broadcast %jit3A_66 : i32 to vector<16xi32>
    %max3A_69 = arith.maxsi %max3A_68, %sub3A_65 : vector<16xi32>
    %min3A_70 = vector.broadcast %jit3A_67 : i32 to vector<16xi32>
    %min3A_71 = arith.minsi %min3A_70, %max3A_69 : vector<16xi32>
    tpu.vector_store_idx %arg16[%min3A_71, %iota3A, %min3A_41], %broadcast_in_dim3A_3 masked %and3A_62 : memref<32x16x128xf32, #tpu.memory_space<vmem>>[vector<16xi32>, vector<16xi32>, vector<16xi32>], vector<16xf32>, vector<16xi1>
    %add3A_72 = arith.constant 0 : i32
    %add3A_73 = arith.addi %mul3A_2, %add3A_72 : i32
    "tpu.region"() ({
      %run_scoped3A = tpu.sem_alloc : memref<!tpu.dma_semaphore, #tpu.memory_space<semaphore_mem>>
      %dma_start3A = arith.constant 32 : i32
      %dma_start3A_908 = arith.constant 0 : i32
      %dma_start3A_909 = arith.constant 0 : i32
      %dma_start3A_910 = tpu.memref_slice %arg9[%add3A_73, %dma_start3A, %dma_start3A_908, %dma_start3A_909] : memref<256x128x16x128xf32, #tpu.memory_space<hbm>> -> memref<1x32x16x128xf32, #tpu.memory_space<hbm>>
      %dma_start3A_911 = tpu.memref_squeeze %dma_start3A_910 : memref<1x32x16x128xf32, #tpu.memory_space<hbm>> -> memref<32x16x128xf32, #tpu.memory_space<hbm>>
      %dma_start3A_912 = arith.constant 32 : i32
      %dma_start3A_913 = arith.constant 0 : i32
      %dma_start3A_914 = arith.constant 0 : i32
      %dma_start3A_915 = tpu.memref_slice %arg9[%add3A_73, %dma_start3A_912, %dma_start3A_913, %dma_start3A_914] : memref<256x128x16x128xf32, #tpu.memory_space<hbm>> -> memref<1x32x16x128xf32, #tpu.memory_space<hbm>>
      %dma_start3A_916 = tpu.memref_squeeze %dma_start3A_915 : memref<1x32x16x128xf32, #tpu.memory_space<hbm>> -> memref<32x16x128xf32, #tpu.memory_space<hbm>>
      tpu.enqueue_dma source(%arg16 : memref<32x16x128xf32, #tpu.memory_space<vmem>>) target(%dma_start3A_916 : memref<32x16x128xf32, #tpu.memory_space<hbm>>) target_semaphore(%run_scoped3A : memref<!tpu.dma_semaphore, #tpu.memory_space<semaphore_mem>>)
      %dma_wait3A = arith.constant 32 : i32
      %dma_wait3A_917 = arith.constant 0 : i32
      %dma_wait3A_918 = arith.constant 0 : i32
      %dma_wait3A_919 = tpu.memref_slice %arg9[%add3A_73, %dma_wait3A, %dma_wait3A_917, %dma_wait3A_918] : memref<256x128x16x128xf32, #tpu.memory_space<hbm>> -> memref<1x32x16x128xf32, #tpu.memory_space<hbm>>
      %dma_wait3A_920 = tpu.memref_squeeze %dma_wait3A_919 : memref<1x32x16x128xf32, #tpu.memory_space<hbm>> -> memref<32x16x128xf32, #tpu.memory_space<hbm>>
      %dma_wait3A_921 = arith.constant 32 : i32
      %dma_wait3A_922 = arith.constant 0 : i32
      %dma_wait3A_923 = arith.constant 0 : i32
      %dma_wait3A_924 = tpu.memref_slice %arg9[%add3A_73, %dma_wait3A_921, %dma_wait3A_922, %dma_wait3A_923] : memref<256x128x16x128xf32, #tpu.memory_space<hbm>> -> memref<1x32x16x128xf32, #tpu.memory_space<hbm>>
      %dma_wait3A_925 = tpu.memref_squeeze %dma_wait3A_924 : memref<1x32x16x128xf32, #tpu.memory_space<hbm>> -> memref<32x16x128xf32, #tpu.memory_space<hbm>>
      tpu.wait_dma2 semaphore(%run_scoped3A : memref<!tpu.dma_semaphore, #tpu.memory_space<semaphore_mem>>) src(%arg16 : memref<32x16x128xf32, #tpu.memory_space<vmem>>) dst(%dma_wait3A_925 : memref<32x16x128xf32, #tpu.memory_space<hbm>>)
      tpu.yield
    }) : () -> ()
    tpu.vector_store_idx %arg16[%min3A_71, %iota3A, %min3A_41], %broadcast_in_dim3A_5 masked %and3A_62 : memref<32x16x128xf32, #tpu.memory_space<vmem>>[vector<16xi32>, vector<16xi32>, vector<16xi32>], vector<16xf32>, vector<16xi1>
    %ge3A_74 = arith.constant 64 : i32
    %ge3A_75 = vector.broadcast %ge3A_74 : i32 to vector<16xi32>
    %ge3A_76 = arith.cmpi sge, %min3A_24, %ge3A_75 : vector<16xi32>
    %lt3A_77 = arith.constant 96 : i32
    %lt3A_78 = vector.broadcast %lt3A_77 : i32 to vector<16xi32>
    %lt3A_79 = arith.cmpi slt, %min3A_24, %lt3A_78 : vector<16xi32>
    %and3A_80 = arith.andi %ge3A_76, %lt3A_79 : vector<16xi1>
    %sub3A_81 = arith.constant 64 : i32
    %sub3A_82 = vector.broadcast %sub3A_81 : i32 to vector<16xi32>
    %sub3A_83 = arith.subi %min3A_24, %sub3A_82 : vector<16xi32>
    %jit3A_84 = arith.constant 0 : i32
    %jit3A_85 = arith.constant 31 : i32
    %max3A_86 = vector.broadcast %jit3A_84 : i32 to vector<16xi32>
    %max3A_87 = arith.maxsi %max3A_86, %sub3A_83 : vector<16xi32>
    %min3A_88 = vector.broadcast %jit3A_85 : i32 to vector<16xi32>
    %min3A_89 = arith.minsi %min3A_88, %max3A_87 : vector<16xi32>
    tpu.vector_store_idx %arg16[%min3A_89, %iota3A, %min3A_41], %broadcast_in_dim3A_3 masked %and3A_80 : memref<32x16x128xf32, #tpu.memory_space<vmem>>[vector<16xi32>, vector<16xi32>, vector<16xi32>], vector<16xf32>, vector<16xi1>
    %add3A_90 = arith.constant 0 : i32
    %add3A_91 = arith.addi %mul3A_2, %add3A_90 : i32
    "tpu.region"() ({
      %run_scoped3A = tpu.sem_alloc : memref<!tpu.dma_semaphore, #tpu.memory_space<semaphore_mem>>
      %dma_start3A = arith.constant 64 : i32
      %dma_start3A_908 = arith.constant 0 : i32
      %dma_start3A_909 = arith.constant 0 : i32
      %dma_start3A_910 = tpu.memref_slice %arg9[%add3A_91, %dma_start3A, %dma_start3A_908, %dma_start3A_909] : memref<256x128x16x128xf32, #tpu.memory_space<hbm>> -> memref<1x32x16x128xf32, #tpu.memory_space<hbm>>
      %dma_start3A_911 = tpu.memref_squeeze %dma_start3A_910 : memref<1x32x16x128xf32, #tpu.memory_space<hbm>> -> memref<32x16x128xf32, #tpu.memory_space<hbm>>
      %dma_start3A_912 = arith.constant 64 : i32
      %dma_start3A_913 = arith.constant 0 : i32
      %dma_start3A_914 = arith.constant 0 : i32
      %dma_start3A_915 = tpu.memref_slice %arg9[%add3A_91, %dma_start3A_912, %dma_start3A_913, %dma_start3A_914] : memref<256x128x16x128xf32, #tpu.memory_space<hbm>> -> memref<1x32x16x128xf32, #tpu.memory_space<hbm>>
      %dma_start3A_916 = tpu.memref_squeeze %dma_start3A_915 : memref<1x32x16x128xf32, #tpu.memory_space<hbm>> -> memref<32x16x128xf32, #tpu.memory_space<hbm>>
      tpu.enqueue_dma source(%arg16 : memref<32x16x128xf32, #tpu.memory_space<vmem>>) target(%dma_start3A_916 : memref<32x16x128xf32, #tpu.memory_space<hbm>>) target_semaphore(%run_scoped3A : memref<!tpu.dma_semaphore, #tpu.memory_space<semaphore_mem>>)
      %dma_wait3A = arith.constant 64 : i32
      %dma_wait3A_917 = arith.constant 0 : i32
      %dma_wait3A_918 = arith.constant 0 : i32
      %dma_wait3A_919 = tpu.memref_slice %arg9[%add3A_91, %dma_wait3A, %dma_wait3A_917, %dma_wait3A_918] : memref<256x128x16x128xf32, #tpu.memory_space<hbm>> -> memref<1x32x16x128xf32, #tpu.memory_space<hbm>>
      %dma_wait3A_920 = tpu.memref_squeeze %dma_wait3A_919 : memref<1x32x16x128xf32, #tpu.memory_space<hbm>> -> memref<32x16x128xf32, #tpu.memory_space<hbm>>
      %dma_wait3A_921 = arith.constant 64 : i32
      %dma_wait3A_922 = arith.constant 0 : i32
      %dma_wait3A_923 = arith.constant 0 : i32
      %dma_wait3A_924 = tpu.memref_slice %arg9[%add3A_91, %dma_wait3A_921, %dma_wait3A_922, %dma_wait3A_923] : memref<256x128x16x128xf32, #tpu.memory_space<hbm>> -> memref<1x32x16x128xf32, #tpu.memory_space<hbm>>
      %dma_wait3A_925 = tpu.memref_squeeze %dma_wait3A_924 : memref<1x32x16x128xf32, #tpu.memory_space<hbm>> -> memref<32x16x128xf32, #tpu.memory_space<hbm>>
      tpu.wait_dma2 semaphore(%run_scoped3A : memref<!tpu.dma_semaphore, #tpu.memory_space<semaphore_mem>>) src(%arg16 : memref<32x16x128xf32, #tpu.memory_space<vmem>>) dst(%dma_wait3A_925 : memref<32x16x128xf32, #tpu.memory_space<hbm>>)
      tpu.yield
    }) : () -> ()
    tpu.vector_store_idx %arg16[%min3A_89, %iota3A, %min3A_41], %broadcast_in_dim3A_5 masked %and3A_80 : memref<32x16x128xf32, #tpu.memory_space<vmem>>[vector<16xi32>, vector<16xi32>, vector<16xi32>], vector<16xf32>, vector<16xi1>
    %ge3A_92 = arith.constant 96 : i32
    %ge3A_93 = vector.broadcast %ge3A_92 : i32 to vector<16xi32>
    %ge3A_94 = arith.cmpi sge, %min3A_24, %ge3A_93 : vector<16xi32>
    %lt3A_95 = arith.constant 128 : i32
    %lt3A_96 = vector.broadcast %lt3A_95 : i32 to vector<16xi32>
    %lt3A_97 = arith.cmpi slt, %min3A_24, %lt3A_96 : vector<16xi32>
    %and3A_98 = arith.andi %ge3A_94, %lt3A_97 : vector<16xi1>
    %sub3A_99 = arith.constant 96 : i32
    %sub3A_100 = vector.broadcast %sub3A_99 : i32 to vector<16xi32>
    %sub3A_101 = arith.subi %min3A_24, %sub3A_100 : vector<16xi32>
    %jit3A_102 = arith.constant 0 : i32
    %jit3A_103 = arith.constant 31 : i32
    %max3A_104 = vector.broadcast %jit3A_102 : i32 to vector<16xi32>
    %max3A_105 = arith.maxsi %max3A_104, %sub3A_101 : vector<16xi32>
    %min3A_106 = vector.broadcast %jit3A_103 : i32 to vector<16xi32>
    %min3A_107 = arith.minsi %min3A_106, %max3A_105 : vector<16xi32>
    tpu.vector_store_idx %arg16[%min3A_107, %iota3A, %min3A_41], %broadcast_in_dim3A_3 masked %and3A_98 : memref<32x16x128xf32, #tpu.memory_space<vmem>>[vector<16xi32>, vector<16xi32>, vector<16xi32>], vector<16xf32>, vector<16xi1>
    %add3A_108 = arith.constant 0 : i32
    %add3A_109 = arith.addi %mul3A_2, %add3A_108 : i32
    "tpu.region"() ({
      %run_scoped3A = tpu.sem_alloc : memref<!tpu.dma_semaphore, #tpu.memory_space<semaphore_mem>>
      %dma_start3A = arith.constant 96 : i32
      %dma_start3A_908 = arith.constant 0 : i32
      %dma_start3A_909 = arith.constant 0 : i32
      %dma_start3A_910 = tpu.memref_slice %arg9[%add3A_109, %dma_start3A, %dma_start3A_908, %dma_start3A_909] : memref<256x128x16x128xf32, #tpu.memory_space<hbm>> -> memref<1x32x16x128xf32, #tpu.memory_space<hbm>>
      %dma_start3A_911 = tpu.memref_squeeze %dma_start3A_910 : memref<1x32x16x128xf32, #tpu.memory_space<hbm>> -> memref<32x16x128xf32, #tpu.memory_space<hbm>>
      %dma_start3A_912 = arith.constant 96 : i32
      %dma_start3A_913 = arith.constant 0 : i32
      %dma_start3A_914 = arith.constant 0 : i32
      %dma_start3A_915 = tpu.memref_slice %arg9[%add3A_109, %dma_start3A_912, %dma_start3A_913, %dma_start3A_914] : memref<256x128x16x128xf32, #tpu.memory_space<hbm>> -> memref<1x32x16x128xf32, #tpu.memory_space<hbm>>
      %dma_start3A_916 = tpu.memref_squeeze %dma_start3A_915 : memref<1x32x16x128xf32, #tpu.memory_space<hbm>> -> memref<32x16x128xf32, #tpu.memory_space<hbm>>
      tpu.enqueue_dma source(%arg16 : memref<32x16x128xf32, #tpu.memory_space<vmem>>) target(%dma_start3A_916 : memref<32x16x128xf32, #tpu.memory_space<hbm>>) target_semaphore(%run_scoped3A : memref<!tpu.dma_semaphore, #tpu.memory_space<semaphore_mem>>)
      %dma_wait3A = arith.constant 96 : i32
      %dma_wait3A_917 = arith.constant 0 : i32
      %dma_wait3A_918 = arith.constant 0 : i32
      %dma_wait3A_919 = tpu.memref_slice %arg9[%add3A_109, %dma_wait3A, %dma_wait3A_917, %dma_wait3A_918] : memref<256x128x16x128xf32, #tpu.memory_space<hbm>> -> memref<1x32x16x128xf32, #tpu.memory_space<hbm>>
      %dma_wait3A_920 = tpu.memref_squeeze %dma_wait3A_919 : memref<1x32x16x128xf32, #tpu.memory_space<hbm>> -> memref<32x16x128xf32, #tpu.memory_space<hbm>>
      %dma_wait3A_921 = arith.constant 96 : i32
      %dma_wait3A_922 = arith.constant 0 : i32
      %dma_wait3A_923 = arith.constant 0 : i32
      %dma_wait3A_924 = tpu.memref_slice %arg9[%add3A_109, %dma_wait3A_921, %dma_wait3A_922, %dma_wait3A_923] : memref<256x128x16x128xf32, #tpu.memory_space<hbm>> -> memref<1x32x16x128xf32, #tpu.memory_space<hbm>>
      %dma_wait3A_925 = tpu.memref_squeeze %dma_wait3A_924 : memref<1x32x16x128xf32, #tpu.memory_space<hbm>> -> memref<32x16x128xf32, #tpu.memory_space<hbm>>
      tpu.wait_dma2 semaphore(%run_scoped3A : memref<!tpu.dma_semaphore, #tpu.memory_space<semaphore_mem>>) src(%arg16 : memref<32x16x128xf32, #tpu.memory_space<vmem>>) dst(%dma_wait3A_925 : memref<32x16x128xf32, #tpu.memory_space<hbm>>)
      tpu.yield
    }) : () -> ()
    tpu.vector_store_idx %arg16[%min3A_107, %iota3A, %min3A_41], %broadcast_in_dim3A_5 masked %and3A_98 : memref<32x16x128xf32, #tpu.memory_space<vmem>>[vector<16xi32>, vector<16xi32>, vector<16xi32>], vector<16xf32>, vector<16xi1>
    %get3A_110 = arith.constant 1 : i32
    %get3A_111 = arith.index_cast %get3A_110 : i32 to index
    %get3A_112 = arith.constant 0 : index
    %get3A_113 = tpu.vector_load %arg10[%get3A_111, %get3A_112] {strides = array<i32>} : memref<8x16xf32, #tpu.memory_space<vmem>>, vector<16xf32>,
    %get3A_114 = arith.constant 1 : i32
    %get3A_115 = arith.index_cast %get3A_114 : i32 to index
    %get3A_116 = arith.constant 0 : index
    %get3A_117 = tpu.vector_load %arg11[%get3A_115, %get3A_116] {strides = array<i32>} : memref<8x16xf32, #tpu.memory_space<vmem>>, vector<16xf32>,
    %get3A_118 = arith.constant 1 : i32
    %get3A_119 = arith.index_cast %get3A_118 : i32 to index
    %get3A_120 = arith.constant 0 : index
    %get3A_121 = tpu.vector_load %arg12[%get3A_119, %get3A_120] {strides = array<i32>} : memref<8x16xf32, #tpu.memory_space<vmem>>, vector<16xf32>,
    %div3A_122 = arith.divf %get3A_117, %get3A_121 : vector<16xf32>
    %get3A_123 = arith.constant 1 : i32
    %get3A_124 = arith.index_cast %get3A_123 : i32 to index
    %get3A_125 = arith.constant 0 : index
    %get3A_126 = tpu.vector_load %arg14[%get3A_124, %get3A_125] {strides = array<i32>} : memref<8x16xf32, #tpu.memory_space<vmem>>, vector<16xf32>,
    %add3A_127 = arith.addf %div3A_122, %get3A_126 : vector<16xf32>
    %convert_element_type3A_128 = arith.fptosi %add3A_127 : vector<16xf32> to vector<16xi32>
    %jit3A_129 = arith.constant 0 : i32
    %jit3A_130 = arith.constant 127 : i32
    %max3A_131 = vector.broadcast %jit3A_129 : i32 to vector<16xi32>
    %max3A_132 = arith.maxsi %max3A_131, %convert_element_type3A_128 : vector<16xi32>
    %min3A_133 = vector.broadcast %jit3A_130 : i32 to vector<16xi32>
    %min3A_134 = arith.minsi %min3A_133, %max3A_132 : vector<16xi32>
    %get3A_135 = arith.constant 1 : i32
    %get3A_136 = arith.index_cast %get3A_135 : i32 to index
    %get3A_137 = arith.constant 0 : index
    %get3A_138 = tpu.vector_load %arg13[%get3A_136, %get3A_137] {strides = array<i32>} : memref<8x16xf32, #tpu.memory_space<vmem>>, vector<16xf32>,
    %div3A_139 = arith.divf %get3A_113, %get3A_138 : vector<16xf32>
    %get3A_140 = arith.constant 1 : i32
    %get3A_141 = arith.index_cast %get3A_140 : i32 to index
    %get3A_142 = arith.constant 0 : index
    %get3A_143 = tpu.vector_load %arg15[%get3A_141, %get3A_142] {strides = array<i32>} : memref<8x16xf32, #tpu.memory_space<vmem>>, vector<16xf32>,
    %add3A_144 = arith.addf %div3A_139, %get3A_143 : vector<16xf32>
    %convert_element_type3A_145 = arith.fptosi %add3A_144 : vector<16xf32> to vector<16xi32>
    %jit3A_146 = arith.constant 0 : i32
    %jit3A_147 = arith.constant 127 : i32
    %max3A_148 = vector.broadcast %jit3A_146 : i32 to vector<16xi32>
    %max3A_149 = arith.maxsi %max3A_148, %convert_element_type3A_145 : vector<16xi32>
    %min3A_150 = vector.broadcast %jit3A_147 : i32 to vector<16xi32>
    %min3A_151 = arith.minsi %min3A_150, %max3A_149 : vector<16xi32>
    %ge3A_152 = arith.constant 0 : i32
    %ge3A_153 = vector.broadcast %ge3A_152 : i32 to vector<16xi32>
    %ge3A_154 = arith.cmpi sge, %min3A_134, %ge3A_153 : vector<16xi32>
    %lt3A_155 = arith.constant 32 : i32
    %lt3A_156 = vector.broadcast %lt3A_155 : i32 to vector<16xi32>
    %lt3A_157 = arith.cmpi slt, %min3A_134, %lt3A_156 : vector<16xi32>
    %and3A_158 = arith.andi %ge3A_154, %lt3A_157 : vector<16xi1>
    %sub3A_159 = arith.constant 0 : i32
    %sub3A_160 = vector.broadcast %sub3A_159 : i32 to vector<16xi32>
    %sub3A_161 = arith.subi %min3A_134, %sub3A_160 : vector<16xi32>
    %jit3A_162 = arith.constant 0 : i32
    %jit3A_163 = arith.constant 31 : i32
    %max3A_164 = vector.broadcast %jit3A_162 : i32 to vector<16xi32>
    %max3A_165 = arith.maxsi %max3A_164, %sub3A_161 : vector<16xi32>
    %min3A_166 = vector.broadcast %jit3A_163 : i32 to vector<16xi32>
    %min3A_167 = arith.minsi %min3A_166, %max3A_165 : vector<16xi32>
    tpu.vector_store_idx %arg16[%min3A_167, %iota3A, %min3A_151], %broadcast_in_dim3A_3 masked %and3A_158 : memref<32x16x128xf32, #tpu.memory_space<vmem>>[vector<16xi32>, vector<16xi32>, vector<16xi32>], vector<16xf32>, vector<16xi1>
    %add3A_168 = arith.constant 1 : i32
    %add3A_169 = arith.addi %mul3A_2, %add3A_168 : i32
    "tpu.region"() ({
      %run_scoped3A = tpu.sem_alloc : memref<!tpu.dma_semaphore, #tpu.memory_space<semaphore_mem>>
      %dma_start3A = arith.constant 0 : i32
      %dma_start3A_908 = arith.constant 0 : i32
      %dma_start3A_909 = arith.constant 0 : i32
      %dma_start3A_910 = tpu.memref_slice %arg9[%add3A_169, %dma_start3A, %dma_start3A_908, %dma_start3A_909] : memref<256x128x16x128xf32, #tpu.memory_space<hbm>> -> memref<1x32x16x128xf32, #tpu.memory_space<hbm>>
      %dma_start3A_911 = tpu.memref_squeeze %dma_start3A_910 : memref<1x32x16x128xf32, #tpu.memory_space<hbm>> -> memref<32x16x128xf32, #tpu.memory_space<hbm>>
      %dma_start3A_912 = arith.constant 0 : i32
      %dma_start3A_913 = arith.constant 0 : i32
      %dma_start3A_914 = arith.constant 0 : i32
      %dma_start3A_915 = tpu.memref_slice %arg9[%add3A_169, %dma_start3A_912, %dma_start3A_913, %dma_start3A_914] : memref<256x128x16x128xf32, #tpu.memory_space<hbm>> -> memref<1x32x16x128xf32, #tpu.memory_space<hbm>>
      %dma_start3A_916 = tpu.memref_squeeze %dma_start3A_915 : memref<1x32x16x128xf32, #tpu.memory_space<hbm>> -> memref<32x16x128xf32, #tpu.memory_space<hbm>>
      tpu.enqueue_dma source(%arg16 : memref<32x16x128xf32, #tpu.memory_space<vmem>>) target(%dma_start3A_916 : memref<32x16x128xf32, #tpu.memory_space<hbm>>) target_semaphore(%run_scoped3A : memref<!tpu.dma_semaphore, #tpu.memory_space<semaphore_mem>>)
      %dma_wait3A = arith.constant 0 : i32
      %dma_wait3A_917 = arith.constant 0 : i32
      %dma_wait3A_918 = arith.constant 0 : i32
      %dma_wait3A_919 = tpu.memref_slice %arg9[%add3A_169, %dma_wait3A, %dma_wait3A_917, %dma_wait3A_918] : memref<256x128x16x128xf32, #tpu.memory_space<hbm>> -> memref<1x32x16x128xf32, #tpu.memory_space<hbm>>
      %dma_wait3A_920 = tpu.memref_squeeze %dma_wait3A_919 : memref<1x32x16x128xf32, #tpu.memory_space<hbm>> -> memref<32x16x128xf32, #tpu.memory_space<hbm>>
      %dma_wait3A_921 = arith.constant 0 : i32
      %dma_wait3A_922 = arith.constant 0 : i32
      %dma_wait3A_923 = arith.constant 0 : i32
      %dma_wait3A_924 = tpu.memref_slice %arg9[%add3A_169, %dma_wait3A_921, %dma_wait3A_922, %dma_wait3A_923] : memref<256x128x16x128xf32, #tpu.memory_space<hbm>> -> memref<1x32x16x128xf32, #tpu.memory_space<hbm>>
      %dma_wait3A_925 = tpu.memref_squeeze %dma_wait3A_924 : memref<1x32x16x128xf32, #tpu.memory_space<hbm>> -> memref<32x16x128xf32, #tpu.memory_space<hbm>>
      tpu.wait_dma2 semaphore(%run_scoped3A : memref<!tpu.dma_semaphore, #tpu.memory_space<semaphore_mem>>) src(%arg16 : memref<32x16x128xf32, #tpu.memory_space<vmem>>) dst(%dma_wait3A_925 : memref<32x16x128xf32, #tpu.memory_space<hbm>>)
      tpu.yield
    }) : () -> ()
    tpu.vector_store_idx %arg16[%min3A_167, %iota3A, %min3A_151], %broadcast_in_dim3A_5 masked %and3A_158 : memref<32x16x128xf32, #tpu.memory_space<vmem>>[vector<16xi32>, vector<16xi32>, vector<16xi32>], vector<16xf32>, vector<16xi1>
    %ge3A_170 = arith.constant 32 : i32
    %ge3A_171 = vector.broadcast %ge3A_170 : i32 to vector<16xi32>
    %ge3A_172 = arith.cmpi sge, %min3A_134, %ge3A_171 : vector<16xi32>
    %lt3A_173 = arith.constant 64 : i32
    %lt3A_174 = vector.broadcast %lt3A_173 : i32 to vector<16xi32>
    %lt3A_175 = arith.cmpi slt, %min3A_134, %lt3A_174 : vector<16xi32>
    %and3A_176 = arith.andi %ge3A_172, %lt3A_175 : vector<16xi1>
    %sub3A_177 = arith.constant 32 : i32
    %sub3A_178 = vector.broadcast %sub3A_177 : i32 to vector<16xi32>
    %sub3A_179 = arith.subi %min3A_134, %sub3A_178 : vector<16xi32>
    %jit3A_180 = arith.constant 0 : i32
    %jit3A_181 = arith.constant 31 : i32
    %max3A_182 = vector.broadcast %jit3A_180 : i32 to vector<16xi32>
    %max3A_183 = arith.maxsi %max3A_182, %sub3A_179 : vector<16xi32>
    %min3A_184 = vector.broadcast %jit3A_181 : i32 to vector<16xi32>
    %min3A_185 = arith.minsi %min3A_184, %max3A_183 : vector<16xi32>
    tpu.vector_store_idx %arg16[%min3A_185, %iota3A, %min3A_151], %broadcast_in_dim3A_3 masked %and3A_176 : memref<32x16x128xf32, #tpu.memory_space<vmem>>[vector<16xi32>, vector<16xi32>, vector<16xi32>], vector<16xf32>, vector<16xi1>
    %add3A_186 = arith.constant 1 : i32
    %add3A_187 = arith.addi %mul3A_2, %add3A_186 : i32
    "tpu.region"() ({
      %run_scoped3A = tpu.sem_alloc : memref<!tpu.dma_semaphore, #tpu.memory_space<semaphore_mem>>
      %dma_start3A = arith.constant 32 : i32
      %dma_start3A_908 = arith.constant 0 : i32
      %dma_start3A_909 = arith.constant 0 : i32
      %dma_start3A_910 = tpu.memref_slice %arg9[%add3A_187, %dma_start3A, %dma_start3A_908, %dma_start3A_909] : memref<256x128x16x128xf32, #tpu.memory_space<hbm>> -> memref<1x32x16x128xf32, #tpu.memory_space<hbm>>
      %dma_start3A_911 = tpu.memref_squeeze %dma_start3A_910 : memref<1x32x16x128xf32, #tpu.memory_space<hbm>> -> memref<32x16x128xf32, #tpu.memory_space<hbm>>
      %dma_start3A_912 = arith.constant 32 : i32
      %dma_start3A_913 = arith.constant 0 : i32
      %dma_start3A_914 = arith.constant 0 : i32
      %dma_start3A_915 = tpu.memref_slice %arg9[%add3A_187, %dma_start3A_912, %dma_start3A_913, %dma_start3A_914] : memref<256x128x16x128xf32, #tpu.memory_space<hbm>> -> memref<1x32x16x128xf32, #tpu.memory_space<hbm>>
      %dma_start3A_916 = tpu.memref_squeeze %dma_start3A_915 : memref<1x32x16x128xf32, #tpu.memory_space<hbm>> -> memref<32x16x128xf32, #tpu.memory_space<hbm>>
      tpu.enqueue_dma source(%arg16 : memref<32x16x128xf32, #tpu.memory_space<vmem>>) target(%dma_start3A_916 : memref<32x16x128xf32, #tpu.memory_space<hbm>>) target_semaphore(%run_scoped3A : memref<!tpu.dma_semaphore, #tpu.memory_space<semaphore_mem>>)
      %dma_wait3A = arith.constant 32 : i32
      %dma_wait3A_917 = arith.constant 0 : i32
      %dma_wait3A_918 = arith.constant 0 : i32
      %dma_wait3A_919 = tpu.memref_slice %arg9[%add3A_187, %dma_wait3A, %dma_wait3A_917, %dma_wait3A_918] : memref<256x128x16x128xf32, #tpu.memory_space<hbm>> -> memref<1x32x16x128xf32, #tpu.memory_space<hbm>>
      %dma_wait3A_920 = tpu.memref_squeeze %dma_wait3A_919 : memref<1x32x16x128xf32, #tpu.memory_space<hbm>> -> memref<32x16x128xf32, #tpu.memory_space<hbm>>
      %dma_wait3A_921 = arith.constant 32 : i32
      %dma_wait3A_922 = arith.constant 0 : i32
      %dma_wait3A_923 = arith.constant 0 : i32
      %dma_wait3A_924 = tpu.memref_slice %arg9[%add3A_187, %dma_wait3A_921, %dma_wait3A_922, %dma_wait3A_923] : memref<256x128x16x128xf32, #tpu.memory_space<hbm>> -> memref<1x32x16x128xf32, #tpu.memory_space<hbm>>
      %dma_wait3A_925 = tpu.memref_squeeze %dma_wait3A_924 : memref<1x32x16x128xf32, #tpu.memory_space<hbm>> -> memref<32x16x128xf32, #tpu.memory_space<hbm>>
      tpu.wait_dma2 semaphore(%run_scoped3A : memref<!tpu.dma_semaphore, #tpu.memory_space<semaphore_mem>>) src(%arg16 : memref<32x16x128xf32, #tpu.memory_space<vmem>>) dst(%dma_wait3A_925 : memref<32x16x128xf32, #tpu.memory_space<hbm>>)
      tpu.yield
    }) : () -> ()
    tpu.vector_store_idx %arg16[%min3A_185, %iota3A, %min3A_151], %broadcast_in_dim3A_5 masked %and3A_176 : memref<32x16x128xf32, #tpu.memory_space<vmem>>[vector<16xi32>, vector<16xi32>, vector<16xi32>], vector<16xf32>, vector<16xi1>
    %ge3A_188 = arith.constant 64 : i32
    %ge3A_189 = vector.broadcast %ge3A_188 : i32 to vector<16xi32>
    %ge3A_190 = arith.cmpi sge, %min3A_134, %ge3A_189 : vector<16xi32>
    %lt3A_191 = arith.constant 96 : i32
    %lt3A_192 = vector.broadcast %lt3A_191 : i32 to vector<16xi32>
    %lt3A_193 = arith.cmpi slt, %min3A_134, %lt3A_192 : vector<16xi32>
    %and3A_194 = arith.andi %ge3A_190, %lt3A_193 : vector<16xi1>
    %sub3A_195 = arith.constant 64 : i32
    %sub3A_196 = vector.broadcast %sub3A_195 : i32 to vector<16xi32>
    %sub3A_197 = arith.subi %min3A_134, %sub3A_196 : vector<16xi32>
    %jit3A_198 = arith.constant 0 : i32
    %jit3A_199 = arith.constant 31 : i32
    %max3A_200 = vector.broadcast %jit3A_198 : i32 to vector<16xi32>
    %max3A_201 = arith.maxsi %max3A_200, %sub3A_197 : vector<16xi32>
    %min3A_202 = vector.broadcast %jit3A_199 : i32 to vector<16xi32>
    %min3A_203 = arith.minsi %min3A_202, %max3A_201 : vector<16xi32>
    tpu.vector_store_idx %arg16[%min3A_203, %iota3A, %min3A_151], %broadcast_in_dim3A_3 masked %and3A_194 : memref<32x16x128xf32, #tpu.memory_space<vmem>>[vector<16xi32>, vector<16xi32>, vector<16xi32>], vector<16xf32>, vector<16xi1>
    %add3A_204 = arith.constant 1 : i32
    %add3A_205 = arith.addi %mul3A_2, %add3A_204 : i32
    "tpu.region"() ({
      %run_scoped3A = tpu.sem_alloc : memref<!tpu.dma_semaphore, #tpu.memory_space<semaphore_mem>>
      %dma_start3A = arith.constant 64 : i32
      %dma_start3A_908 = arith.constant 0 : i32
      %dma_start3A_909 = arith.constant 0 : i32
      %dma_start3A_910 = tpu.memref_slice %arg9[%add3A_205, %dma_start3A, %dma_start3A_908, %dma_start3A_909] : memref<256x128x16x128xf32, #tpu.memory_space<hbm>> -> memref<1x32x16x128xf32, #tpu.memory_space<hbm>>
      %dma_start3A_911 = tpu.memref_squeeze %dma_start3A_910 : memref<1x32x16x128xf32, #tpu.memory_space<hbm>> -> memref<32x16x128xf32, #tpu.memory_space<hbm>>
      %dma_start3A_912 = arith.constant 64 : i32
      %dma_start3A_913 = arith.constant 0 : i32
      %dma_start3A_914 = arith.constant 0 : i32
      %dma_start3A_915 = tpu.memref_slice %arg9[%add3A_205, %dma_start3A_912, %dma_start3A_913, %dma_start3A_914] : memref<256x128x16x128xf32, #tpu.memory_space<hbm>> -> memref<1x32x16x128xf32, #tpu.memory_space<hbm>>
      %dma_start3A_916 = tpu.memref_squeeze %dma_start3A_915 : memref<1x32x16x128xf32, #tpu.memory_space<hbm>> -> memref<32x16x128xf32, #tpu.memory_space<hbm>>
      tpu.enqueue_dma source(%arg16 : memref<32x16x128xf32, #tpu.memory_space<vmem>>) target(%dma_start3A_916 : memref<32x16x128xf32, #tpu.memory_space<hbm>>) target_semaphore(%run_scoped3A : memref<!tpu.dma_semaphore, #tpu.memory_space<semaphore_mem>>)
      %dma_wait3A = arith.constant 64 : i32
      %dma_wait3A_917 = arith.constant 0 : i32
      %dma_wait3A_918 = arith.constant 0 : i32
      %dma_wait3A_919 = tpu.memref_slice %arg9[%add3A_205, %dma_wait3A, %dma_wait3A_917, %dma_wait3A_918] : memref<256x128x16x128xf32, #tpu.memory_space<hbm>> -> memref<1x32x16x128xf32, #tpu.memory_space<hbm>>
      %dma_wait3A_920 = tpu.memref_squeeze %dma_wait3A_919 : memref<1x32x16x128xf32, #tpu.memory_space<hbm>> -> memref<32x16x128xf32, #tpu.memory_space<hbm>>
      %dma_wait3A_921 = arith.constant 64 : i32
      %dma_wait3A_922 = arith.constant 0 : i32
      %dma_wait3A_923 = arith.constant 0 : i32
      %dma_wait3A_924 = tpu.memref_slice %arg9[%add3A_205, %dma_wait3A_921, %dma_wait3A_922, %dma_wait3A_923] : memref<256x128x16x128xf32, #tpu.memory_space<hbm>> -> memref<1x32x16x128xf32, #tpu.memory_space<hbm>>
      %dma_wait3A_925 = tpu.memref_squeeze %dma_wait3A_924 : memref<1x32x16x128xf32, #tpu.memory_space<hbm>> -> memref<32x16x128xf32, #tpu.memory_space<hbm>>
      tpu.wait_dma2 semaphore(%run_scoped3A : memref<!tpu.dma_semaphore, #tpu.memory_space<semaphore_mem>>) src(%arg16 : memref<32x16x128xf32, #tpu.memory_space<vmem>>) dst(%dma_wait3A_925 : memref<32x16x128xf32, #tpu.memory_space<hbm>>)
      tpu.yield
    }) : () -> ()
    tpu.vector_store_idx %arg16[%min3A_203, %iota3A, %min3A_151], %broadcast_in_dim3A_5 masked %and3A_194 : memref<32x16x128xf32, #tpu.memory_space<vmem>>[vector<16xi32>, vector<16xi32>, vector<16xi32>], vector<16xf32>, vector<16xi1>
    %ge3A_206 = arith.constant 96 : i32
    %ge3A_207 = vector.broadcast %ge3A_206 : i32 to vector<16xi32>
    %ge3A_208 = arith.cmpi sge, %min3A_134, %ge3A_207 : vector<16xi32>
    %lt3A_209 = arith.constant 128 : i32
    %lt3A_210 = vector.broadcast %lt3A_209 : i32 to vector<16xi32>
    %lt3A_211 = arith.cmpi slt, %min3A_134, %lt3A_210 : vector<16xi32>
    %and3A_212 = arith.andi %ge3A_208, %lt3A_211 : vector<16xi1>
    %sub3A_213 = arith.constant 96 : i32
    %sub3A_214 = vector.broadcast %sub3A_213 : i32 to vector<16xi32>
    %sub3A_215 = arith.subi %min3A_134, %sub3A_214 : vector<16xi32>
    %jit3A_216 = arith.constant 0 : i32
    %jit3A_217 = arith.constant 31 : i32
    %max3A_218 = vector.broadcast %jit3A_216 : i32 to vector<16xi32>
    %max3A_219 = arith.maxsi %max3A_218, %sub3A_215 : vector<16xi32>
    %min3A_220 = vector.broadcast %jit3A_217 : i32 to vector<16xi32>
    %min3A_221 = arith.minsi %min3A_220, %max3A_219 : vector<16xi32>
    tpu.vector_store_idx %arg16[%min3A_221, %iota3A, %min3A_151], %broadcast_in_dim3A_3 masked %and3A_212 : memref<32x16x128xf32, #tpu.memory_space<vmem>>[vector<16xi32>, vector<16xi32>, vector<16xi32>], vector<16xf32>, vector<16xi1>
    %add3A_222 = arith.constant 1 : i32
    %add3A_223 = arith.addi %mul3A_2, %add3A_222 : i32
    "tpu.region"() ({
      %run_scoped3A = tpu.sem_alloc : memref<!tpu.dma_semaphore, #tpu.memory_space<semaphore_mem>>
      %dma_start3A = arith.constant 96 : i32
      %dma_start3A_908 = arith.constant 0 : i32
      %dma_start3A_909 = arith.constant 0 : i32
      %dma_start3A_910 = tpu.memref_slice %arg9[%add3A_223, %dma_start3A, %dma_start3A_908, %dma_start3A_909] : memref<256x128x16x128xf32, #tpu.memory_space<hbm>> -> memref<1x32x16x128xf32, #tpu.memory_space<hbm>>
      %dma_start3A_911 = tpu.memref_squeeze %dma_start3A_910 : memref<1x32x16x128xf32, #tpu.memory_space<hbm>> -> memref<32x16x128xf32, #tpu.memory_space<hbm>>
      %dma_start3A_912 = arith.constant 96 : i32
      %dma_start3A_913 = arith.constant 0 : i32
      %dma_start3A_914 = arith.constant 0 : i32
      %dma_start3A_915 = tpu.memref_slice %arg9[%add3A_223, %dma_start3A_912, %dma_start3A_913, %dma_start3A_914] : memref<256x128x16x128xf32, #tpu.memory_space<hbm>> -> memref<1x32x16x128xf32, #tpu.memory_space<hbm>>
      %dma_start3A_916 = tpu.memref_squeeze %dma_start3A_915 : memref<1x32x16x128xf32, #tpu.memory_space<hbm>> -> memref<32x16x128xf32, #tpu.memory_space<hbm>>
      tpu.enqueue_dma source(%arg16 : memref<32x16x128xf32, #tpu.memory_space<vmem>>) target(%dma_start3A_916 : memref<32x16x128xf32, #tpu.memory_space<hbm>>) target_semaphore(%run_scoped3A : memref<!tpu.dma_semaphore, #tpu.memory_space<semaphore_mem>>)
      %dma_wait3A = arith.constant 96 : i32
      %dma_wait3A_917 = arith.constant 0 : i32
      %dma_wait3A_918 = arith.constant 0 : i32
      %dma_wait3A_919 = tpu.memref_slice %arg9[%add3A_223, %dma_wait3A, %dma_wait3A_917, %dma_wait3A_918] : memref<256x128x16x128xf32, #tpu.memory_space<hbm>> -> memref<1x32x16x128xf32, #tpu.memory_space<hbm>>
      %dma_wait3A_920 = tpu.memref_squeeze %dma_wait3A_919 : memref<1x32x16x128xf32, #tpu.memory_space<hbm>> -> memref<32x16x128xf32, #tpu.memory_space<hbm>>
      %dma_wait3A_921 = arith.constant 96 : i32
      %dma_wait3A_922 = arith.constant 0 : i32
      %dma_wait3A_923 = arith.constant 0 : i32
      %dma_wait3A_924 = tpu.memref_slice %arg9[%add3A_223, %dma_wait3A_921, %dma_wait3A_922, %dma_wait3A_923] : memref<256x128x16x128xf32, #tpu.memory_space<hbm>> -> memref<1x32x16x128xf32, #tpu.memory_space<hbm>>
      %dma_wait3A_925 = tpu.memref_squeeze %dma_wait3A_924 : memref<1x32x16x128xf32, #tpu.memory_space<hbm>> -> memref<32x16x128xf32, #tpu.memory_space<hbm>>
      tpu.wait_dma2 semaphore(%run_scoped3A : memref<!tpu.dma_semaphore, #tpu.memory_space<semaphore_mem>>) src(%arg16 : memref<32x16x128xf32, #tpu.memory_space<vmem>>) dst(%dma_wait3A_925 : memref<32x16x128xf32, #tpu.memory_space<hbm>>)
      tpu.yield
    }) : () -> ()
    tpu.vector_store_idx %arg16[%min3A_221, %iota3A, %min3A_151], %broadcast_in_dim3A_5 masked %and3A_212 : memref<32x16x128xf32, #tpu.memory_space<vmem>>[vector<16xi32>, vector<16xi32>, vector<16xi32>], vector<16xf32>, vector<16xi1>
    %get3A_224 = arith.constant 2 : i32
    %get3A_225 = arith.index_cast %get3A_224 : i32 to index
    %get3A_226 = arith.constant 0 : index
    %get3A_227 = tpu.vector_load %arg10[%get3A_225, %get3A_226] {strides = array<i32>} : memref<8x16xf32, #tpu.memory_space<vmem>>, vector<16xf32>,
    %get3A_228 = arith.constant 2 : i32
    %get3A_229 = arith.index_cast %get3A_228 : i32 to index
    %get3A_230 = arith.constant 0 : index
    %get3A_231 = tpu.vector_load %arg11[%get3A_229, %get3A_230] {strides = array<i32>} : memref<8x16xf32, #tpu.memory_space<vmem>>, vector<16xf32>,
    %get3A_232 = arith.constant 2 : i32
    %get3A_233 = arith.index_cast %get3A_232 : i32 to index
    %get3A_234 = arith.constant 0 : index
    %get3A_235 = tpu.vector_load %arg12[%get3A_233, %get3A_234] {strides = array<i32>} : memref<8x16xf32, #tpu.memory_space<vmem>>, vector<16xf32>,
    %div3A_236 = arith.divf %get3A_231, %get3A_235 : vector<16xf32>
    %get3A_237 = arith.constant 2 : i32
    %get3A_238 = arith.index_cast %get3A_237 : i32 to index
    %get3A_239 = arith.constant 0 : index
    %get3A_240 = tpu.vector_load %arg14[%get3A_238, %get3A_239] {strides = array<i32>} : memref<8x16xf32, #tpu.memory_space<vmem>>, vector<16xf32>,
    %add3A_241 = arith.addf %div3A_236, %get3A_240 : vector<16xf32>
    %convert_element_type3A_242 = arith.fptosi %add3A_241 : vector<16xf32> to vector<16xi32>
    %jit3A_243 = arith.constant 0 : i32
    %jit3A_244 = arith.constant 127 : i32
    %max3A_245 = vector.broadcast %jit3A_243 : i32 to vector<16xi32>
    %max3A_246 = arith.maxsi %max3A_245, %convert_element_type3A_242 : vector<16xi32>
    %min3A_247 = vector.broadcast %jit3A_244 : i32 to vector<16xi32>
    %min3A_248 = arith.minsi %min3A_247, %max3A_246 : vector<16xi32>
    %get3A_249 = arith.constant 2 : i32
    %get3A_250 = arith.index_cast %get3A_249 : i32 to index
    %get3A_251 = arith.constant 0 : index
    %get3A_252 = tpu.vector_load %arg13[%get3A_250, %get3A_251] {strides = array<i32>} : memref<8x16xf32, #tpu.memory_space<vmem>>, vector<16xf32>,
    %div3A_253 = arith.divf %get3A_227, %get3A_252 : vector<16xf32>
    %get3A_254 = arith.constant 2 : i32
    %get3A_255 = arith.index_cast %get3A_254 : i32 to index
    %get3A_256 = arith.constant 0 : index
    %get3A_257 = tpu.vector_load %arg15[%get3A_255, %get3A_256] {strides = array<i32>} : memref<8x16xf32, #tpu.memory_space<vmem>>, vector<16xf32>,
    %add3A_258 = arith.addf %div3A_253, %get3A_257 : vector<16xf32>
    %convert_element_type3A_259 = arith.fptosi %add3A_258 : vector<16xf32> to vector<16xi32>
    %jit3A_260 = arith.constant 0 : i32
    %jit3A_261 = arith.constant 127 : i32
    %max3A_262 = vector.broadcast %jit3A_260 : i32 to vector<16xi32>
    %max3A_263 = arith.maxsi %max3A_262, %convert_element_type3A_259 : vector<16xi32>
    %min3A_264 = vector.broadcast %jit3A_261 : i32 to vector<16xi32>
    %min3A_265 = arith.minsi %min3A_264, %max3A_263 : vector<16xi32>
    %ge3A_266 = arith.constant 0 : i32
    %ge3A_267 = vector.broadcast %ge3A_266 : i32 to vector<16xi32>
    %ge3A_268 = arith.cmpi sge, %min3A_248, %ge3A_267 : vector<16xi32>
    %lt3A_269 = arith.constant 32 : i32
    %lt3A_270 = vector.broadcast %lt3A_269 : i32 to vector<16xi32>
    %lt3A_271 = arith.cmpi slt, %min3A_248, %lt3A_270 : vector<16xi32>
    %and3A_272 = arith.andi %ge3A_268, %lt3A_271 : vector<16xi1>
    %sub3A_273 = arith.constant 0 : i32
    %sub3A_274 = vector.broadcast %sub3A_273 : i32 to vector<16xi32>
    %sub3A_275 = arith.subi %min3A_248, %sub3A_274 : vector<16xi32>
    %jit3A_276 = arith.constant 0 : i32
    %jit3A_277 = arith.constant 31 : i32
    %max3A_278 = vector.broadcast %jit3A_276 : i32 to vector<16xi32>
    %max3A_279 = arith.maxsi %max3A_278, %sub3A_275 : vector<16xi32>
    %min3A_280 = vector.broadcast %jit3A_277 : i32 to vector<16xi32>
    %min3A_281 = arith.minsi %min3A_280, %max3A_279 : vector<16xi32>
    tpu.vector_store_idx %arg16[%min3A_281, %iota3A, %min3A_265], %broadcast_in_dim3A_3 masked %and3A_272 : memref<32x16x128xf32, #tpu.memory_space<vmem>>[vector<16xi32>, vector<16xi32>, vector<16xi32>], vector<16xf32>, vector<16xi1>
    %add3A_282 = arith.constant 2 : i32
    %add3A_283 = arith.addi %mul3A_2, %add3A_282 : i32
    "tpu.region"() ({
      %run_scoped3A = tpu.sem_alloc : memref<!tpu.dma_semaphore, #tpu.memory_space<semaphore_mem>>
      %dma_start3A = arith.constant 0 : i32
      %dma_start3A_908 = arith.constant 0 : i32
      %dma_start3A_909 = arith.constant 0 : i32
      %dma_start3A_910 = tpu.memref_slice %arg9[%add3A_283, %dma_start3A, %dma_start3A_908, %dma_start3A_909] : memref<256x128x16x128xf32, #tpu.memory_space<hbm>> -> memref<1x32x16x128xf32, #tpu.memory_space<hbm>>
      %dma_start3A_911 = tpu.memref_squeeze %dma_start3A_910 : memref<1x32x16x128xf32, #tpu.memory_space<hbm>> -> memref<32x16x128xf32, #tpu.memory_space<hbm>>
      %dma_start3A_912 = arith.constant 0 : i32
      %dma_start3A_913 = arith.constant 0 : i32
      %dma_start3A_914 = arith.constant 0 : i32
      %dma_start3A_915 = tpu.memref_slice %arg9[%add3A_283, %dma_start3A_912, %dma_start3A_913, %dma_start3A_914] : memref<256x128x16x128xf32, #tpu.memory_space<hbm>> -> memref<1x32x16x128xf32, #tpu.memory_space<hbm>>
      %dma_start3A_916 = tpu.memref_squeeze %dma_start3A_915 : memref<1x32x16x128xf32, #tpu.memory_space<hbm>> -> memref<32x16x128xf32, #tpu.memory_space<hbm>>
      tpu.enqueue_dma source(%arg16 : memref<32x16x128xf32, #tpu.memory_space<vmem>>) target(%dma_start3A_916 : memref<32x16x128xf32, #tpu.memory_space<hbm>>) target_semaphore(%run_scoped3A : memref<!tpu.dma_semaphore, #tpu.memory_space<semaphore_mem>>)
      %dma_wait3A = arith.constant 0 : i32
      %dma_wait3A_917 = arith.constant 0 : i32
      %dma_wait3A_918 = arith.constant 0 : i32
      %dma_wait3A_919 = tpu.memref_slice %arg9[%add3A_283, %dma_wait3A, %dma_wait3A_917, %dma_wait3A_918] : memref<256x128x16x128xf32, #tpu.memory_space<hbm>> -> memref<1x32x16x128xf32, #tpu.memory_space<hbm>>
      %dma_wait3A_920 = tpu.memref_squeeze %dma_wait3A_919 : memref<1x32x16x128xf32, #tpu.memory_space<hbm>> -> memref<32x16x128xf32, #tpu.memory_space<hbm>>
      %dma_wait3A_921 = arith.constant 0 : i32
      %dma_wait3A_922 = arith.constant 0 : i32
      %dma_wait3A_923 = arith.constant 0 : i32
      %dma_wait3A_924 = tpu.memref_slice %arg9[%add3A_283, %dma_wait3A_921, %dma_wait3A_922, %dma_wait3A_923] : memref<256x128x16x128xf32, #tpu.memory_space<hbm>> -> memref<1x32x16x128xf32, #tpu.memory_space<hbm>>
      %dma_wait3A_925 = tpu.memref_squeeze %dma_wait3A_924 : memref<1x32x16x128xf32, #tpu.memory_space<hbm>> -> memref<32x16x128xf32, #tpu.memory_space<hbm>>
      tpu.wait_dma2 semaphore(%run_scoped3A : memref<!tpu.dma_semaphore, #tpu.memory_space<semaphore_mem>>) src(%arg16 : memref<32x16x128xf32, #tpu.memory_space<vmem>>) dst(%dma_wait3A_925 : memref<32x16x128xf32, #tpu.memory_space<hbm>>)
      tpu.yield
    }) : () -> ()
    tpu.vector_store_idx %arg16[%min3A_281, %iota3A, %min3A_265], %broadcast_in_dim3A_5 masked %and3A_272 : memref<32x16x128xf32, #tpu.memory_space<vmem>>[vector<16xi32>, vector<16xi32>, vector<16xi32>], vector<16xf32>, vector<16xi1>
    %ge3A_284 = arith.constant 32 : i32
    %ge3A_285 = vector.broadcast %ge3A_284 : i32 to vector<16xi32>
    %ge3A_286 = arith.cmpi sge, %min3A_248, %ge3A_285 : vector<16xi32>
    %lt3A_287 = arith.constant 64 : i32
    %lt3A_288 = vector.broadcast %lt3A_287 : i32 to vector<16xi32>
    %lt3A_289 = arith.cmpi slt, %min3A_248, %lt3A_288 : vector<16xi32>
    %and3A_290 = arith.andi %ge3A_286, %lt3A_289 : vector<16xi1>
    %sub3A_291 = arith.constant 32 : i32
    %sub3A_292 = vector.broadcast %sub3A_291 : i32 to vector<16xi32>
    %sub3A_293 = arith.subi %min3A_248, %sub3A_292 : vector<16xi32>
    %jit3A_294 = arith.constant 0 : i32
    %jit3A_295 = arith.constant 31 : i32
    %max3A_296 = vector.broadcast %jit3A_294 : i32 to vector<16xi32>
    %max3A_297 = arith.maxsi %max3A_296, %sub3A_293 : vector<16xi32>
    %min3A_298 = vector.broadcast %jit3A_295 : i32 to vector<16xi32>
    %min3A_299 = arith.minsi %min3A_298, %max3A_297 : vector<16xi32>
    tpu.vector_store_idx %arg16[%min3A_299, %iota3A, %min3A_265], %broadcast_in_dim3A_3 masked %and3A_290 : memref<32x16x128xf32, #tpu.memory_space<vmem>>[vector<16xi32>, vector<16xi32>, vector<16xi32>], vector<16xf32>, vector<16xi1>
    %add3A_300 = arith.constant 2 : i32
    %add3A_301 = arith.addi %mul3A_2, %add3A_300 : i32
    "tpu.region"() ({
      %run_scoped3A = tpu.sem_alloc : memref<!tpu.dma_semaphore, #tpu.memory_space<semaphore_mem>>
      %dma_start3A = arith.constant 32 : i32
      %dma_start3A_908 = arith.constant 0 : i32
      %dma_start3A_909 = arith.constant 0 : i32
      %dma_start3A_910 = tpu.memref_slice %arg9[%add3A_301, %dma_start3A, %dma_start3A_908, %dma_start3A_909] : memref<256x128x16x128xf32, #tpu.memory_space<hbm>> -> memref<1x32x16x128xf32, #tpu.memory_space<hbm>>
      %dma_start3A_911 = tpu.memref_squeeze %dma_start3A_910 : memref<1x32x16x128xf32, #tpu.memory_space<hbm>> -> memref<32x16x128xf32, #tpu.memory_space<hbm>>
      %dma_start3A_912 = arith.constant 32 : i32
      %dma_start3A_913 = arith.constant 0 : i32
      %dma_start3A_914 = arith.constant 0 : i32
      %dma_start3A_915 = tpu.memref_slice %arg9[%add3A_301, %dma_start3A_912, %dma_start3A_913, %dma_start3A_914] : memref<256x128x16x128xf32, #tpu.memory_space<hbm>> -> memref<1x32x16x128xf32, #tpu.memory_space<hbm>>
      %dma_start3A_916 = tpu.memref_squeeze %dma_start3A_915 : memref<1x32x16x128xf32, #tpu.memory_space<hbm>> -> memref<32x16x128xf32, #tpu.memory_space<hbm>>
      tpu.enqueue_dma source(%arg16 : memref<32x16x128xf32, #tpu.memory_space<vmem>>) target(%dma_start3A_916 : memref<32x16x128xf32, #tpu.memory_space<hbm>>) target_semaphore(%run_scoped3A : memref<!tpu.dma_semaphore, #tpu.memory_space<semaphore_mem>>)
      %dma_wait3A = arith.constant 32 : i32
      %dma_wait3A_917 = arith.constant 0 : i32
      %dma_wait3A_918 = arith.constant 0 : i32
      %dma_wait3A_919 = tpu.memref_slice %arg9[%add3A_301, %dma_wait3A, %dma_wait3A_917, %dma_wait3A_918] : memref<256x128x16x128xf32, #tpu.memory_space<hbm>> -> memref<1x32x16x128xf32, #tpu.memory_space<hbm>>
      %dma_wait3A_920 = tpu.memref_squeeze %dma_wait3A_919 : memref<1x32x16x128xf32, #tpu.memory_space<hbm>> -> memref<32x16x128xf32, #tpu.memory_space<hbm>>
      %dma_wait3A_921 = arith.constant 32 : i32
      %dma_wait3A_922 = arith.constant 0 : i32
      %dma_wait3A_923 = arith.constant 0 : i32
      %dma_wait3A_924 = tpu.memref_slice %arg9[%add3A_301, %dma_wait3A_921, %dma_wait3A_922, %dma_wait3A_923] : memref<256x128x16x128xf32, #tpu.memory_space<hbm>> -> memref<1x32x16x128xf32, #tpu.memory_space<hbm>>
      %dma_wait3A_925 = tpu.memref_squeeze %dma_wait3A_924 : memref<1x32x16x128xf32, #tpu.memory_space<hbm>> -> memref<32x16x128xf32, #tpu.memory_space<hbm>>
      tpu.wait_dma2 semaphore(%run_scoped3A : memref<!tpu.dma_semaphore, #tpu.memory_space<semaphore_mem>>) src(%arg16 : memref<32x16x128xf32, #tpu.memory_space<vmem>>) dst(%dma_wait3A_925 : memref<32x16x128xf32, #tpu.memory_space<hbm>>)
      tpu.yield
    }) : () -> ()
    tpu.vector_store_idx %arg16[%min3A_299, %iota3A, %min3A_265], %broadcast_in_dim3A_5 masked %and3A_290 : memref<32x16x128xf32, #tpu.memory_space<vmem>>[vector<16xi32>, vector<16xi32>, vector<16xi32>], vector<16xf32>, vector<16xi1>
    %ge3A_302 = arith.constant 64 : i32
    %ge3A_303 = vector.broadcast %ge3A_302 : i32 to vector<16xi32>
    %ge3A_304 = arith.cmpi sge, %min3A_248, %ge3A_303 : vector<16xi32>
    %lt3A_305 = arith.constant 96 : i32
    %lt3A_306 = vector.broadcast %lt3A_305 : i32 to vector<16xi32>
    %lt3A_307 = arith.cmpi slt, %min3A_248, %lt3A_306 : vector<16xi32>
    %and3A_308 = arith.andi %ge3A_304, %lt3A_307 : vector<16xi1>
    %sub3A_309 = arith.constant 64 : i32
    %sub3A_310 = vector.broadcast %sub3A_309 : i32 to vector<16xi32>
    %sub3A_311 = arith.subi %min3A_248, %sub3A_310 : vector<16xi32>
    %jit3A_312 = arith.constant 0 : i32
    %jit3A_313 = arith.constant 31 : i32
    %max3A_314 = vector.broadcast %jit3A_312 : i32 to vector<16xi32>
    %max3A_315 = arith.maxsi %max3A_314, %sub3A_311 : vector<16xi32>
    %min3A_316 = vector.broadcast %jit3A_313 : i32 to vector<16xi32>
    %min3A_317 = arith.minsi %min3A_316, %max3A_315 : vector<16xi32>
    tpu.vector_store_idx %arg16[%min3A_317, %iota3A, %min3A_265], %broadcast_in_dim3A_3 masked %and3A_308 : memref<32x16x128xf32, #tpu.memory_space<vmem>>[vector<16xi32>, vector<16xi32>, vector<16xi32>], vector<16xf32>, vector<16xi1>
    %add3A_318 = arith.constant 2 : i32
    %add3A_319 = arith.addi %mul3A_2, %add3A_318 : i32
    "tpu.region"() ({
      %run_scoped3A = tpu.sem_alloc : memref<!tpu.dma_semaphore, #tpu.memory_space<semaphore_mem>>
      %dma_start3A = arith.constant 64 : i32
      %dma_start3A_908 = arith.constant 0 : i32
      %dma_start3A_909 = arith.constant 0 : i32
      %dma_start3A_910 = tpu.memref_slice %arg9[%add3A_319, %dma_start3A, %dma_start3A_908, %dma_start3A_909] : memref<256x128x16x128xf32, #tpu.memory_space<hbm>> -> memref<1x32x16x128xf32, #tpu.memory_space<hbm>>
      %dma_start3A_911 = tpu.memref_squeeze %dma_start3A_910 : memref<1x32x16x128xf32, #tpu.memory_space<hbm>> -> memref<32x16x128xf32, #tpu.memory_space<hbm>>
      %dma_start3A_912 = arith.constant 64 : i32
      %dma_start3A_913 = arith.constant 0 : i32
      %dma_start3A_914 = arith.constant 0 : i32
      %dma_start3A_915 = tpu.memref_slice %arg9[%add3A_319, %dma_start3A_912, %dma_start3A_913, %dma_start3A_914] : memref<256x128x16x128xf32, #tpu.memory_space<hbm>> -> memref<1x32x16x128xf32, #tpu.memory_space<hbm>>
      %dma_start3A_916 = tpu.memref_squeeze %dma_start3A_915 : memref<1x32x16x128xf32, #tpu.memory_space<hbm>> -> memref<32x16x128xf32, #tpu.memory_space<hbm>>
      tpu.enqueue_dma source(%arg16 : memref<32x16x128xf32, #tpu.memory_space<vmem>>) target(%dma_start3A_916 : memref<32x16x128xf32, #tpu.memory_space<hbm>>) target_semaphore(%run_scoped3A : memref<!tpu.dma_semaphore, #tpu.memory_space<semaphore_mem>>)
      %dma_wait3A = arith.constant 64 : i32
      %dma_wait3A_917 = arith.constant 0 : i32
      %dma_wait3A_918 = arith.constant 0 : i32
      %dma_wait3A_919 = tpu.memref_slice %arg9[%add3A_319, %dma_wait3A, %dma_wait3A_917, %dma_wait3A_918] : memref<256x128x16x128xf32, #tpu.memory_space<hbm>> -> memref<1x32x16x128xf32, #tpu.memory_space<hbm>>
      %dma_wait3A_920 = tpu.memref_squeeze %dma_wait3A_919 : memref<1x32x16x128xf32, #tpu.memory_space<hbm>> -> memref<32x16x128xf32, #tpu.memory_space<hbm>>
      %dma_wait3A_921 = arith.constant 64 : i32
      %dma_wait3A_922 = arith.constant 0 : i32
      %dma_wait3A_923 = arith.constant 0 : i32
      %dma_wait3A_924 = tpu.memref_slice %arg9[%add3A_319, %dma_wait3A_921, %dma_wait3A_922, %dma_wait3A_923] : memref<256x128x16x128xf32, #tpu.memory_space<hbm>> -> memref<1x32x16x128xf32, #tpu.memory_space<hbm>>
      %dma_wait3A_925 = tpu.memref_squeeze %dma_wait3A_924 : memref<1x32x16x128xf32, #tpu.memory_space<hbm>> -> memref<32x16x128xf32, #tpu.memory_space<hbm>>
      tpu.wait_dma2 semaphore(%run_scoped3A : memref<!tpu.dma_semaphore, #tpu.memory_space<semaphore_mem>>) src(%arg16 : memref<32x16x128xf32, #tpu.memory_space<vmem>>) dst(%dma_wait3A_925 : memref<32x16x128xf32, #tpu.memory_space<hbm>>)
      tpu.yield
    }) : () -> ()
    tpu.vector_store_idx %arg16[%min3A_317, %iota3A, %min3A_265], %broadcast_in_dim3A_5 masked %and3A_308 : memref<32x16x128xf32, #tpu.memory_space<vmem>>[vector<16xi32>, vector<16xi32>, vector<16xi32>], vector<16xf32>, vector<16xi1>
    %ge3A_320 = arith.constant 96 : i32
    %ge3A_321 = vector.broadcast %ge3A_320 : i32 to vector<16xi32>
    %ge3A_322 = arith.cmpi sge, %min3A_248, %ge3A_321 : vector<16xi32>
    %lt3A_323 = arith.constant 128 : i32
    %lt3A_324 = vector.broadcast %lt3A_323 : i32 to vector<16xi32>
    %lt3A_325 = arith.cmpi slt, %min3A_248, %lt3A_324 : vector<16xi32>
    %and3A_326 = arith.andi %ge3A_322, %lt3A_325 : vector<16xi1>
    %sub3A_327 = arith.constant 96 : i32
    %sub3A_328 = vector.broadcast %sub3A_327 : i32 to vector<16xi32>
    %sub3A_329 = arith.subi %min3A_248, %sub3A_328 : vector<16xi32>
    %jit3A_330 = arith.constant 0 : i32
    %jit3A_331 = arith.constant 31 : i32
    %max3A_332 = vector.broadcast %jit3A_330 : i32 to vector<16xi32>
    %max3A_333 = arith.maxsi %max3A_332, %sub3A_329 : vector<16xi32>
    %min3A_334 = vector.broadcast %jit3A_331 : i32 to vector<16xi32>
    %min3A_335 = arith.minsi %min3A_334, %max3A_333 : vector<16xi32>
    tpu.vector_store_idx %arg16[%min3A_335, %iota3A, %min3A_265], %broadcast_in_dim3A_3 masked %and3A_326 : memref<32x16x128xf32, #tpu.memory_space<vmem>>[vector<16xi32>, vector<16xi32>, vector<16xi32>], vector<16xf32>, vector<16xi1>
    %add3A_336 = arith.constant 2 : i32
    %add3A_337 = arith.addi %mul3A_2, %add3A_336 : i32
    "tpu.region"() ({
      %run_scoped3A = tpu.sem_alloc : memref<!tpu.dma_semaphore, #tpu.memory_space<semaphore_mem>>
      %dma_start3A = arith.constant 96 : i32
      %dma_start3A_908 = arith.constant 0 : i32
      %dma_start3A_909 = arith.constant 0 : i32
      %dma_start3A_910 = tpu.memref_slice %arg9[%add3A_337, %dma_start3A, %dma_start3A_908, %dma_start3A_909] : memref<256x128x16x128xf32, #tpu.memory_space<hbm>> -> memref<1x32x16x128xf32, #tpu.memory_space<hbm>>
      %dma_start3A_911 = tpu.memref_squeeze %dma_start3A_910 : memref<1x32x16x128xf32, #tpu.memory_space<hbm>> -> memref<32x16x128xf32, #tpu.memory_space<hbm>>
      %dma_start3A_912 = arith.constant 96 : i32
      %dma_start3A_913 = arith.constant 0 : i32
      %dma_start3A_914 = arith.constant 0 : i32
      %dma_start3A_915 = tpu.memref_slice %arg9[%add3A_337, %dma_start3A_912, %dma_start3A_913, %dma_start3A_914] : memref<256x128x16x128xf32, #tpu.memory_space<hbm>> -> memref<1x32x16x128xf32, #tpu.memory_space<hbm>>
      %dma_start3A_916 = tpu.memref_squeeze %dma_start3A_915 : memref<1x32x16x128xf32, #tpu.memory_space<hbm>> -> memref<32x16x128xf32, #tpu.memory_space<hbm>>
      tpu.enqueue_dma source(%arg16 : memref<32x16x128xf32, #tpu.memory_space<vmem>>) target(%dma_start3A_916 : memref<32x16x128xf32, #tpu.memory_space<hbm>>) target_semaphore(%run_scoped3A : memref<!tpu.dma_semaphore, #tpu.memory_space<semaphore_mem>>)
      %dma_wait3A = arith.constant 96 : i32
      %dma_wait3A_917 = arith.constant 0 : i32
      %dma_wait3A_918 = arith.constant 0 : i32
      %dma_wait3A_919 = tpu.memref_slice %arg9[%add3A_337, %dma_wait3A, %dma_wait3A_917, %dma_wait3A_918] : memref<256x128x16x128xf32, #tpu.memory_space<hbm>> -> memref<1x32x16x128xf32, #tpu.memory_space<hbm>>
      %dma_wait3A_920 = tpu.memref_squeeze %dma_wait3A_919 : memref<1x32x16x128xf32, #tpu.memory_space<hbm>> -> memref<32x16x128xf32, #tpu.memory_space<hbm>>
      %dma_wait3A_921 = arith.constant 96 : i32
      %dma_wait3A_922 = arith.constant 0 : i32
      %dma_wait3A_923 = arith.constant 0 : i32
      %dma_wait3A_924 = tpu.memref_slice %arg9[%add3A_337, %dma_wait3A_921, %dma_wait3A_922, %dma_wait3A_923] : memref<256x128x16x128xf32, #tpu.memory_space<hbm>> -> memref<1x32x16x128xf32, #tpu.memory_space<hbm>>
      %dma_wait3A_925 = tpu.memref_squeeze %dma_wait3A_924 : memref<1x32x16x128xf32, #tpu.memory_space<hbm>> -> memref<32x16x128xf32, #tpu.memory_space<hbm>>
      tpu.wait_dma2 semaphore(%run_scoped3A : memref<!tpu.dma_semaphore, #tpu.memory_space<semaphore_mem>>) src(%arg16 : memref<32x16x128xf32, #tpu.memory_space<vmem>>) dst(%dma_wait3A_925 : memref<32x16x128xf32, #tpu.memory_space<hbm>>)
      tpu.yield
    }) : () -> ()
    tpu.vector_store_idx %arg16[%min3A_335, %iota3A, %min3A_265], %broadcast_in_dim3A_5 masked %and3A_326 : memref<32x16x128xf32, #tpu.memory_space<vmem>>[vector<16xi32>, vector<16xi32>, vector<16xi32>], vector<16xf32>, vector<16xi1>
    %get3A_338 = arith.constant 3 : i32
    %get3A_339 = arith.index_cast %get3A_338 : i32 to index
    %get3A_340 = arith.constant 0 : index
    %get3A_341 = tpu.vector_load %arg10[%get3A_339, %get3A_340] {strides = array<i32>} : memref<8x16xf32, #tpu.memory_space<vmem>>, vector<16xf32>,
    %get3A_342 = arith.constant 3 : i32
    %get3A_343 = arith.index_cast %get3A_342 : i32 to index
    %get3A_344 = arith.constant 0 : index
    %get3A_345 = tpu.vector_load %arg11[%get3A_343, %get3A_344] {strides = array<i32>} : memref<8x16xf32, #tpu.memory_space<vmem>>, vector<16xf32>,
    %get3A_346 = arith.constant 3 : i32
    %get3A_347 = arith.index_cast %get3A_346 : i32 to index
    %get3A_348 = arith.constant 0 : index
    %get3A_349 = tpu.vector_load %arg12[%get3A_347, %get3A_348] {strides = array<i32>} : memref<8x16xf32, #tpu.memory_space<vmem>>, vector<16xf32>,
    %div3A_350 = arith.divf %get3A_345, %get3A_349 : vector<16xf32>
    %get3A_351 = arith.constant 3 : i32
    %get3A_352 = arith.index_cast %get3A_351 : i32 to index
    %get3A_353 = arith.constant 0 : index
    %get3A_354 = tpu.vector_load %arg14[%get3A_352, %get3A_353] {strides = array<i32>} : memref<8x16xf32, #tpu.memory_space<vmem>>, vector<16xf32>,
    %add3A_355 = arith.addf %div3A_350, %get3A_354 : vector<16xf32>
    %convert_element_type3A_356 = arith.fptosi %add3A_355 : vector<16xf32> to vector<16xi32>
    %jit3A_357 = arith.constant 0 : i32
    %jit3A_358 = arith.constant 127 : i32
    %max3A_359 = vector.broadcast %jit3A_357 : i32 to vector<16xi32>
    %max3A_360 = arith.maxsi %max3A_359, %convert_element_type3A_356 : vector<16xi32>
    %min3A_361 = vector.broadcast %jit3A_358 : i32 to vector<16xi32>
    %min3A_362 = arith.minsi %min3A_361, %max3A_360 : vector<16xi32>
    %get3A_363 = arith.constant 3 : i32
    %get3A_364 = arith.index_cast %get3A_363 : i32 to index
    %get3A_365 = arith.constant 0 : index
    %get3A_366 = tpu.vector_load %arg13[%get3A_364, %get3A_365] {strides = array<i32>} : memref<8x16xf32, #tpu.memory_space<vmem>>, vector<16xf32>,
    %div3A_367 = arith.divf %get3A_341, %get3A_366 : vector<16xf32>
    %get3A_368 = arith.constant 3 : i32
    %get3A_369 = arith.index_cast %get3A_368 : i32 to index
    %get3A_370 = arith.constant 0 : index
    %get3A_371 = tpu.vector_load %arg15[%get3A_369, %get3A_370] {strides = array<i32>} : memref<8x16xf32, #tpu.memory_space<vmem>>, vector<16xf32>,
    %add3A_372 = arith.addf %div3A_367, %get3A_371 : vector<16xf32>
    %convert_element_type3A_373 = arith.fptosi %add3A_372 : vector<16xf32> to vector<16xi32>
    %jit3A_374 = arith.constant 0 : i32
    %jit3A_375 = arith.constant 127 : i32
    %max3A_376 = vector.broadcast %jit3A_374 : i32 to vector<16xi32>
    %max3A_377 = arith.maxsi %max3A_376, %convert_element_type3A_373 : vector<16xi32>
    %min3A_378 = vector.broadcast %jit3A_375 : i32 to vector<16xi32>
    %min3A_379 = arith.minsi %min3A_378, %max3A_377 : vector<16xi32>
    %ge3A_380 = arith.constant 0 : i32
    %ge3A_381 = vector.broadcast %ge3A_380 : i32 to vector<16xi32>
    %ge3A_382 = arith.cmpi sge, %min3A_362, %ge3A_381 : vector<16xi32>
    %lt3A_383 = arith.constant 32 : i32
    %lt3A_384 = vector.broadcast %lt3A_383 : i32 to vector<16xi32>
    %lt3A_385 = arith.cmpi slt, %min3A_362, %lt3A_384 : vector<16xi32>
    %and3A_386 = arith.andi %ge3A_382, %lt3A_385 : vector<16xi1>
    %sub3A_387 = arith.constant 0 : i32
    %sub3A_388 = vector.broadcast %sub3A_387 : i32 to vector<16xi32>
    %sub3A_389 = arith.subi %min3A_362, %sub3A_388 : vector<16xi32>
    %jit3A_390 = arith.constant 0 : i32
    %jit3A_391 = arith.constant 31 : i32
    %max3A_392 = vector.broadcast %jit3A_390 : i32 to vector<16xi32>
    %max3A_393 = arith.maxsi %max3A_392, %sub3A_389 : vector<16xi32>
    %min3A_394 = vector.broadcast %jit3A_391 : i32 to vector<16xi32>
    %min3A_395 = arith.minsi %min3A_394, %max3A_393 : vector<16xi32>
    tpu.vector_store_idx %arg16[%min3A_395, %iota3A, %min3A_379], %broadcast_in_dim3A_3 masked %and3A_386 : memref<32x16x128xf32, #tpu.memory_space<vmem>>[vector<16xi32>, vector<16xi32>, vector<16xi32>], vector<16xf32>, vector<16xi1>
    %add3A_396 = arith.constant 3 : i32
    %add3A_397 = arith.addi %mul3A_2, %add3A_396 : i32
    "tpu.region"() ({
      %run_scoped3A = tpu.sem_alloc : memref<!tpu.dma_semaphore, #tpu.memory_space<semaphore_mem>>
      %dma_start3A = arith.constant 0 : i32
      %dma_start3A_908 = arith.constant 0 : i32
      %dma_start3A_909 = arith.constant 0 : i32
      %dma_start3A_910 = tpu.memref_slice %arg9[%add3A_397, %dma_start3A, %dma_start3A_908, %dma_start3A_909] : memref<256x128x16x128xf32, #tpu.memory_space<hbm>> -> memref<1x32x16x128xf32, #tpu.memory_space<hbm>>
      %dma_start3A_911 = tpu.memref_squeeze %dma_start3A_910 : memref<1x32x16x128xf32, #tpu.memory_space<hbm>> -> memref<32x16x128xf32, #tpu.memory_space<hbm>>
      %dma_start3A_912 = arith.constant 0 : i32
      %dma_start3A_913 = arith.constant 0 : i32
      %dma_start3A_914 = arith.constant 0 : i32
      %dma_start3A_915 = tpu.memref_slice %arg9[%add3A_397, %dma_start3A_912, %dma_start3A_913, %dma_start3A_914] : memref<256x128x16x128xf32, #tpu.memory_space<hbm>> -> memref<1x32x16x128xf32, #tpu.memory_space<hbm>>
      %dma_start3A_916 = tpu.memref_squeeze %dma_start3A_915 : memref<1x32x16x128xf32, #tpu.memory_space<hbm>> -> memref<32x16x128xf32, #tpu.memory_space<hbm>>
      tpu.enqueue_dma source(%arg16 : memref<32x16x128xf32, #tpu.memory_space<vmem>>) target(%dma_start3A_916 : memref<32x16x128xf32, #tpu.memory_space<hbm>>) target_semaphore(%run_scoped3A : memref<!tpu.dma_semaphore, #tpu.memory_space<semaphore_mem>>)
      %dma_wait3A = arith.constant 0 : i32
      %dma_wait3A_917 = arith.constant 0 : i32
      %dma_wait3A_918 = arith.constant 0 : i32
      %dma_wait3A_919 = tpu.memref_slice %arg9[%add3A_397, %dma_wait3A, %dma_wait3A_917, %dma_wait3A_918] : memref<256x128x16x128xf32, #tpu.memory_space<hbm>> -> memref<1x32x16x128xf32, #tpu.memory_space<hbm>>
      %dma_wait3A_920 = tpu.memref_squeeze %dma_wait3A_919 : memref<1x32x16x128xf32, #tpu.memory_space<hbm>> -> memref<32x16x128xf32, #tpu.memory_space<hbm>>
      %dma_wait3A_921 = arith.constant 0 : i32
      %dma_wait3A_922 = arith.constant 0 : i32
      %dma_wait3A_923 = arith.constant 0 : i32
      %dma_wait3A_924 = tpu.memref_slice %arg9[%add3A_397, %dma_wait3A_921, %dma_wait3A_922, %dma_wait3A_923] : memref<256x128x16x128xf32, #tpu.memory_space<hbm>> -> memref<1x32x16x128xf32, #tpu.memory_space<hbm>>
      %dma_wait3A_925 = tpu.memref_squeeze %dma_wait3A_924 : memref<1x32x16x128xf32, #tpu.memory_space<hbm>> -> memref<32x16x128xf32, #tpu.memory_space<hbm>>
      tpu.wait_dma2 semaphore(%run_scoped3A : memref<!tpu.dma_semaphore, #tpu.memory_space<semaphore_mem>>) src(%arg16 : memref<32x16x128xf32, #tpu.memory_space<vmem>>) dst(%dma_wait3A_925 : memref<32x16x128xf32, #tpu.memory_space<hbm>>)
      tpu.yield
    }) : () -> ()
    tpu.vector_store_idx %arg16[%min3A_395, %iota3A, %min3A_379], %broadcast_in_dim3A_5 masked %and3A_386 : memref<32x16x128xf32, #tpu.memory_space<vmem>>[vector<16xi32>, vector<16xi32>, vector<16xi32>], vector<16xf32>, vector<16xi1>
    %ge3A_398 = arith.constant 32 : i32
    %ge3A_399 = vector.broadcast %ge3A_398 : i32 to vector<16xi32>
    %ge3A_400 = arith.cmpi sge, %min3A_362, %ge3A_399 : vector<16xi32>
    %lt3A_401 = arith.constant 64 : i32
    %lt3A_402 = vector.broadcast %lt3A_401 : i32 to vector<16xi32>
    %lt3A_403 = arith.cmpi slt, %min3A_362, %lt3A_402 : vector<16xi32>
    %and3A_404 = arith.andi %ge3A_400, %lt3A_403 : vector<16xi1>
    %sub3A_405 = arith.constant 32 : i32
    %sub3A_406 = vector.broadcast %sub3A_405 : i32 to vector<16xi32>
    %sub3A_407 = arith.subi %min3A_362, %sub3A_406 : vector<16xi32>
    %jit3A_408 = arith.constant 0 : i32
    %jit3A_409 = arith.constant 31 : i32
    %max3A_410 = vector.broadcast %jit3A_408 : i32 to vector<16xi32>
    %max3A_411 = arith.maxsi %max3A_410, %sub3A_407 : vector<16xi32>
    %min3A_412 = vector.broadcast %jit3A_409 : i32 to vector<16xi32>
    %min3A_413 = arith.minsi %min3A_412, %max3A_411 : vector<16xi32>
    tpu.vector_store_idx %arg16[%min3A_413, %iota3A, %min3A_379], %broadcast_in_dim3A_3 masked %and3A_404 : memref<32x16x128xf32, #tpu.memory_space<vmem>>[vector<16xi32>, vector<16xi32>, vector<16xi32>], vector<16xf32>, vector<16xi1>
    %add3A_414 = arith.constant 3 : i32
    %add3A_415 = arith.addi %mul3A_2, %add3A_414 : i32
    "tpu.region"() ({
      %run_scoped3A = tpu.sem_alloc : memref<!tpu.dma_semaphore, #tpu.memory_space<semaphore_mem>>
      %dma_start3A = arith.constant 32 : i32
      %dma_start3A_908 = arith.constant 0 : i32
      %dma_start3A_909 = arith.constant 0 : i32
      %dma_start3A_910 = tpu.memref_slice %arg9[%add3A_415, %dma_start3A, %dma_start3A_908, %dma_start3A_909] : memref<256x128x16x128xf32, #tpu.memory_space<hbm>> -> memref<1x32x16x128xf32, #tpu.memory_space<hbm>>
      %dma_start3A_911 = tpu.memref_squeeze %dma_start3A_910 : memref<1x32x16x128xf32, #tpu.memory_space<hbm>> -> memref<32x16x128xf32, #tpu.memory_space<hbm>>
      %dma_start3A_912 = arith.constant 32 : i32
      %dma_start3A_913 = arith.constant 0 : i32
      %dma_start3A_914 = arith.constant 0 : i32
      %dma_start3A_915 = tpu.memref_slice %arg9[%add3A_415, %dma_start3A_912, %dma_start3A_913, %dma_start3A_914] : memref<256x128x16x128xf32, #tpu.memory_space<hbm>> -> memref<1x32x16x128xf32, #tpu.memory_space<hbm>>
      %dma_start3A_916 = tpu.memref_squeeze %dma_start3A_915 : memref<1x32x16x128xf32, #tpu.memory_space<hbm>> -> memref<32x16x128xf32, #tpu.memory_space<hbm>>
      tpu.enqueue_dma source(%arg16 : memref<32x16x128xf32, #tpu.memory_space<vmem>>) target(%dma_start3A_916 : memref<32x16x128xf32, #tpu.memory_space<hbm>>) target_semaphore(%run_scoped3A : memref<!tpu.dma_semaphore, #tpu.memory_space<semaphore_mem>>)
      %dma_wait3A = arith.constant 32 : i32
      %dma_wait3A_917 = arith.constant 0 : i32
      %dma_wait3A_918 = arith.constant 0 : i32
      %dma_wait3A_919 = tpu.memref_slice %arg9[%add3A_415, %dma_wait3A, %dma_wait3A_917, %dma_wait3A_918] : memref<256x128x16x128xf32, #tpu.memory_space<hbm>> -> memref<1x32x16x128xf32, #tpu.memory_space<hbm>>
      %dma_wait3A_920 = tpu.memref_squeeze %dma_wait3A_919 : memref<1x32x16x128xf32, #tpu.memory_space<hbm>> -> memref<32x16x128xf32, #tpu.memory_space<hbm>>
      %dma_wait3A_921 = arith.constant 32 : i32
      %dma_wait3A_922 = arith.constant 0 : i32
      %dma_wait3A_923 = arith.constant 0 : i32
      %dma_wait3A_924 = tpu.memref_slice %arg9[%add3A_415, %dma_wait3A_921, %dma_wait3A_922, %dma_wait3A_923] : memref<256x128x16x128xf32, #tpu.memory_space<hbm>> -> memref<1x32x16x128xf32, #tpu.memory_space<hbm>>
      %dma_wait3A_925 = tpu.memref_squeeze %dma_wait3A_924 : memref<1x32x16x128xf32, #tpu.memory_space<hbm>> -> memref<32x16x128xf32, #tpu.memory_space<hbm>>
      tpu.wait_dma2 semaphore(%run_scoped3A : memref<!tpu.dma_semaphore, #tpu.memory_space<semaphore_mem>>) src(%arg16 : memref<32x16x128xf32, #tpu.memory_space<vmem>>) dst(%dma_wait3A_925 : memref<32x16x128xf32, #tpu.memory_space<hbm>>)
      tpu.yield
    }) : () -> ()
    tpu.vector_store_idx %arg16[%min3A_413, %iota3A, %min3A_379], %broadcast_in_dim3A_5 masked %and3A_404 : memref<32x16x128xf32, #tpu.memory_space<vmem>>[vector<16xi32>, vector<16xi32>, vector<16xi32>], vector<16xf32>, vector<16xi1>
    %ge3A_416 = arith.constant 64 : i32
    %ge3A_417 = vector.broadcast %ge3A_416 : i32 to vector<16xi32>
    %ge3A_418 = arith.cmpi sge, %min3A_362, %ge3A_417 : vector<16xi32>
    %lt3A_419 = arith.constant 96 : i32
    %lt3A_420 = vector.broadcast %lt3A_419 : i32 to vector<16xi32>
    %lt3A_421 = arith.cmpi slt, %min3A_362, %lt3A_420 : vector<16xi32>
    %and3A_422 = arith.andi %ge3A_418, %lt3A_421 : vector<16xi1>
    %sub3A_423 = arith.constant 64 : i32
    %sub3A_424 = vector.broadcast %sub3A_423 : i32 to vector<16xi32>
    %sub3A_425 = arith.subi %min3A_362, %sub3A_424 : vector<16xi32>
    %jit3A_426 = arith.constant 0 : i32
    %jit3A_427 = arith.constant 31 : i32
    %max3A_428 = vector.broadcast %jit3A_426 : i32 to vector<16xi32>
    %max3A_429 = arith.maxsi %max3A_428, %sub3A_425 : vector<16xi32>
    %min3A_430 = vector.broadcast %jit3A_427 : i32 to vector<16xi32>
    %min3A_431 = arith.minsi %min3A_430, %max3A_429 : vector<16xi32>
    tpu.vector_store_idx %arg16[%min3A_431, %iota3A, %min3A_379], %broadcast_in_dim3A_3 masked %and3A_422 : memref<32x16x128xf32, #tpu.memory_space<vmem>>[vector<16xi32>, vector<16xi32>, vector<16xi32>], vector<16xf32>, vector<16xi1>
    %add3A_432 = arith.constant 3 : i32
    %add3A_433 = arith.addi %mul3A_2, %add3A_432 : i32
    "tpu.region"() ({
      %run_scoped3A = tpu.sem_alloc : memref<!tpu.dma_semaphore, #tpu.memory_space<semaphore_mem>>
      %dma_start3A = arith.constant 64 : i32
      %dma_start3A_908 = arith.constant 0 : i32
      %dma_start3A_909 = arith.constant 0 : i32
      %dma_start3A_910 = tpu.memref_slice %arg9[%add3A_433, %dma_start3A, %dma_start3A_908, %dma_start3A_909] : memref<256x128x16x128xf32, #tpu.memory_space<hbm>> -> memref<1x32x16x128xf32, #tpu.memory_space<hbm>>
      %dma_start3A_911 = tpu.memref_squeeze %dma_start3A_910 : memref<1x32x16x128xf32, #tpu.memory_space<hbm>> -> memref<32x16x128xf32, #tpu.memory_space<hbm>>
      %dma_start3A_912 = arith.constant 64 : i32
      %dma_start3A_913 = arith.constant 0 : i32
      %dma_start3A_914 = arith.constant 0 : i32
      %dma_start3A_915 = tpu.memref_slice %arg9[%add3A_433, %dma_start3A_912, %dma_start3A_913, %dma_start3A_914] : memref<256x128x16x128xf32, #tpu.memory_space<hbm>> -> memref<1x32x16x128xf32, #tpu.memory_space<hbm>>
      %dma_start3A_916 = tpu.memref_squeeze %dma_start3A_915 : memref<1x32x16x128xf32, #tpu.memory_space<hbm>> -> memref<32x16x128xf32, #tpu.memory_space<hbm>>
      tpu.enqueue_dma source(%arg16 : memref<32x16x128xf32, #tpu.memory_space<vmem>>) target(%dma_start3A_916 : memref<32x16x128xf32, #tpu.memory_space<hbm>>) target_semaphore(%run_scoped3A : memref<!tpu.dma_semaphore, #tpu.memory_space<semaphore_mem>>)
      %dma_wait3A = arith.constant 64 : i32
      %dma_wait3A_917 = arith.constant 0 : i32
      %dma_wait3A_918 = arith.constant 0 : i32
      %dma_wait3A_919 = tpu.memref_slice %arg9[%add3A_433, %dma_wait3A, %dma_wait3A_917, %dma_wait3A_918] : memref<256x128x16x128xf32, #tpu.memory_space<hbm>> -> memref<1x32x16x128xf32, #tpu.memory_space<hbm>>
      %dma_wait3A_920 = tpu.memref_squeeze %dma_wait3A_919 : memref<1x32x16x128xf32, #tpu.memory_space<hbm>> -> memref<32x16x128xf32, #tpu.memory_space<hbm>>
      %dma_wait3A_921 = arith.constant 64 : i32
      %dma_wait3A_922 = arith.constant 0 : i32
      %dma_wait3A_923 = arith.constant 0 : i32
      %dma_wait3A_924 = tpu.memref_slice %arg9[%add3A_433, %dma_wait3A_921, %dma_wait3A_922, %dma_wait3A_923] : memref<256x128x16x128xf32, #tpu.memory_space<hbm>> -> memref<1x32x16x128xf32, #tpu.memory_space<hbm>>
      %dma_wait3A_925 = tpu.memref_squeeze %dma_wait3A_924 : memref<1x32x16x128xf32, #tpu.memory_space<hbm>> -> memref<32x16x128xf32, #tpu.memory_space<hbm>>
      tpu.wait_dma2 semaphore(%run_scoped3A : memref<!tpu.dma_semaphore, #tpu.memory_space<semaphore_mem>>) src(%arg16 : memref<32x16x128xf32, #tpu.memory_space<vmem>>) dst(%dma_wait3A_925 : memref<32x16x128xf32, #tpu.memory_space<hbm>>)
      tpu.yield
    }) : () -> ()
    tpu.vector_store_idx %arg16[%min3A_431, %iota3A, %min3A_379], %broadcast_in_dim3A_5 masked %and3A_422 : memref<32x16x128xf32, #tpu.memory_space<vmem>>[vector<16xi32>, vector<16xi32>, vector<16xi32>], vector<16xf32>, vector<16xi1>
    %ge3A_434 = arith.constant 96 : i32
    %ge3A_435 = vector.broadcast %ge3A_434 : i32 to vector<16xi32>
    %ge3A_436 = arith.cmpi sge, %min3A_362, %ge3A_435 : vector<16xi32>
    %lt3A_437 = arith.constant 128 : i32
    %lt3A_438 = vector.broadcast %lt3A_437 : i32 to vector<16xi32>
    %lt3A_439 = arith.cmpi slt, %min3A_362, %lt3A_438 : vector<16xi32>
    %and3A_440 = arith.andi %ge3A_436, %lt3A_439 : vector<16xi1>
    %sub3A_441 = arith.constant 96 : i32
    %sub3A_442 = vector.broadcast %sub3A_441 : i32 to vector<16xi32>
    %sub3A_443 = arith.subi %min3A_362, %sub3A_442 : vector<16xi32>
    %jit3A_444 = arith.constant 0 : i32
    %jit3A_445 = arith.constant 31 : i32
    %max3A_446 = vector.broadcast %jit3A_444 : i32 to vector<16xi32>
    %max3A_447 = arith.maxsi %max3A_446, %sub3A_443 : vector<16xi32>
    %min3A_448 = vector.broadcast %jit3A_445 : i32 to vector<16xi32>
    %min3A_449 = arith.minsi %min3A_448, %max3A_447 : vector<16xi32>
    tpu.vector_store_idx %arg16[%min3A_449, %iota3A, %min3A_379], %broadcast_in_dim3A_3 masked %and3A_440 : memref<32x16x128xf32, #tpu.memory_space<vmem>>[vector<16xi32>, vector<16xi32>, vector<16xi32>], vector<16xf32>, vector<16xi1>
    %add3A_450 = arith.constant 3 : i32
    %add3A_451 = arith.addi %mul3A_2, %add3A_450 : i32
    "tpu.region"() ({
      %run_scoped3A = tpu.sem_alloc : memref<!tpu.dma_semaphore, #tpu.memory_space<semaphore_mem>>
      %dma_start3A = arith.constant 96 : i32
      %dma_start3A_908 = arith.constant 0 : i32
      %dma_start3A_909 = arith.constant 0 : i32
      %dma_start3A_910 = tpu.memref_slice %arg9[%add3A_451, %dma_start3A, %dma_start3A_908, %dma_start3A_909] : memref<256x128x16x128xf32, #tpu.memory_space<hbm>> -> memref<1x32x16x128xf32, #tpu.memory_space<hbm>>
      %dma_start3A_911 = tpu.memref_squeeze %dma_start3A_910 : memref<1x32x16x128xf32, #tpu.memory_space<hbm>> -> memref<32x16x128xf32, #tpu.memory_space<hbm>>
      %dma_start3A_912 = arith.constant 96 : i32
      %dma_start3A_913 = arith.constant 0 : i32
      %dma_start3A_914 = arith.constant 0 : i32
      %dma_start3A_915 = tpu.memref_slice %arg9[%add3A_451, %dma_start3A_912, %dma_start3A_913, %dma_start3A_914] : memref<256x128x16x128xf32, #tpu.memory_space<hbm>> -> memref<1x32x16x128xf32, #tpu.memory_space<hbm>>
      %dma_start3A_916 = tpu.memref_squeeze %dma_start3A_915 : memref<1x32x16x128xf32, #tpu.memory_space<hbm>> -> memref<32x16x128xf32, #tpu.memory_space<hbm>>
      tpu.enqueue_dma source(%arg16 : memref<32x16x128xf32, #tpu.memory_space<vmem>>) target(%dma_start3A_916 : memref<32x16x128xf32, #tpu.memory_space<hbm>>) target_semaphore(%run_scoped3A : memref<!tpu.dma_semaphore, #tpu.memory_space<semaphore_mem>>)
      %dma_wait3A = arith.constant 96 : i32
      %dma_wait3A_917 = arith.constant 0 : i32
      %dma_wait3A_918 = arith.constant 0 : i32
      %dma_wait3A_919 = tpu.memref_slice %arg9[%add3A_451, %dma_wait3A, %dma_wait3A_917, %dma_wait3A_918] : memref<256x128x16x128xf32, #tpu.memory_space<hbm>> -> memref<1x32x16x128xf32, #tpu.memory_space<hbm>>
      %dma_wait3A_920 = tpu.memref_squeeze %dma_wait3A_919 : memref<1x32x16x128xf32, #tpu.memory_space<hbm>> -> memref<32x16x128xf32, #tpu.memory_space<hbm>>
      %dma_wait3A_921 = arith.constant 96 : i32
      %dma_wait3A_922 = arith.constant 0 : i32
      %dma_wait3A_923 = arith.constant 0 : i32
      %dma_wait3A_924 = tpu.memref_slice %arg9[%add3A_451, %dma_wait3A_921, %dma_wait3A_922, %dma_wait3A_923] : memref<256x128x16x128xf32, #tpu.memory_space<hbm>> -> memref<1x32x16x128xf32, #tpu.memory_space<hbm>>
      %dma_wait3A_925 = tpu.memref_squeeze %dma_wait3A_924 : memref<1x32x16x128xf32, #tpu.memory_space<hbm>> -> memref<32x16x128xf32, #tpu.memory_space<hbm>>
      tpu.wait_dma2 semaphore(%run_scoped3A : memref<!tpu.dma_semaphore, #tpu.memory_space<semaphore_mem>>) src(%arg16 : memref<32x16x128xf32, #tpu.memory_space<vmem>>) dst(%dma_wait3A_925 : memref<32x16x128xf32, #tpu.memory_space<hbm>>)
      tpu.yield
    }) : () -> ()
    tpu.vector_store_idx %arg16[%min3A_449, %iota3A, %min3A_379], %broadcast_in_dim3A_5 masked %and3A_440 : memref<32x16x128xf32, #tpu.memory_space<vmem>>[vector<16xi32>, vector<16xi32>, vector<16xi32>], vector<16xf32>, vector<16xi1>
    %get3A_452 = arith.constant 4 : i32
    %get3A_453 = arith.index_cast %get3A_452 : i32 to index
    %get3A_454 = arith.constant 0 : index
    %get3A_455 = tpu.vector_load %arg10[%get3A_453, %get3A_454] {strides = array<i32>} : memref<8x16xf32, #tpu.memory_space<vmem>>, vector<16xf32>,
    %get3A_456 = arith.constant 4 : i32
    %get3A_457 = arith.index_cast %get3A_456 : i32 to index
    %get3A_458 = arith.constant 0 : index
    %get3A_459 = tpu.vector_load %arg11[%get3A_457, %get3A_458] {strides = array<i32>} : memref<8x16xf32, #tpu.memory_space<vmem>>, vector<16xf32>,
    %get3A_460 = arith.constant 4 : i32
    %get3A_461 = arith.index_cast %get3A_460 : i32 to index
    %get3A_462 = arith.constant 0 : index
    %get3A_463 = tpu.vector_load %arg12[%get3A_461, %get3A_462] {strides = array<i32>} : memref<8x16xf32, #tpu.memory_space<vmem>>, vector<16xf32>,
    %div3A_464 = arith.divf %get3A_459, %get3A_463 : vector<16xf32>
    %get3A_465 = arith.constant 4 : i32
    %get3A_466 = arith.index_cast %get3A_465 : i32 to index
    %get3A_467 = arith.constant 0 : index
    %get3A_468 = tpu.vector_load %arg14[%get3A_466, %get3A_467] {strides = array<i32>} : memref<8x16xf32, #tpu.memory_space<vmem>>, vector<16xf32>,
    %add3A_469 = arith.addf %div3A_464, %get3A_468 : vector<16xf32>
    %convert_element_type3A_470 = arith.fptosi %add3A_469 : vector<16xf32> to vector<16xi32>
    %jit3A_471 = arith.constant 0 : i32
    %jit3A_472 = arith.constant 127 : i32
    %max3A_473 = vector.broadcast %jit3A_471 : i32 to vector<16xi32>
    %max3A_474 = arith.maxsi %max3A_473, %convert_element_type3A_470 : vector<16xi32>
    %min3A_475 = vector.broadcast %jit3A_472 : i32 to vector<16xi32>
    %min3A_476 = arith.minsi %min3A_475, %max3A_474 : vector<16xi32>
    %get3A_477 = arith.constant 4 : i32
    %get3A_478 = arith.index_cast %get3A_477 : i32 to index
    %get3A_479 = arith.constant 0 : index
    %get3A_480 = tpu.vector_load %arg13[%get3A_478, %get3A_479] {strides = array<i32>} : memref<8x16xf32, #tpu.memory_space<vmem>>, vector<16xf32>,
    %div3A_481 = arith.divf %get3A_455, %get3A_480 : vector<16xf32>
    %get3A_482 = arith.constant 4 : i32
    %get3A_483 = arith.index_cast %get3A_482 : i32 to index
    %get3A_484 = arith.constant 0 : index
    %get3A_485 = tpu.vector_load %arg15[%get3A_483, %get3A_484] {strides = array<i32>} : memref<8x16xf32, #tpu.memory_space<vmem>>, vector<16xf32>,
    %add3A_486 = arith.addf %div3A_481, %get3A_485 : vector<16xf32>
    %convert_element_type3A_487 = arith.fptosi %add3A_486 : vector<16xf32> to vector<16xi32>
    %jit3A_488 = arith.constant 0 : i32
    %jit3A_489 = arith.constant 127 : i32
    %max3A_490 = vector.broadcast %jit3A_488 : i32 to vector<16xi32>
    %max3A_491 = arith.maxsi %max3A_490, %convert_element_type3A_487 : vector<16xi32>
    %min3A_492 = vector.broadcast %jit3A_489 : i32 to vector<16xi32>
    %min3A_493 = arith.minsi %min3A_492, %max3A_491 : vector<16xi32>
    %ge3A_494 = arith.constant 0 : i32
    %ge3A_495 = vector.broadcast %ge3A_494 : i32 to vector<16xi32>
    %ge3A_496 = arith.cmpi sge, %min3A_476, %ge3A_495 : vector<16xi32>
    %lt3A_497 = arith.constant 32 : i32
    %lt3A_498 = vector.broadcast %lt3A_497 : i32 to vector<16xi32>
    %lt3A_499 = arith.cmpi slt, %min3A_476, %lt3A_498 : vector<16xi32>
    %and3A_500 = arith.andi %ge3A_496, %lt3A_499 : vector<16xi1>
    %sub3A_501 = arith.constant 0 : i32
    %sub3A_502 = vector.broadcast %sub3A_501 : i32 to vector<16xi32>
    %sub3A_503 = arith.subi %min3A_476, %sub3A_502 : vector<16xi32>
    %jit3A_504 = arith.constant 0 : i32
    %jit3A_505 = arith.constant 31 : i32
    %max3A_506 = vector.broadcast %jit3A_504 : i32 to vector<16xi32>
    %max3A_507 = arith.maxsi %max3A_506, %sub3A_503 : vector<16xi32>
    %min3A_508 = vector.broadcast %jit3A_505 : i32 to vector<16xi32>
    %min3A_509 = arith.minsi %min3A_508, %max3A_507 : vector<16xi32>
    tpu.vector_store_idx %arg16[%min3A_509, %iota3A, %min3A_493], %broadcast_in_dim3A_3 masked %and3A_500 : memref<32x16x128xf32, #tpu.memory_space<vmem>>[vector<16xi32>, vector<16xi32>, vector<16xi32>], vector<16xf32>, vector<16xi1>
    %add3A_510 = arith.constant 4 : i32
    %add3A_511 = arith.addi %mul3A_2, %add3A_510 : i32
    "tpu.region"() ({
      %run_scoped3A = tpu.sem_alloc : memref<!tpu.dma_semaphore, #tpu.memory_space<semaphore_mem>>
      %dma_start3A = arith.constant 0 : i32
      %dma_start3A_908 = arith.constant 0 : i32
      %dma_start3A_909 = arith.constant 0 : i32
      %dma_start3A_910 = tpu.memref_slice %arg9[%add3A_511, %dma_start3A, %dma_start3A_908, %dma_start3A_909] : memref<256x128x16x128xf32, #tpu.memory_space<hbm>> -> memref<1x32x16x128xf32, #tpu.memory_space<hbm>>
      %dma_start3A_911 = tpu.memref_squeeze %dma_start3A_910 : memref<1x32x16x128xf32, #tpu.memory_space<hbm>> -> memref<32x16x128xf32, #tpu.memory_space<hbm>>
      %dma_start3A_912 = arith.constant 0 : i32
      %dma_start3A_913 = arith.constant 0 : i32
      %dma_start3A_914 = arith.constant 0 : i32
      %dma_start3A_915 = tpu.memref_slice %arg9[%add3A_511, %dma_start3A_912, %dma_start3A_913, %dma_start3A_914] : memref<256x128x16x128xf32, #tpu.memory_space<hbm>> -> memref<1x32x16x128xf32, #tpu.memory_space<hbm>>
      %dma_start3A_916 = tpu.memref_squeeze %dma_start3A_915 : memref<1x32x16x128xf32, #tpu.memory_space<hbm>> -> memref<32x16x128xf32, #tpu.memory_space<hbm>>
      tpu.enqueue_dma source(%arg16 : memref<32x16x128xf32, #tpu.memory_space<vmem>>) target(%dma_start3A_916 : memref<32x16x128xf32, #tpu.memory_space<hbm>>) target_semaphore(%run_scoped3A : memref<!tpu.dma_semaphore, #tpu.memory_space<semaphore_mem>>)
      %dma_wait3A = arith.constant 0 : i32
      %dma_wait3A_917 = arith.constant 0 : i32
      %dma_wait3A_918 = arith.constant 0 : i32
      %dma_wait3A_919 = tpu.memref_slice %arg9[%add3A_511, %dma_wait3A, %dma_wait3A_917, %dma_wait3A_918] : memref<256x128x16x128xf32, #tpu.memory_space<hbm>> -> memref<1x32x16x128xf32, #tpu.memory_space<hbm>>
      %dma_wait3A_920 = tpu.memref_squeeze %dma_wait3A_919 : memref<1x32x16x128xf32, #tpu.memory_space<hbm>> -> memref<32x16x128xf32, #tpu.memory_space<hbm>>
      %dma_wait3A_921 = arith.constant 0 : i32
      %dma_wait3A_922 = arith.constant 0 : i32
      %dma_wait3A_923 = arith.constant 0 : i32
      %dma_wait3A_924 = tpu.memref_slice %arg9[%add3A_511, %dma_wait3A_921, %dma_wait3A_922, %dma_wait3A_923] : memref<256x128x16x128xf32, #tpu.memory_space<hbm>> -> memref<1x32x16x128xf32, #tpu.memory_space<hbm>>
      %dma_wait3A_925 = tpu.memref_squeeze %dma_wait3A_924 : memref<1x32x16x128xf32, #tpu.memory_space<hbm>> -> memref<32x16x128xf32, #tpu.memory_space<hbm>>
      tpu.wait_dma2 semaphore(%run_scoped3A : memref<!tpu.dma_semaphore, #tpu.memory_space<semaphore_mem>>) src(%arg16 : memref<32x16x128xf32, #tpu.memory_space<vmem>>) dst(%dma_wait3A_925 : memref<32x16x128xf32, #tpu.memory_space<hbm>>)
      tpu.yield
    }) : () -> ()
    tpu.vector_store_idx %arg16[%min3A_509, %iota3A, %min3A_493], %broadcast_in_dim3A_5 masked %and3A_500 : memref<32x16x128xf32, #tpu.memory_space<vmem>>[vector<16xi32>, vector<16xi32>, vector<16xi32>], vector<16xf32>, vector<16xi1>
    %ge3A_512 = arith.constant 32 : i32
    %ge3A_513 = vector.broadcast %ge3A_512 : i32 to vector<16xi32>
    %ge3A_514 = arith.cmpi sge, %min3A_476, %ge3A_513 : vector<16xi32>
    %lt3A_515 = arith.constant 64 : i32
    %lt3A_516 = vector.broadcast %lt3A_515 : i32 to vector<16xi32>
    %lt3A_517 = arith.cmpi slt, %min3A_476, %lt3A_516 : vector<16xi32>
    %and3A_518 = arith.andi %ge3A_514, %lt3A_517 : vector<16xi1>
    %sub3A_519 = arith.constant 32 : i32
    %sub3A_520 = vector.broadcast %sub3A_519 : i32 to vector<16xi32>
    %sub3A_521 = arith.subi %min3A_476, %sub3A_520 : vector<16xi32>
    %jit3A_522 = arith.constant 0 : i32
    %jit3A_523 = arith.constant 31 : i32
    %max3A_524 = vector.broadcast %jit3A_522 : i32 to vector<16xi32>
    %max3A_525 = arith.maxsi %max3A_524, %sub3A_521 : vector<16xi32>
    %min3A_526 = vector.broadcast %jit3A_523 : i32 to vector<16xi32>
    %min3A_527 = arith.minsi %min3A_526, %max3A_525 : vector<16xi32>
    tpu.vector_store_idx %arg16[%min3A_527, %iota3A, %min3A_493], %broadcast_in_dim3A_3 masked %and3A_518 : memref<32x16x128xf32, #tpu.memory_space<vmem>>[vector<16xi32>, vector<16xi32>, vector<16xi32>], vector<16xf32>, vector<16xi1>
    %add3A_528 = arith.constant 4 : i32
    %add3A_529 = arith.addi %mul3A_2, %add3A_528 : i32
    "tpu.region"() ({
      %run_scoped3A = tpu.sem_alloc : memref<!tpu.dma_semaphore, #tpu.memory_space<semaphore_mem>>
      %dma_start3A = arith.constant 32 : i32
      %dma_start3A_908 = arith.constant 0 : i32
      %dma_start3A_909 = arith.constant 0 : i32
      %dma_start3A_910 = tpu.memref_slice %arg9[%add3A_529, %dma_start3A, %dma_start3A_908, %dma_start3A_909] : memref<256x128x16x128xf32, #tpu.memory_space<hbm>> -> memref<1x32x16x128xf32, #tpu.memory_space<hbm>>
      %dma_start3A_911 = tpu.memref_squeeze %dma_start3A_910 : memref<1x32x16x128xf32, #tpu.memory_space<hbm>> -> memref<32x16x128xf32, #tpu.memory_space<hbm>>
      %dma_start3A_912 = arith.constant 32 : i32
      %dma_start3A_913 = arith.constant 0 : i32
      %dma_start3A_914 = arith.constant 0 : i32
      %dma_start3A_915 = tpu.memref_slice %arg9[%add3A_529, %dma_start3A_912, %dma_start3A_913, %dma_start3A_914] : memref<256x128x16x128xf32, #tpu.memory_space<hbm>> -> memref<1x32x16x128xf32, #tpu.memory_space<hbm>>
      %dma_start3A_916 = tpu.memref_squeeze %dma_start3A_915 : memref<1x32x16x128xf32, #tpu.memory_space<hbm>> -> memref<32x16x128xf32, #tpu.memory_space<hbm>>
      tpu.enqueue_dma source(%arg16 : memref<32x16x128xf32, #tpu.memory_space<vmem>>) target(%dma_start3A_916 : memref<32x16x128xf32, #tpu.memory_space<hbm>>) target_semaphore(%run_scoped3A : memref<!tpu.dma_semaphore, #tpu.memory_space<semaphore_mem>>)
      %dma_wait3A = arith.constant 32 : i32
      %dma_wait3A_917 = arith.constant 0 : i32
      %dma_wait3A_918 = arith.constant 0 : i32
      %dma_wait3A_919 = tpu.memref_slice %arg9[%add3A_529, %dma_wait3A, %dma_wait3A_917, %dma_wait3A_918] : memref<256x128x16x128xf32, #tpu.memory_space<hbm>> -> memref<1x32x16x128xf32, #tpu.memory_space<hbm>>
      %dma_wait3A_920 = tpu.memref_squeeze %dma_wait3A_919 : memref<1x32x16x128xf32, #tpu.memory_space<hbm>> -> memref<32x16x128xf32, #tpu.memory_space<hbm>>
      %dma_wait3A_921 = arith.constant 32 : i32
      %dma_wait3A_922 = arith.constant 0 : i32
      %dma_wait3A_923 = arith.constant 0 : i32
      %dma_wait3A_924 = tpu.memref_slice %arg9[%add3A_529, %dma_wait3A_921, %dma_wait3A_922, %dma_wait3A_923] : memref<256x128x16x128xf32, #tpu.memory_space<hbm>> -> memref<1x32x16x128xf32, #tpu.memory_space<hbm>>
      %dma_wait3A_925 = tpu.memref_squeeze %dma_wait3A_924 : memref<1x32x16x128xf32, #tpu.memory_space<hbm>> -> memref<32x16x128xf32, #tpu.memory_space<hbm>>
      tpu.wait_dma2 semaphore(%run_scoped3A : memref<!tpu.dma_semaphore, #tpu.memory_space<semaphore_mem>>) src(%arg16 : memref<32x16x128xf32, #tpu.memory_space<vmem>>) dst(%dma_wait3A_925 : memref<32x16x128xf32, #tpu.memory_space<hbm>>)
      tpu.yield
    }) : () -> ()
    tpu.vector_store_idx %arg16[%min3A_527, %iota3A, %min3A_493], %broadcast_in_dim3A_5 masked %and3A_518 : memref<32x16x128xf32, #tpu.memory_space<vmem>>[vector<16xi32>, vector<16xi32>, vector<16xi32>], vector<16xf32>, vector<16xi1>
    %ge3A_530 = arith.constant 64 : i32
    %ge3A_531 = vector.broadcast %ge3A_530 : i32 to vector<16xi32>
    %ge3A_532 = arith.cmpi sge, %min3A_476, %ge3A_531 : vector<16xi32>
    %lt3A_533 = arith.constant 96 : i32
    %lt3A_534 = vector.broadcast %lt3A_533 : i32 to vector<16xi32>
    %lt3A_535 = arith.cmpi slt, %min3A_476, %lt3A_534 : vector<16xi32>
    %and3A_536 = arith.andi %ge3A_532, %lt3A_535 : vector<16xi1>
    %sub3A_537 = arith.constant 64 : i32
    %sub3A_538 = vector.broadcast %sub3A_537 : i32 to vector<16xi32>
    %sub3A_539 = arith.subi %min3A_476, %sub3A_538 : vector<16xi32>
    %jit3A_540 = arith.constant 0 : i32
    %jit3A_541 = arith.constant 31 : i32
    %max3A_542 = vector.broadcast %jit3A_540 : i32 to vector<16xi32>
    %max3A_543 = arith.maxsi %max3A_542, %sub3A_539 : vector<16xi32>
    %min3A_544 = vector.broadcast %jit3A_541 : i32 to vector<16xi32>
    %min3A_545 = arith.minsi %min3A_544, %max3A_543 : vector<16xi32>
    tpu.vector_store_idx %arg16[%min3A_545, %iota3A, %min3A_493], %broadcast_in_dim3A_3 masked %and3A_536 : memref<32x16x128xf32, #tpu.memory_space<vmem>>[vector<16xi32>, vector<16xi32>, vector<16xi32>], vector<16xf32>, vector<16xi1>
    %add3A_546 = arith.constant 4 : i32
    %add3A_547 = arith.addi %mul3A_2, %add3A_546 : i32
    "tpu.region"() ({
      %run_scoped3A = tpu.sem_alloc : memref<!tpu.dma_semaphore, #tpu.memory_space<semaphore_mem>>
      %dma_start3A = arith.constant 64 : i32
      %dma_start3A_908 = arith.constant 0 : i32
      %dma_start3A_909 = arith.constant 0 : i32
      %dma_start3A_910 = tpu.memref_slice %arg9[%add3A_547, %dma_start3A, %dma_start3A_908, %dma_start3A_909] : memref<256x128x16x128xf32, #tpu.memory_space<hbm>> -> memref<1x32x16x128xf32, #tpu.memory_space<hbm>>
      %dma_start3A_911 = tpu.memref_squeeze %dma_start3A_910 : memref<1x32x16x128xf32, #tpu.memory_space<hbm>> -> memref<32x16x128xf32, #tpu.memory_space<hbm>>
      %dma_start3A_912 = arith.constant 64 : i32
      %dma_start3A_913 = arith.constant 0 : i32
      %dma_start3A_914 = arith.constant 0 : i32
      %dma_start3A_915 = tpu.memref_slice %arg9[%add3A_547, %dma_start3A_912, %dma_start3A_913, %dma_start3A_914] : memref<256x128x16x128xf32, #tpu.memory_space<hbm>> -> memref<1x32x16x128xf32, #tpu.memory_space<hbm>>
      %dma_start3A_916 = tpu.memref_squeeze %dma_start3A_915 : memref<1x32x16x128xf32, #tpu.memory_space<hbm>> -> memref<32x16x128xf32, #tpu.memory_space<hbm>>
      tpu.enqueue_dma source(%arg16 : memref<32x16x128xf32, #tpu.memory_space<vmem>>) target(%dma_start3A_916 : memref<32x16x128xf32, #tpu.memory_space<hbm>>) target_semaphore(%run_scoped3A : memref<!tpu.dma_semaphore, #tpu.memory_space<semaphore_mem>>)
      %dma_wait3A = arith.constant 64 : i32
      %dma_wait3A_917 = arith.constant 0 : i32
      %dma_wait3A_918 = arith.constant 0 : i32
      %dma_wait3A_919 = tpu.memref_slice %arg9[%add3A_547, %dma_wait3A, %dma_wait3A_917, %dma_wait3A_918] : memref<256x128x16x128xf32, #tpu.memory_space<hbm>> -> memref<1x32x16x128xf32, #tpu.memory_space<hbm>>
      %dma_wait3A_920 = tpu.memref_squeeze %dma_wait3A_919 : memref<1x32x16x128xf32, #tpu.memory_space<hbm>> -> memref<32x16x128xf32, #tpu.memory_space<hbm>>
      %dma_wait3A_921 = arith.constant 64 : i32
      %dma_wait3A_922 = arith.constant 0 : i32
      %dma_wait3A_923 = arith.constant 0 : i32
      %dma_wait3A_924 = tpu.memref_slice %arg9[%add3A_547, %dma_wait3A_921, %dma_wait3A_922, %dma_wait3A_923] : memref<256x128x16x128xf32, #tpu.memory_space<hbm>> -> memref<1x32x16x128xf32, #tpu.memory_space<hbm>>
      %dma_wait3A_925 = tpu.memref_squeeze %dma_wait3A_924 : memref<1x32x16x128xf32, #tpu.memory_space<hbm>> -> memref<32x16x128xf32, #tpu.memory_space<hbm>>
      tpu.wait_dma2 semaphore(%run_scoped3A : memref<!tpu.dma_semaphore, #tpu.memory_space<semaphore_mem>>) src(%arg16 : memref<32x16x128xf32, #tpu.memory_space<vmem>>) dst(%dma_wait3A_925 : memref<32x16x128xf32, #tpu.memory_space<hbm>>)
      tpu.yield
    }) : () -> ()
    tpu.vector_store_idx %arg16[%min3A_545, %iota3A, %min3A_493], %broadcast_in_dim3A_5 masked %and3A_536 : memref<32x16x128xf32, #tpu.memory_space<vmem>>[vector<16xi32>, vector<16xi32>, vector<16xi32>], vector<16xf32>, vector<16xi1>
    %ge3A_548 = arith.constant 96 : i32
    %ge3A_549 = vector.broadcast %ge3A_548 : i32 to vector<16xi32>
    %ge3A_550 = arith.cmpi sge, %min3A_476, %ge3A_549 : vector<16xi32>
    %lt3A_551 = arith.constant 128 : i32
    %lt3A_552 = vector.broadcast %lt3A_551 : i32 to vector<16xi32>
    %lt3A_553 = arith.cmpi slt, %min3A_476, %lt3A_552 : vector<16xi32>
    %and3A_554 = arith.andi %ge3A_550, %lt3A_553 : vector<16xi1>
    %sub3A_555 = arith.constant 96 : i32
    %sub3A_556 = vector.broadcast %sub3A_555 : i32 to vector<16xi32>
    %sub3A_557 = arith.subi %min3A_476, %sub3A_556 : vector<16xi32>
    %jit3A_558 = arith.constant 0 : i32
    %jit3A_559 = arith.constant 31 : i32
    %max3A_560 = vector.broadcast %jit3A_558 : i32 to vector<16xi32>
    %max3A_561 = arith.maxsi %max3A_560, %sub3A_557 : vector<16xi32>
    %min3A_562 = vector.broadcast %jit3A_559 : i32 to vector<16xi32>
    %min3A_563 = arith.minsi %min3A_562, %max3A_561 : vector<16xi32>
    tpu.vector_store_idx %arg16[%min3A_563, %iota3A, %min3A_493], %broadcast_in_dim3A_3 masked %and3A_554 : memref<32x16x128xf32, #tpu.memory_space<vmem>>[vector<16xi32>, vector<16xi32>, vector<16xi32>], vector<16xf32>, vector<16xi1>
    %add3A_564 = arith.constant 4 : i32
    %add3A_565 = arith.addi %mul3A_2, %add3A_564 : i32
    "tpu.region"() ({
      %run_scoped3A = tpu.sem_alloc : memref<!tpu.dma_semaphore, #tpu.memory_space<semaphore_mem>>
      %dma_start3A = arith.constant 96 : i32
      %dma_start3A_908 = arith.constant 0 : i32
      %dma_start3A_909 = arith.constant 0 : i32
      %dma_start3A_910 = tpu.memref_slice %arg9[%add3A_565, %dma_start3A, %dma_start3A_908, %dma_start3A_909] : memref<256x128x16x128xf32, #tpu.memory_space<hbm>> -> memref<1x32x16x128xf32, #tpu.memory_space<hbm>>
      %dma_start3A_911 = tpu.memref_squeeze %dma_start3A_910 : memref<1x32x16x128xf32, #tpu.memory_space<hbm>> -> memref<32x16x128xf32, #tpu.memory_space<hbm>>
      %dma_start3A_912 = arith.constant 96 : i32
      %dma_start3A_913 = arith.constant 0 : i32
      %dma_start3A_914 = arith.constant 0 : i32
      %dma_start3A_915 = tpu.memref_slice %arg9[%add3A_565, %dma_start3A_912, %dma_start3A_913, %dma_start3A_914] : memref<256x128x16x128xf32, #tpu.memory_space<hbm>> -> memref<1x32x16x128xf32, #tpu.memory_space<hbm>>
      %dma_start3A_916 = tpu.memref_squeeze %dma_start3A_915 : memref<1x32x16x128xf32, #tpu.memory_space<hbm>> -> memref<32x16x128xf32, #tpu.memory_space<hbm>>
      tpu.enqueue_dma source(%arg16 : memref<32x16x128xf32, #tpu.memory_space<vmem>>) target(%dma_start3A_916 : memref<32x16x128xf32, #tpu.memory_space<hbm>>) target_semaphore(%run_scoped3A : memref<!tpu.dma_semaphore, #tpu.memory_space<semaphore_mem>>)
      %dma_wait3A = arith.constant 96 : i32
      %dma_wait3A_917 = arith.constant 0 : i32
      %dma_wait3A_918 = arith.constant 0 : i32
      %dma_wait3A_919 = tpu.memref_slice %arg9[%add3A_565, %dma_wait3A, %dma_wait3A_917, %dma_wait3A_918] : memref<256x128x16x128xf32, #tpu.memory_space<hbm>> -> memref<1x32x16x128xf32, #tpu.memory_space<hbm>>
      %dma_wait3A_920 = tpu.memref_squeeze %dma_wait3A_919 : memref<1x32x16x128xf32, #tpu.memory_space<hbm>> -> memref<32x16x128xf32, #tpu.memory_space<hbm>>
      %dma_wait3A_921 = arith.constant 96 : i32
      %dma_wait3A_922 = arith.constant 0 : i32
      %dma_wait3A_923 = arith.constant 0 : i32
      %dma_wait3A_924 = tpu.memref_slice %arg9[%add3A_565, %dma_wait3A_921, %dma_wait3A_922, %dma_wait3A_923] : memref<256x128x16x128xf32, #tpu.memory_space<hbm>> -> memref<1x32x16x128xf32, #tpu.memory_space<hbm>>
      %dma_wait3A_925 = tpu.memref_squeeze %dma_wait3A_924 : memref<1x32x16x128xf32, #tpu.memory_space<hbm>> -> memref<32x16x128xf32, #tpu.memory_space<hbm>>
      tpu.wait_dma2 semaphore(%run_scoped3A : memref<!tpu.dma_semaphore, #tpu.memory_space<semaphore_mem>>) src(%arg16 : memref<32x16x128xf32, #tpu.memory_space<vmem>>) dst(%dma_wait3A_925 : memref<32x16x128xf32, #tpu.memory_space<hbm>>)
      tpu.yield
    }) : () -> ()
    tpu.vector_store_idx %arg16[%min3A_563, %iota3A, %min3A_493], %broadcast_in_dim3A_5 masked %and3A_554 : memref<32x16x128xf32, #tpu.memory_space<vmem>>[vector<16xi32>, vector<16xi32>, vector<16xi32>], vector<16xf32>, vector<16xi1>
    %get3A_566 = arith.constant 5 : i32
    %get3A_567 = arith.index_cast %get3A_566 : i32 to index
    %get3A_568 = arith.constant 0 : index
    %get3A_569 = tpu.vector_load %arg10[%get3A_567, %get3A_568] {strides = array<i32>} : memref<8x16xf32, #tpu.memory_space<vmem>>, vector<16xf32>,
    %get3A_570 = arith.constant 5 : i32
    %get3A_571 = arith.index_cast %get3A_570 : i32 to index
    %get3A_572 = arith.constant 0 : index
    %get3A_573 = tpu.vector_load %arg11[%get3A_571, %get3A_572] {strides = array<i32>} : memref<8x16xf32, #tpu.memory_space<vmem>>, vector<16xf32>,
    %get3A_574 = arith.constant 5 : i32
    %get3A_575 = arith.index_cast %get3A_574 : i32 to index
    %get3A_576 = arith.constant 0 : index
    %get3A_577 = tpu.vector_load %arg12[%get3A_575, %get3A_576] {strides = array<i32>} : memref<8x16xf32, #tpu.memory_space<vmem>>, vector<16xf32>,
    %div3A_578 = arith.divf %get3A_573, %get3A_577 : vector<16xf32>
    %get3A_579 = arith.constant 5 : i32
    %get3A_580 = arith.index_cast %get3A_579 : i32 to index
    %get3A_581 = arith.constant 0 : index
    %get3A_582 = tpu.vector_load %arg14[%get3A_580, %get3A_581] {strides = array<i32>} : memref<8x16xf32, #tpu.memory_space<vmem>>, vector<16xf32>,
    %add3A_583 = arith.addf %div3A_578, %get3A_582 : vector<16xf32>
    %convert_element_type3A_584 = arith.fptosi %add3A_583 : vector<16xf32> to vector<16xi32>
    %jit3A_585 = arith.constant 0 : i32
    %jit3A_586 = arith.constant 127 : i32
    %max3A_587 = vector.broadcast %jit3A_585 : i32 to vector<16xi32>
    %max3A_588 = arith.maxsi %max3A_587, %convert_element_type3A_584 : vector<16xi32>
    %min3A_589 = vector.broadcast %jit3A_586 : i32 to vector<16xi32>
    %min3A_590 = arith.minsi %min3A_589, %max3A_588 : vector<16xi32>
    %get3A_591 = arith.constant 5 : i32
    %get3A_592 = arith.index_cast %get3A_591 : i32 to index
    %get3A_593 = arith.constant 0 : index
    %get3A_594 = tpu.vector_load %arg13[%get3A_592, %get3A_593] {strides = array<i32>} : memref<8x16xf32, #tpu.memory_space<vmem>>, vector<16xf32>,
    %div3A_595 = arith.divf %get3A_569, %get3A_594 : vector<16xf32>
    %get3A_596 = arith.constant 5 : i32
    %get3A_597 = arith.index_cast %get3A_596 : i32 to index
    %get3A_598 = arith.constant 0 : index
    %get3A_599 = tpu.vector_load %arg15[%get3A_597, %get3A_598] {strides = array<i32>} : memref<8x16xf32, #tpu.memory_space<vmem>>, vector<16xf32>,
    %add3A_600 = arith.addf %div3A_595, %get3A_599 : vector<16xf32>
    %convert_element_type3A_601 = arith.fptosi %add3A_600 : vector<16xf32> to vector<16xi32>
    %jit3A_602 = arith.constant 0 : i32
    %jit3A_603 = arith.constant 127 : i32
    %max3A_604 = vector.broadcast %jit3A_602 : i32 to vector<16xi32>
    %max3A_605 = arith.maxsi %max3A_604, %convert_element_type3A_601 : vector<16xi32>
    %min3A_606 = vector.broadcast %jit3A_603 : i32 to vector<16xi32>
    %min3A_607 = arith.minsi %min3A_606, %max3A_605 : vector<16xi32>
    %ge3A_608 = arith.constant 0 : i32
    %ge3A_609 = vector.broadcast %ge3A_608 : i32 to vector<16xi32>
    %ge3A_610 = arith.cmpi sge, %min3A_590, %ge3A_609 : vector<16xi32>
    %lt3A_611 = arith.constant 32 : i32
    %lt3A_612 = vector.broadcast %lt3A_611 : i32 to vector<16xi32>
    %lt3A_613 = arith.cmpi slt, %min3A_590, %lt3A_612 : vector<16xi32>
    %and3A_614 = arith.andi %ge3A_610, %lt3A_613 : vector<16xi1>
    %sub3A_615 = arith.constant 0 : i32
    %sub3A_616 = vector.broadcast %sub3A_615 : i32 to vector<16xi32>
    %sub3A_617 = arith.subi %min3A_590, %sub3A_616 : vector<16xi32>
    %jit3A_618 = arith.constant 0 : i32
    %jit3A_619 = arith.constant 31 : i32
    %max3A_620 = vector.broadcast %jit3A_618 : i32 to vector<16xi32>
    %max3A_621 = arith.maxsi %max3A_620, %sub3A_617 : vector<16xi32>
    %min3A_622 = vector.broadcast %jit3A_619 : i32 to vector<16xi32>
    %min3A_623 = arith.minsi %min3A_622, %max3A_621 : vector<16xi32>
    tpu.vector_store_idx %arg16[%min3A_623, %iota3A, %min3A_607], %broadcast_in_dim3A_3 masked %and3A_614 : memref<32x16x128xf32, #tpu.memory_space<vmem>>[vector<16xi32>, vector<16xi32>, vector<16xi32>], vector<16xf32>, vector<16xi1>
    %add3A_624 = arith.constant 5 : i32
    %add3A_625 = arith.addi %mul3A_2, %add3A_624 : i32
    "tpu.region"() ({
      %run_scoped3A = tpu.sem_alloc : memref<!tpu.dma_semaphore, #tpu.memory_space<semaphore_mem>>
      %dma_start3A = arith.constant 0 : i32
      %dma_start3A_908 = arith.constant 0 : i32
      %dma_start3A_909 = arith.constant 0 : i32
      %dma_start3A_910 = tpu.memref_slice %arg9[%add3A_625, %dma_start3A, %dma_start3A_908, %dma_start3A_909] : memref<256x128x16x128xf32, #tpu.memory_space<hbm>> -> memref<1x32x16x128xf32, #tpu.memory_space<hbm>>
      %dma_start3A_911 = tpu.memref_squeeze %dma_start3A_910 : memref<1x32x16x128xf32, #tpu.memory_space<hbm>> -> memref<32x16x128xf32, #tpu.memory_space<hbm>>
      %dma_start3A_912 = arith.constant 0 : i32
      %dma_start3A_913 = arith.constant 0 : i32
      %dma_start3A_914 = arith.constant 0 : i32
      %dma_start3A_915 = tpu.memref_slice %arg9[%add3A_625, %dma_start3A_912, %dma_start3A_913, %dma_start3A_914] : memref<256x128x16x128xf32, #tpu.memory_space<hbm>> -> memref<1x32x16x128xf32, #tpu.memory_space<hbm>>
      %dma_start3A_916 = tpu.memref_squeeze %dma_start3A_915 : memref<1x32x16x128xf32, #tpu.memory_space<hbm>> -> memref<32x16x128xf32, #tpu.memory_space<hbm>>
      tpu.enqueue_dma source(%arg16 : memref<32x16x128xf32, #tpu.memory_space<vmem>>) target(%dma_start3A_916 : memref<32x16x128xf32, #tpu.memory_space<hbm>>) target_semaphore(%run_scoped3A : memref<!tpu.dma_semaphore, #tpu.memory_space<semaphore_mem>>)
      %dma_wait3A = arith.constant 0 : i32
      %dma_wait3A_917 = arith.constant 0 : i32
      %dma_wait3A_918 = arith.constant 0 : i32
      %dma_wait3A_919 = tpu.memref_slice %arg9[%add3A_625, %dma_wait3A, %dma_wait3A_917, %dma_wait3A_918] : memref<256x128x16x128xf32, #tpu.memory_space<hbm>> -> memref<1x32x16x128xf32, #tpu.memory_space<hbm>>
      %dma_wait3A_920 = tpu.memref_squeeze %dma_wait3A_919 : memref<1x32x16x128xf32, #tpu.memory_space<hbm>> -> memref<32x16x128xf32, #tpu.memory_space<hbm>>
      %dma_wait3A_921 = arith.constant 0 : i32
      %dma_wait3A_922 = arith.constant 0 : i32
      %dma_wait3A_923 = arith.constant 0 : i32
      %dma_wait3A_924 = tpu.memref_slice %arg9[%add3A_625, %dma_wait3A_921, %dma_wait3A_922, %dma_wait3A_923] : memref<256x128x16x128xf32, #tpu.memory_space<hbm>> -> memref<1x32x16x128xf32, #tpu.memory_space<hbm>>
      %dma_wait3A_925 = tpu.memref_squeeze %dma_wait3A_924 : memref<1x32x16x128xf32, #tpu.memory_space<hbm>> -> memref<32x16x128xf32, #tpu.memory_space<hbm>>
      tpu.wait_dma2 semaphore(%run_scoped3A : memref<!tpu.dma_semaphore, #tpu.memory_space<semaphore_mem>>) src(%arg16 : memref<32x16x128xf32, #tpu.memory_space<vmem>>) dst(%dma_wait3A_925 : memref<32x16x128xf32, #tpu.memory_space<hbm>>)
      tpu.yield
    }) : () -> ()
    tpu.vector_store_idx %arg16[%min3A_623, %iota3A, %min3A_607], %broadcast_in_dim3A_5 masked %and3A_614 : memref<32x16x128xf32, #tpu.memory_space<vmem>>[vector<16xi32>, vector<16xi32>, vector<16xi32>], vector<16xf32>, vector<16xi1>
    %ge3A_626 = arith.constant 32 : i32
    %ge3A_627 = vector.broadcast %ge3A_626 : i32 to vector<16xi32>
    %ge3A_628 = arith.cmpi sge, %min3A_590, %ge3A_627 : vector<16xi32>
    %lt3A_629 = arith.constant 64 : i32
    %lt3A_630 = vector.broadcast %lt3A_629 : i32 to vector<16xi32>
    %lt3A_631 = arith.cmpi slt, %min3A_590, %lt3A_630 : vector<16xi32>
    %and3A_632 = arith.andi %ge3A_628, %lt3A_631 : vector<16xi1>
    %sub3A_633 = arith.constant 32 : i32
    %sub3A_634 = vector.broadcast %sub3A_633 : i32 to vector<16xi32>
    %sub3A_635 = arith.subi %min3A_590, %sub3A_634 : vector<16xi32>
    %jit3A_636 = arith.constant 0 : i32
    %jit3A_637 = arith.constant 31 : i32
    %max3A_638 = vector.broadcast %jit3A_636 : i32 to vector<16xi32>
    %max3A_639 = arith.maxsi %max3A_638, %sub3A_635 : vector<16xi32>
    %min3A_640 = vector.broadcast %jit3A_637 : i32 to vector<16xi32>
    %min3A_641 = arith.minsi %min3A_640, %max3A_639 : vector<16xi32>
    tpu.vector_store_idx %arg16[%min3A_641, %iota3A, %min3A_607], %broadcast_in_dim3A_3 masked %and3A_632 : memref<32x16x128xf32, #tpu.memory_space<vmem>>[vector<16xi32>, vector<16xi32>, vector<16xi32>], vector<16xf32>, vector<16xi1>
    %add3A_642 = arith.constant 5 : i32
    %add3A_643 = arith.addi %mul3A_2, %add3A_642 : i32
    "tpu.region"() ({
      %run_scoped3A = tpu.sem_alloc : memref<!tpu.dma_semaphore, #tpu.memory_space<semaphore_mem>>
      %dma_start3A = arith.constant 32 : i32
      %dma_start3A_908 = arith.constant 0 : i32
      %dma_start3A_909 = arith.constant 0 : i32
      %dma_start3A_910 = tpu.memref_slice %arg9[%add3A_643, %dma_start3A, %dma_start3A_908, %dma_start3A_909] : memref<256x128x16x128xf32, #tpu.memory_space<hbm>> -> memref<1x32x16x128xf32, #tpu.memory_space<hbm>>
      %dma_start3A_911 = tpu.memref_squeeze %dma_start3A_910 : memref<1x32x16x128xf32, #tpu.memory_space<hbm>> -> memref<32x16x128xf32, #tpu.memory_space<hbm>>
      %dma_start3A_912 = arith.constant 32 : i32
      %dma_start3A_913 = arith.constant 0 : i32
      %dma_start3A_914 = arith.constant 0 : i32
      %dma_start3A_915 = tpu.memref_slice %arg9[%add3A_643, %dma_start3A_912, %dma_start3A_913, %dma_start3A_914] : memref<256x128x16x128xf32, #tpu.memory_space<hbm>> -> memref<1x32x16x128xf32, #tpu.memory_space<hbm>>
      %dma_start3A_916 = tpu.memref_squeeze %dma_start3A_915 : memref<1x32x16x128xf32, #tpu.memory_space<hbm>> -> memref<32x16x128xf32, #tpu.memory_space<hbm>>
      tpu.enqueue_dma source(%arg16 : memref<32x16x128xf32, #tpu.memory_space<vmem>>) target(%dma_start3A_916 : memref<32x16x128xf32, #tpu.memory_space<hbm>>) target_semaphore(%run_scoped3A : memref<!tpu.dma_semaphore, #tpu.memory_space<semaphore_mem>>)
      %dma_wait3A = arith.constant 32 : i32
      %dma_wait3A_917 = arith.constant 0 : i32
      %dma_wait3A_918 = arith.constant 0 : i32
      %dma_wait3A_919 = tpu.memref_slice %arg9[%add3A_643, %dma_wait3A, %dma_wait3A_917, %dma_wait3A_918] : memref<256x128x16x128xf32, #tpu.memory_space<hbm>> -> memref<1x32x16x128xf32, #tpu.memory_space<hbm>>
      %dma_wait3A_920 = tpu.memref_squeeze %dma_wait3A_919 : memref<1x32x16x128xf32, #tpu.memory_space<hbm>> -> memref<32x16x128xf32, #tpu.memory_space<hbm>>
      %dma_wait3A_921 = arith.constant 32 : i32
      %dma_wait3A_922 = arith.constant 0 : i32
      %dma_wait3A_923 = arith.constant 0 : i32
      %dma_wait3A_924 = tpu.memref_slice %arg9[%add3A_643, %dma_wait3A_921, %dma_wait3A_922, %dma_wait3A_923] : memref<256x128x16x128xf32, #tpu.memory_space<hbm>> -> memref<1x32x16x128xf32, #tpu.memory_space<hbm>>
      %dma_wait3A_925 = tpu.memref_squeeze %dma_wait3A_924 : memref<1x32x16x128xf32, #tpu.memory_space<hbm>> -> memref<32x16x128xf32, #tpu.memory_space<hbm>>
      tpu.wait_dma2 semaphore(%run_scoped3A : memref<!tpu.dma_semaphore, #tpu.memory_space<semaphore_mem>>) src(%arg16 : memref<32x16x128xf32, #tpu.memory_space<vmem>>) dst(%dma_wait3A_925 : memref<32x16x128xf32, #tpu.memory_space<hbm>>)
      tpu.yield
    }) : () -> ()
    tpu.vector_store_idx %arg16[%min3A_641, %iota3A, %min3A_607], %broadcast_in_dim3A_5 masked %and3A_632 : memref<32x16x128xf32, #tpu.memory_space<vmem>>[vector<16xi32>, vector<16xi32>, vector<16xi32>], vector<16xf32>, vector<16xi1>
    %ge3A_644 = arith.constant 64 : i32
    %ge3A_645 = vector.broadcast %ge3A_644 : i32 to vector<16xi32>
    %ge3A_646 = arith.cmpi sge, %min3A_590, %ge3A_645 : vector<16xi32>
    %lt3A_647 = arith.constant 96 : i32
    %lt3A_648 = vector.broadcast %lt3A_647 : i32 to vector<16xi32>
    %lt3A_649 = arith.cmpi slt, %min3A_590, %lt3A_648 : vector<16xi32>
    %and3A_650 = arith.andi %ge3A_646, %lt3A_649 : vector<16xi1>
    %sub3A_651 = arith.constant 64 : i32
    %sub3A_652 = vector.broadcast %sub3A_651 : i32 to vector<16xi32>
    %sub3A_653 = arith.subi %min3A_590, %sub3A_652 : vector<16xi32>
    %jit3A_654 = arith.constant 0 : i32
    %jit3A_655 = arith.constant 31 : i32
    %max3A_656 = vector.broadcast %jit3A_654 : i32 to vector<16xi32>
    %max3A_657 = arith.maxsi %max3A_656, %sub3A_653 : vector<16xi32>
    %min3A_658 = vector.broadcast %jit3A_655 : i32 to vector<16xi32>
    %min3A_659 = arith.minsi %min3A_658, %max3A_657 : vector<16xi32>
    tpu.vector_store_idx %arg16[%min3A_659, %iota3A, %min3A_607], %broadcast_in_dim3A_3 masked %and3A_650 : memref<32x16x128xf32, #tpu.memory_space<vmem>>[vector<16xi32>, vector<16xi32>, vector<16xi32>], vector<16xf32>, vector<16xi1>
    %add3A_660 = arith.constant 5 : i32
    %add3A_661 = arith.addi %mul3A_2, %add3A_660 : i32
    "tpu.region"() ({
      %run_scoped3A = tpu.sem_alloc : memref<!tpu.dma_semaphore, #tpu.memory_space<semaphore_mem>>
      %dma_start3A = arith.constant 64 : i32
      %dma_start3A_908 = arith.constant 0 : i32
      %dma_start3A_909 = arith.constant 0 : i32
      %dma_start3A_910 = tpu.memref_slice %arg9[%add3A_661, %dma_start3A, %dma_start3A_908, %dma_start3A_909] : memref<256x128x16x128xf32, #tpu.memory_space<hbm>> -> memref<1x32x16x128xf32, #tpu.memory_space<hbm>>
      %dma_start3A_911 = tpu.memref_squeeze %dma_start3A_910 : memref<1x32x16x128xf32, #tpu.memory_space<hbm>> -> memref<32x16x128xf32, #tpu.memory_space<hbm>>
      %dma_start3A_912 = arith.constant 64 : i32
      %dma_start3A_913 = arith.constant 0 : i32
      %dma_start3A_914 = arith.constant 0 : i32
      %dma_start3A_915 = tpu.memref_slice %arg9[%add3A_661, %dma_start3A_912, %dma_start3A_913, %dma_start3A_914] : memref<256x128x16x128xf32, #tpu.memory_space<hbm>> -> memref<1x32x16x128xf32, #tpu.memory_space<hbm>>
      %dma_start3A_916 = tpu.memref_squeeze %dma_start3A_915 : memref<1x32x16x128xf32, #tpu.memory_space<hbm>> -> memref<32x16x128xf32, #tpu.memory_space<hbm>>
      tpu.enqueue_dma source(%arg16 : memref<32x16x128xf32, #tpu.memory_space<vmem>>) target(%dma_start3A_916 : memref<32x16x128xf32, #tpu.memory_space<hbm>>) target_semaphore(%run_scoped3A : memref<!tpu.dma_semaphore, #tpu.memory_space<semaphore_mem>>)
      %dma_wait3A = arith.constant 64 : i32
      %dma_wait3A_917 = arith.constant 0 : i32
      %dma_wait3A_918 = arith.constant 0 : i32
      %dma_wait3A_919 = tpu.memref_slice %arg9[%add3A_661, %dma_wait3A, %dma_wait3A_917, %dma_wait3A_918] : memref<256x128x16x128xf32, #tpu.memory_space<hbm>> -> memref<1x32x16x128xf32, #tpu.memory_space<hbm>>
      %dma_wait3A_920 = tpu.memref_squeeze %dma_wait3A_919 : memref<1x32x16x128xf32, #tpu.memory_space<hbm>> -> memref<32x16x128xf32, #tpu.memory_space<hbm>>
      %dma_wait3A_921 = arith.constant 64 : i32
      %dma_wait3A_922 = arith.constant 0 : i32
      %dma_wait3A_923 = arith.constant 0 : i32
      %dma_wait3A_924 = tpu.memref_slice %arg9[%add3A_661, %dma_wait3A_921, %dma_wait3A_922, %dma_wait3A_923] : memref<256x128x16x128xf32, #tpu.memory_space<hbm>> -> memref<1x32x16x128xf32, #tpu.memory_space<hbm>>
      %dma_wait3A_925 = tpu.memref_squeeze %dma_wait3A_924 : memref<1x32x16x128xf32, #tpu.memory_space<hbm>> -> memref<32x16x128xf32, #tpu.memory_space<hbm>>
      tpu.wait_dma2 semaphore(%run_scoped3A : memref<!tpu.dma_semaphore, #tpu.memory_space<semaphore_mem>>) src(%arg16 : memref<32x16x128xf32, #tpu.memory_space<vmem>>) dst(%dma_wait3A_925 : memref<32x16x128xf32, #tpu.memory_space<hbm>>)
      tpu.yield
    }) : () -> ()
    tpu.vector_store_idx %arg16[%min3A_659, %iota3A, %min3A_607], %broadcast_in_dim3A_5 masked %and3A_650 : memref<32x16x128xf32, #tpu.memory_space<vmem>>[vector<16xi32>, vector<16xi32>, vector<16xi32>], vector<16xf32>, vector<16xi1>
    %ge3A_662 = arith.constant 96 : i32
    %ge3A_663 = vector.broadcast %ge3A_662 : i32 to vector<16xi32>
    %ge3A_664 = arith.cmpi sge, %min3A_590, %ge3A_663 : vector<16xi32>
    %lt3A_665 = arith.constant 128 : i32
    %lt3A_666 = vector.broadcast %lt3A_665 : i32 to vector<16xi32>
    %lt3A_667 = arith.cmpi slt, %min3A_590, %lt3A_666 : vector<16xi32>
    %and3A_668 = arith.andi %ge3A_664, %lt3A_667 : vector<16xi1>
    %sub3A_669 = arith.constant 96 : i32
    %sub3A_670 = vector.broadcast %sub3A_669 : i32 to vector<16xi32>
    %sub3A_671 = arith.subi %min3A_590, %sub3A_670 : vector<16xi32>
    %jit3A_672 = arith.constant 0 : i32
    %jit3A_673 = arith.constant 31 : i32
    %max3A_674 = vector.broadcast %jit3A_672 : i32 to vector<16xi32>
    %max3A_675 = arith.maxsi %max3A_674, %sub3A_671 : vector<16xi32>
    %min3A_676 = vector.broadcast %jit3A_673 : i32 to vector<16xi32>
    %min3A_677 = arith.minsi %min3A_676, %max3A_675 : vector<16xi32>
    tpu.vector_store_idx %arg16[%min3A_677, %iota3A, %min3A_607], %broadcast_in_dim3A_3 masked %and3A_668 : memref<32x16x128xf32, #tpu.memory_space<vmem>>[vector<16xi32>, vector<16xi32>, vector<16xi32>], vector<16xf32>, vector<16xi1>
    %add3A_678 = arith.constant 5 : i32
    %add3A_679 = arith.addi %mul3A_2, %add3A_678 : i32
    "tpu.region"() ({
      %run_scoped3A = tpu.sem_alloc : memref<!tpu.dma_semaphore, #tpu.memory_space<semaphore_mem>>
      %dma_start3A = arith.constant 96 : i32
      %dma_start3A_908 = arith.constant 0 : i32
      %dma_start3A_909 = arith.constant 0 : i32
      %dma_start3A_910 = tpu.memref_slice %arg9[%add3A_679, %dma_start3A, %dma_start3A_908, %dma_start3A_909] : memref<256x128x16x128xf32, #tpu.memory_space<hbm>> -> memref<1x32x16x128xf32, #tpu.memory_space<hbm>>
      %dma_start3A_911 = tpu.memref_squeeze %dma_start3A_910 : memref<1x32x16x128xf32, #tpu.memory_space<hbm>> -> memref<32x16x128xf32, #tpu.memory_space<hbm>>
      %dma_start3A_912 = arith.constant 96 : i32
      %dma_start3A_913 = arith.constant 0 : i32
      %dma_start3A_914 = arith.constant 0 : i32
      %dma_start3A_915 = tpu.memref_slice %arg9[%add3A_679, %dma_start3A_912, %dma_start3A_913, %dma_start3A_914] : memref<256x128x16x128xf32, #tpu.memory_space<hbm>> -> memref<1x32x16x128xf32, #tpu.memory_space<hbm>>
      %dma_start3A_916 = tpu.memref_squeeze %dma_start3A_915 : memref<1x32x16x128xf32, #tpu.memory_space<hbm>> -> memref<32x16x128xf32, #tpu.memory_space<hbm>>
      tpu.enqueue_dma source(%arg16 : memref<32x16x128xf32, #tpu.memory_space<vmem>>) target(%dma_start3A_916 : memref<32x16x128xf32, #tpu.memory_space<hbm>>) target_semaphore(%run_scoped3A : memref<!tpu.dma_semaphore, #tpu.memory_space<semaphore_mem>>)
      %dma_wait3A = arith.constant 96 : i32
      %dma_wait3A_917 = arith.constant 0 : i32
      %dma_wait3A_918 = arith.constant 0 : i32
      %dma_wait3A_919 = tpu.memref_slice %arg9[%add3A_679, %dma_wait3A, %dma_wait3A_917, %dma_wait3A_918] : memref<256x128x16x128xf32, #tpu.memory_space<hbm>> -> memref<1x32x16x128xf32, #tpu.memory_space<hbm>>
      %dma_wait3A_920 = tpu.memref_squeeze %dma_wait3A_919 : memref<1x32x16x128xf32, #tpu.memory_space<hbm>> -> memref<32x16x128xf32, #tpu.memory_space<hbm>>
      %dma_wait3A_921 = arith.constant 96 : i32
      %dma_wait3A_922 = arith.constant 0 : i32
      %dma_wait3A_923 = arith.constant 0 : i32
      %dma_wait3A_924 = tpu.memref_slice %arg9[%add3A_679, %dma_wait3A_921, %dma_wait3A_922, %dma_wait3A_923] : memref<256x128x16x128xf32, #tpu.memory_space<hbm>> -> memref<1x32x16x128xf32, #tpu.memory_space<hbm>>
      %dma_wait3A_925 = tpu.memref_squeeze %dma_wait3A_924 : memref<1x32x16x128xf32, #tpu.memory_space<hbm>> -> memref<32x16x128xf32, #tpu.memory_space<hbm>>
      tpu.wait_dma2 semaphore(%run_scoped3A : memref<!tpu.dma_semaphore, #tpu.memory_space<semaphore_mem>>) src(%arg16 : memref<32x16x128xf32, #tpu.memory_space<vmem>>) dst(%dma_wait3A_925 : memref<32x16x128xf32, #tpu.memory_space<hbm>>)
      tpu.yield
    }) : () -> ()
    tpu.vector_store_idx %arg16[%min3A_677, %iota3A, %min3A_607], %broadcast_in_dim3A_5 masked %and3A_668 : memref<32x16x128xf32, #tpu.memory_space<vmem>>[vector<16xi32>, vector<16xi32>, vector<16xi32>], vector<16xf32>, vector<16xi1>
    %get3A_680 = arith.constant 6 : i32
    %get3A_681 = arith.index_cast %get3A_680 : i32 to index
    %get3A_682 = arith.constant 0 : index
    %get3A_683 = tpu.vector_load %arg10[%get3A_681, %get3A_682] {strides = array<i32>} : memref<8x16xf32, #tpu.memory_space<vmem>>, vector<16xf32>,
    %get3A_684 = arith.constant 6 : i32
    %get3A_685 = arith.index_cast %get3A_684 : i32 to index
    %get3A_686 = arith.constant 0 : index
    %get3A_687 = tpu.vector_load %arg11[%get3A_685, %get3A_686] {strides = array<i32>} : memref<8x16xf32, #tpu.memory_space<vmem>>, vector<16xf32>,
    %get3A_688 = arith.constant 6 : i32
    %get3A_689 = arith.index_cast %get3A_688 : i32 to index
    %get3A_690 = arith.constant 0 : index
    %get3A_691 = tpu.vector_load %arg12[%get3A_689, %get3A_690] {strides = array<i32>} : memref<8x16xf32, #tpu.memory_space<vmem>>, vector<16xf32>,
    %div3A_692 = arith.divf %get3A_687, %get3A_691 : vector<16xf32>
    %get3A_693 = arith.constant 6 : i32
    %get3A_694 = arith.index_cast %get3A_693 : i32 to index
    %get3A_695 = arith.constant 0 : index
    %get3A_696 = tpu.vector_load %arg14[%get3A_694, %get3A_695] {strides = array<i32>} : memref<8x16xf32, #tpu.memory_space<vmem>>, vector<16xf32>,
    %add3A_697 = arith.addf %div3A_692, %get3A_696 : vector<16xf32>
    %convert_element_type3A_698 = arith.fptosi %add3A_697 : vector<16xf32> to vector<16xi32>
    %jit3A_699 = arith.constant 0 : i32
    %jit3A_700 = arith.constant 127 : i32
    %max3A_701 = vector.broadcast %jit3A_699 : i32 to vector<16xi32>
    %max3A_702 = arith.maxsi %max3A_701, %convert_element_type3A_698 : vector<16xi32>
    %min3A_703 = vector.broadcast %jit3A_700 : i32 to vector<16xi32>
    %min3A_704 = arith.minsi %min3A_703, %max3A_702 : vector<16xi32>
    %get3A_705 = arith.constant 6 : i32
    %get3A_706 = arith.index_cast %get3A_705 : i32 to index
    %get3A_707 = arith.constant 0 : index
    %get3A_708 = tpu.vector_load %arg13[%get3A_706, %get3A_707] {strides = array<i32>} : memref<8x16xf32, #tpu.memory_space<vmem>>, vector<16xf32>,
    %div3A_709 = arith.divf %get3A_683, %get3A_708 : vector<16xf32>
    %get3A_710 = arith.constant 6 : i32
    %get3A_711 = arith.index_cast %get3A_710 : i32 to index
    %get3A_712 = arith.constant 0 : index
    %get3A_713 = tpu.vector_load %arg15[%get3A_711, %get3A_712] {strides = array<i32>} : memref<8x16xf32, #tpu.memory_space<vmem>>, vector<16xf32>,
    %add3A_714 = arith.addf %div3A_709, %get3A_713 : vector<16xf32>
    %convert_element_type3A_715 = arith.fptosi %add3A_714 : vector<16xf32> to vector<16xi32>
    %jit3A_716 = arith.constant 0 : i32
    %jit3A_717 = arith.constant 127 : i32
    %max3A_718 = vector.broadcast %jit3A_716 : i32 to vector<16xi32>
    %max3A_719 = arith.maxsi %max3A_718, %convert_element_type3A_715 : vector<16xi32>
    %min3A_720 = vector.broadcast %jit3A_717 : i32 to vector<16xi32>
    %min3A_721 = arith.minsi %min3A_720, %max3A_719 : vector<16xi32>
    %ge3A_722 = arith.constant 0 : i32
    %ge3A_723 = vector.broadcast %ge3A_722 : i32 to vector<16xi32>
    %ge3A_724 = arith.cmpi sge, %min3A_704, %ge3A_723 : vector<16xi32>
    %lt3A_725 = arith.constant 32 : i32
    %lt3A_726 = vector.broadcast %lt3A_725 : i32 to vector<16xi32>
    %lt3A_727 = arith.cmpi slt, %min3A_704, %lt3A_726 : vector<16xi32>
    %and3A_728 = arith.andi %ge3A_724, %lt3A_727 : vector<16xi1>
    %sub3A_729 = arith.constant 0 : i32
    %sub3A_730 = vector.broadcast %sub3A_729 : i32 to vector<16xi32>
    %sub3A_731 = arith.subi %min3A_704, %sub3A_730 : vector<16xi32>
    %jit3A_732 = arith.constant 0 : i32
    %jit3A_733 = arith.constant 31 : i32
    %max3A_734 = vector.broadcast %jit3A_732 : i32 to vector<16xi32>
    %max3A_735 = arith.maxsi %max3A_734, %sub3A_731 : vector<16xi32>
    %min3A_736 = vector.broadcast %jit3A_733 : i32 to vector<16xi32>
    %min3A_737 = arith.minsi %min3A_736, %max3A_735 : vector<16xi32>
    tpu.vector_store_idx %arg16[%min3A_737, %iota3A, %min3A_721], %broadcast_in_dim3A_3 masked %and3A_728 : memref<32x16x128xf32, #tpu.memory_space<vmem>>[vector<16xi32>, vector<16xi32>, vector<16xi32>], vector<16xf32>, vector<16xi1>
    %add3A_738 = arith.constant 6 : i32
    %add3A_739 = arith.addi %mul3A_2, %add3A_738 : i32
    "tpu.region"() ({
      %run_scoped3A = tpu.sem_alloc : memref<!tpu.dma_semaphore, #tpu.memory_space<semaphore_mem>>
      %dma_start3A = arith.constant 0 : i32
      %dma_start3A_908 = arith.constant 0 : i32
      %dma_start3A_909 = arith.constant 0 : i32
      %dma_start3A_910 = tpu.memref_slice %arg9[%add3A_739, %dma_start3A, %dma_start3A_908, %dma_start3A_909] : memref<256x128x16x128xf32, #tpu.memory_space<hbm>> -> memref<1x32x16x128xf32, #tpu.memory_space<hbm>>
      %dma_start3A_911 = tpu.memref_squeeze %dma_start3A_910 : memref<1x32x16x128xf32, #tpu.memory_space<hbm>> -> memref<32x16x128xf32, #tpu.memory_space<hbm>>
      %dma_start3A_912 = arith.constant 0 : i32
      %dma_start3A_913 = arith.constant 0 : i32
      %dma_start3A_914 = arith.constant 0 : i32
      %dma_start3A_915 = tpu.memref_slice %arg9[%add3A_739, %dma_start3A_912, %dma_start3A_913, %dma_start3A_914] : memref<256x128x16x128xf32, #tpu.memory_space<hbm>> -> memref<1x32x16x128xf32, #tpu.memory_space<hbm>>
      %dma_start3A_916 = tpu.memref_squeeze %dma_start3A_915 : memref<1x32x16x128xf32, #tpu.memory_space<hbm>> -> memref<32x16x128xf32, #tpu.memory_space<hbm>>
      tpu.enqueue_dma source(%arg16 : memref<32x16x128xf32, #tpu.memory_space<vmem>>) target(%dma_start3A_916 : memref<32x16x128xf32, #tpu.memory_space<hbm>>) target_semaphore(%run_scoped3A : memref<!tpu.dma_semaphore, #tpu.memory_space<semaphore_mem>>)
      %dma_wait3A = arith.constant 0 : i32
      %dma_wait3A_917 = arith.constant 0 : i32
      %dma_wait3A_918 = arith.constant 0 : i32
      %dma_wait3A_919 = tpu.memref_slice %arg9[%add3A_739, %dma_wait3A, %dma_wait3A_917, %dma_wait3A_918] : memref<256x128x16x128xf32, #tpu.memory_space<hbm>> -> memref<1x32x16x128xf32, #tpu.memory_space<hbm>>
      %dma_wait3A_920 = tpu.memref_squeeze %dma_wait3A_919 : memref<1x32x16x128xf32, #tpu.memory_space<hbm>> -> memref<32x16x128xf32, #tpu.memory_space<hbm>>
      %dma_wait3A_921 = arith.constant 0 : i32
      %dma_wait3A_922 = arith.constant 0 : i32
      %dma_wait3A_923 = arith.constant 0 : i32
      %dma_wait3A_924 = tpu.memref_slice %arg9[%add3A_739, %dma_wait3A_921, %dma_wait3A_922, %dma_wait3A_923] : memref<256x128x16x128xf32, #tpu.memory_space<hbm>> -> memref<1x32x16x128xf32, #tpu.memory_space<hbm>>
      %dma_wait3A_925 = tpu.memref_squeeze %dma_wait3A_924 : memref<1x32x16x128xf32, #tpu.memory_space<hbm>> -> memref<32x16x128xf32, #tpu.memory_space<hbm>>
      tpu.wait_dma2 semaphore(%run_scoped3A : memref<!tpu.dma_semaphore, #tpu.memory_space<semaphore_mem>>) src(%arg16 : memref<32x16x128xf32, #tpu.memory_space<vmem>>) dst(%dma_wait3A_925 : memref<32x16x128xf32, #tpu.memory_space<hbm>>)
      tpu.yield
    }) : () -> ()
    tpu.vector_store_idx %arg16[%min3A_737, %iota3A, %min3A_721], %broadcast_in_dim3A_5 masked %and3A_728 : memref<32x16x128xf32, #tpu.memory_space<vmem>>[vector<16xi32>, vector<16xi32>, vector<16xi32>], vector<16xf32>, vector<16xi1>
    %ge3A_740 = arith.constant 32 : i32
    %ge3A_741 = vector.broadcast %ge3A_740 : i32 to vector<16xi32>
    %ge3A_742 = arith.cmpi sge, %min3A_704, %ge3A_741 : vector<16xi32>
    %lt3A_743 = arith.constant 64 : i32
    %lt3A_744 = vector.broadcast %lt3A_743 : i32 to vector<16xi32>
    %lt3A_745 = arith.cmpi slt, %min3A_704, %lt3A_744 : vector<16xi32>
    %and3A_746 = arith.andi %ge3A_742, %lt3A_745 : vector<16xi1>
    %sub3A_747 = arith.constant 32 : i32
    %sub3A_748 = vector.broadcast %sub3A_747 : i32 to vector<16xi32>
    %sub3A_749 = arith.subi %min3A_704, %sub3A_748 : vector<16xi32>
    %jit3A_750 = arith.constant 0 : i32
    %jit3A_751 = arith.constant 31 : i32
    %max3A_752 = vector.broadcast %jit3A_750 : i32 to vector<16xi32>
    %max3A_753 = arith.maxsi %max3A_752, %sub3A_749 : vector<16xi32>
    %min3A_754 = vector.broadcast %jit3A_751 : i32 to vector<16xi32>
    %min3A_755 = arith.minsi %min3A_754, %max3A_753 : vector<16xi32>
    tpu.vector_store_idx %arg16[%min3A_755, %iota3A, %min3A_721], %broadcast_in_dim3A_3 masked %and3A_746 : memref<32x16x128xf32, #tpu.memory_space<vmem>>[vector<16xi32>, vector<16xi32>, vector<16xi32>], vector<16xf32>, vector<16xi1>
    %add3A_756 = arith.constant 6 : i32
    %add3A_757 = arith.addi %mul3A_2, %add3A_756 : i32
    "tpu.region"() ({
      %run_scoped3A = tpu.sem_alloc : memref<!tpu.dma_semaphore, #tpu.memory_space<semaphore_mem>>
      %dma_start3A = arith.constant 32 : i32
      %dma_start3A_908 = arith.constant 0 : i32
      %dma_start3A_909 = arith.constant 0 : i32
      %dma_start3A_910 = tpu.memref_slice %arg9[%add3A_757, %dma_start3A, %dma_start3A_908, %dma_start3A_909] : memref<256x128x16x128xf32, #tpu.memory_space<hbm>> -> memref<1x32x16x128xf32, #tpu.memory_space<hbm>>
      %dma_start3A_911 = tpu.memref_squeeze %dma_start3A_910 : memref<1x32x16x128xf32, #tpu.memory_space<hbm>> -> memref<32x16x128xf32, #tpu.memory_space<hbm>>
      %dma_start3A_912 = arith.constant 32 : i32
      %dma_start3A_913 = arith.constant 0 : i32
      %dma_start3A_914 = arith.constant 0 : i32
      %dma_start3A_915 = tpu.memref_slice %arg9[%add3A_757, %dma_start3A_912, %dma_start3A_913, %dma_start3A_914] : memref<256x128x16x128xf32, #tpu.memory_space<hbm>> -> memref<1x32x16x128xf32, #tpu.memory_space<hbm>>
      %dma_start3A_916 = tpu.memref_squeeze %dma_start3A_915 : memref<1x32x16x128xf32, #tpu.memory_space<hbm>> -> memref<32x16x128xf32, #tpu.memory_space<hbm>>
      tpu.enqueue_dma source(%arg16 : memref<32x16x128xf32, #tpu.memory_space<vmem>>) target(%dma_start3A_916 : memref<32x16x128xf32, #tpu.memory_space<hbm>>) target_semaphore(%run_scoped3A : memref<!tpu.dma_semaphore, #tpu.memory_space<semaphore_mem>>)
      %dma_wait3A = arith.constant 32 : i32
      %dma_wait3A_917 = arith.constant 0 : i32
      %dma_wait3A_918 = arith.constant 0 : i32
      %dma_wait3A_919 = tpu.memref_slice %arg9[%add3A_757, %dma_wait3A, %dma_wait3A_917, %dma_wait3A_918] : memref<256x128x16x128xf32, #tpu.memory_space<hbm>> -> memref<1x32x16x128xf32, #tpu.memory_space<hbm>>
      %dma_wait3A_920 = tpu.memref_squeeze %dma_wait3A_919 : memref<1x32x16x128xf32, #tpu.memory_space<hbm>> -> memref<32x16x128xf32, #tpu.memory_space<hbm>>
      %dma_wait3A_921 = arith.constant 32 : i32
      %dma_wait3A_922 = arith.constant 0 : i32
      %dma_wait3A_923 = arith.constant 0 : i32
      %dma_wait3A_924 = tpu.memref_slice %arg9[%add3A_757, %dma_wait3A_921, %dma_wait3A_922, %dma_wait3A_923] : memref<256x128x16x128xf32, #tpu.memory_space<hbm>> -> memref<1x32x16x128xf32, #tpu.memory_space<hbm>>
      %dma_wait3A_925 = tpu.memref_squeeze %dma_wait3A_924 : memref<1x32x16x128xf32, #tpu.memory_space<hbm>> -> memref<32x16x128xf32, #tpu.memory_space<hbm>>
      tpu.wait_dma2 semaphore(%run_scoped3A : memref<!tpu.dma_semaphore, #tpu.memory_space<semaphore_mem>>) src(%arg16 : memref<32x16x128xf32, #tpu.memory_space<vmem>>) dst(%dma_wait3A_925 : memref<32x16x128xf32, #tpu.memory_space<hbm>>)
      tpu.yield
    }) : () -> ()
    tpu.vector_store_idx %arg16[%min3A_755, %iota3A, %min3A_721], %broadcast_in_dim3A_5 masked %and3A_746 : memref<32x16x128xf32, #tpu.memory_space<vmem>>[vector<16xi32>, vector<16xi32>, vector<16xi32>], vector<16xf32>, vector<16xi1>
    %ge3A_758 = arith.constant 64 : i32
    %ge3A_759 = vector.broadcast %ge3A_758 : i32 to vector<16xi32>
    %ge3A_760 = arith.cmpi sge, %min3A_704, %ge3A_759 : vector<16xi32>
    %lt3A_761 = arith.constant 96 : i32
    %lt3A_762 = vector.broadcast %lt3A_761 : i32 to vector<16xi32>
    %lt3A_763 = arith.cmpi slt, %min3A_704, %lt3A_762 : vector<16xi32>
    %and3A_764 = arith.andi %ge3A_760, %lt3A_763 : vector<16xi1>
    %sub3A_765 = arith.constant 64 : i32
    %sub3A_766 = vector.broadcast %sub3A_765 : i32 to vector<16xi32>
    %sub3A_767 = arith.subi %min3A_704, %sub3A_766 : vector<16xi32>
    %jit3A_768 = arith.constant 0 : i32
    %jit3A_769 = arith.constant 31 : i32
    %max3A_770 = vector.broadcast %jit3A_768 : i32 to vector<16xi32>
    %max3A_771 = arith.maxsi %max3A_770, %sub3A_767 : vector<16xi32>
    %min3A_772 = vector.broadcast %jit3A_769 : i32 to vector<16xi32>
    %min3A_773 = arith.minsi %min3A_772, %max3A_771 : vector<16xi32>
    tpu.vector_store_idx %arg16[%min3A_773, %iota3A, %min3A_721], %broadcast_in_dim3A_3 masked %and3A_764 : memref<32x16x128xf32, #tpu.memory_space<vmem>>[vector<16xi32>, vector<16xi32>, vector<16xi32>], vector<16xf32>, vector<16xi1>
    %add3A_774 = arith.constant 6 : i32
    %add3A_775 = arith.addi %mul3A_2, %add3A_774 : i32
    "tpu.region"() ({
      %run_scoped3A = tpu.sem_alloc : memref<!tpu.dma_semaphore, #tpu.memory_space<semaphore_mem>>
      %dma_start3A = arith.constant 64 : i32
      %dma_start3A_908 = arith.constant 0 : i32
      %dma_start3A_909 = arith.constant 0 : i32
      %dma_start3A_910 = tpu.memref_slice %arg9[%add3A_775, %dma_start3A, %dma_start3A_908, %dma_start3A_909] : memref<256x128x16x128xf32, #tpu.memory_space<hbm>> -> memref<1x32x16x128xf32, #tpu.memory_space<hbm>>
      %dma_start3A_911 = tpu.memref_squeeze %dma_start3A_910 : memref<1x32x16x128xf32, #tpu.memory_space<hbm>> -> memref<32x16x128xf32, #tpu.memory_space<hbm>>
      %dma_start3A_912 = arith.constant 64 : i32
      %dma_start3A_913 = arith.constant 0 : i32
      %dma_start3A_914 = arith.constant 0 : i32
      %dma_start3A_915 = tpu.memref_slice %arg9[%add3A_775, %dma_start3A_912, %dma_start3A_913, %dma_start3A_914] : memref<256x128x16x128xf32, #tpu.memory_space<hbm>> -> memref<1x32x16x128xf32, #tpu.memory_space<hbm>>
      %dma_start3A_916 = tpu.memref_squeeze %dma_start3A_915 : memref<1x32x16x128xf32, #tpu.memory_space<hbm>> -> memref<32x16x128xf32, #tpu.memory_space<hbm>>
      tpu.enqueue_dma source(%arg16 : memref<32x16x128xf32, #tpu.memory_space<vmem>>) target(%dma_start3A_916 : memref<32x16x128xf32, #tpu.memory_space<hbm>>) target_semaphore(%run_scoped3A : memref<!tpu.dma_semaphore, #tpu.memory_space<semaphore_mem>>)
      %dma_wait3A = arith.constant 64 : i32
      %dma_wait3A_917 = arith.constant 0 : i32
      %dma_wait3A_918 = arith.constant 0 : i32
      %dma_wait3A_919 = tpu.memref_slice %arg9[%add3A_775, %dma_wait3A, %dma_wait3A_917, %dma_wait3A_918] : memref<256x128x16x128xf32, #tpu.memory_space<hbm>> -> memref<1x32x16x128xf32, #tpu.memory_space<hbm>>
      %dma_wait3A_920 = tpu.memref_squeeze %dma_wait3A_919 : memref<1x32x16x128xf32, #tpu.memory_space<hbm>> -> memref<32x16x128xf32, #tpu.memory_space<hbm>>
      %dma_wait3A_921 = arith.constant 64 : i32
      %dma_wait3A_922 = arith.constant 0 : i32
      %dma_wait3A_923 = arith.constant 0 : i32
      %dma_wait3A_924 = tpu.memref_slice %arg9[%add3A_775, %dma_wait3A_921, %dma_wait3A_922, %dma_wait3A_923] : memref<256x128x16x128xf32, #tpu.memory_space<hbm>> -> memref<1x32x16x128xf32, #tpu.memory_space<hbm>>
      %dma_wait3A_925 = tpu.memref_squeeze %dma_wait3A_924 : memref<1x32x16x128xf32, #tpu.memory_space<hbm>> -> memref<32x16x128xf32, #tpu.memory_space<hbm>>
      tpu.wait_dma2 semaphore(%run_scoped3A : memref<!tpu.dma_semaphore, #tpu.memory_space<semaphore_mem>>) src(%arg16 : memref<32x16x128xf32, #tpu.memory_space<vmem>>) dst(%dma_wait3A_925 : memref<32x16x128xf32, #tpu.memory_space<hbm>>)
      tpu.yield
    }) : () -> ()
    tpu.vector_store_idx %arg16[%min3A_773, %iota3A, %min3A_721], %broadcast_in_dim3A_5 masked %and3A_764 : memref<32x16x128xf32, #tpu.memory_space<vmem>>[vector<16xi32>, vector<16xi32>, vector<16xi32>], vector<16xf32>, vector<16xi1>
    %ge3A_776 = arith.constant 96 : i32
    %ge3A_777 = vector.broadcast %ge3A_776 : i32 to vector<16xi32>
    %ge3A_778 = arith.cmpi sge, %min3A_704, %ge3A_777 : vector<16xi32>
    %lt3A_779 = arith.constant 128 : i32
    %lt3A_780 = vector.broadcast %lt3A_779 : i32 to vector<16xi32>
    %lt3A_781 = arith.cmpi slt, %min3A_704, %lt3A_780 : vector<16xi32>
    %and3A_782 = arith.andi %ge3A_778, %lt3A_781 : vector<16xi1>
    %sub3A_783 = arith.constant 96 : i32
    %sub3A_784 = vector.broadcast %sub3A_783 : i32 to vector<16xi32>
    %sub3A_785 = arith.subi %min3A_704, %sub3A_784 : vector<16xi32>
    %jit3A_786 = arith.constant 0 : i32
    %jit3A_787 = arith.constant 31 : i32
    %max3A_788 = vector.broadcast %jit3A_786 : i32 to vector<16xi32>
    %max3A_789 = arith.maxsi %max3A_788, %sub3A_785 : vector<16xi32>
    %min3A_790 = vector.broadcast %jit3A_787 : i32 to vector<16xi32>
    %min3A_791 = arith.minsi %min3A_790, %max3A_789 : vector<16xi32>
    tpu.vector_store_idx %arg16[%min3A_791, %iota3A, %min3A_721], %broadcast_in_dim3A_3 masked %and3A_782 : memref<32x16x128xf32, #tpu.memory_space<vmem>>[vector<16xi32>, vector<16xi32>, vector<16xi32>], vector<16xf32>, vector<16xi1>
    %add3A_792 = arith.constant 6 : i32
    %add3A_793 = arith.addi %mul3A_2, %add3A_792 : i32
    "tpu.region"() ({
      %run_scoped3A = tpu.sem_alloc : memref<!tpu.dma_semaphore, #tpu.memory_space<semaphore_mem>>
      %dma_start3A = arith.constant 96 : i32
      %dma_start3A_908 = arith.constant 0 : i32
      %dma_start3A_909 = arith.constant 0 : i32
      %dma_start3A_910 = tpu.memref_slice %arg9[%add3A_793, %dma_start3A, %dma_start3A_908, %dma_start3A_909] : memref<256x128x16x128xf32, #tpu.memory_space<hbm>> -> memref<1x32x16x128xf32, #tpu.memory_space<hbm>>
      %dma_start3A_911 = tpu.memref_squeeze %dma_start3A_910 : memref<1x32x16x128xf32, #tpu.memory_space<hbm>> -> memref<32x16x128xf32, #tpu.memory_space<hbm>>
      %dma_start3A_912 = arith.constant 96 : i32
      %dma_start3A_913 = arith.constant 0 : i32
      %dma_start3A_914 = arith.constant 0 : i32
      %dma_start3A_915 = tpu.memref_slice %arg9[%add3A_793, %dma_start3A_912, %dma_start3A_913, %dma_start3A_914] : memref<256x128x16x128xf32, #tpu.memory_space<hbm>> -> memref<1x32x16x128xf32, #tpu.memory_space<hbm>>
      %dma_start3A_916 = tpu.memref_squeeze %dma_start3A_915 : memref<1x32x16x128xf32, #tpu.memory_space<hbm>> -> memref<32x16x128xf32, #tpu.memory_space<hbm>>
      tpu.enqueue_dma source(%arg16 : memref<32x16x128xf32, #tpu.memory_space<vmem>>) target(%dma_start3A_916 : memref<32x16x128xf32, #tpu.memory_space<hbm>>) target_semaphore(%run_scoped3A : memref<!tpu.dma_semaphore, #tpu.memory_space<semaphore_mem>>)
      %dma_wait3A = arith.constant 96 : i32
      %dma_wait3A_917 = arith.constant 0 : i32
      %dma_wait3A_918 = arith.constant 0 : i32
      %dma_wait3A_919 = tpu.memref_slice %arg9[%add3A_793, %dma_wait3A, %dma_wait3A_917, %dma_wait3A_918] : memref<256x128x16x128xf32, #tpu.memory_space<hbm>> -> memref<1x32x16x128xf32, #tpu.memory_space<hbm>>
      %dma_wait3A_920 = tpu.memref_squeeze %dma_wait3A_919 : memref<1x32x16x128xf32, #tpu.memory_space<hbm>> -> memref<32x16x128xf32, #tpu.memory_space<hbm>>
      %dma_wait3A_921 = arith.constant 96 : i32
      %dma_wait3A_922 = arith.constant 0 : i32
      %dma_wait3A_923 = arith.constant 0 : i32
      %dma_wait3A_924 = tpu.memref_slice %arg9[%add3A_793, %dma_wait3A_921, %dma_wait3A_922, %dma_wait3A_923] : memref<256x128x16x128xf32, #tpu.memory_space<hbm>> -> memref<1x32x16x128xf32, #tpu.memory_space<hbm>>
      %dma_wait3A_925 = tpu.memref_squeeze %dma_wait3A_924 : memref<1x32x16x128xf32, #tpu.memory_space<hbm>> -> memref<32x16x128xf32, #tpu.memory_space<hbm>>
      tpu.wait_dma2 semaphore(%run_scoped3A : memref<!tpu.dma_semaphore, #tpu.memory_space<semaphore_mem>>) src(%arg16 : memref<32x16x128xf32, #tpu.memory_space<vmem>>) dst(%dma_wait3A_925 : memref<32x16x128xf32, #tpu.memory_space<hbm>>)
      tpu.yield
    }) : () -> ()
    tpu.vector_store_idx %arg16[%min3A_791, %iota3A, %min3A_721], %broadcast_in_dim3A_5 masked %and3A_782 : memref<32x16x128xf32, #tpu.memory_space<vmem>>[vector<16xi32>, vector<16xi32>, vector<16xi32>], vector<16xf32>, vector<16xi1>
    %get3A_794 = arith.constant 7 : i32
    %get3A_795 = arith.index_cast %get3A_794 : i32 to index
    %get3A_796 = arith.constant 0 : index
    %get3A_797 = tpu.vector_load %arg10[%get3A_795, %get3A_796] {strides = array<i32>} : memref<8x16xf32, #tpu.memory_space<vmem>>, vector<16xf32>,
    %get3A_798 = arith.constant 7 : i32
    %get3A_799 = arith.index_cast %get3A_798 : i32 to index
    %get3A_800 = arith.constant 0 : index
    %get3A_801 = tpu.vector_load %arg11[%get3A_799, %get3A_800] {strides = array<i32>} : memref<8x16xf32, #tpu.memory_space<vmem>>, vector<16xf32>,
    %get3A_802 = arith.constant 7 : i32
    %get3A_803 = arith.index_cast %get3A_802 : i32 to index
    %get3A_804 = arith.constant 0 : index
    %get3A_805 = tpu.vector_load %arg12[%get3A_803, %get3A_804] {strides = array<i32>} : memref<8x16xf32, #tpu.memory_space<vmem>>, vector<16xf32>,
    %div3A_806 = arith.divf %get3A_801, %get3A_805 : vector<16xf32>
    %get3A_807 = arith.constant 7 : i32
    %get3A_808 = arith.index_cast %get3A_807 : i32 to index
    %get3A_809 = arith.constant 0 : index
    %get3A_810 = tpu.vector_load %arg14[%get3A_808, %get3A_809] {strides = array<i32>} : memref<8x16xf32, #tpu.memory_space<vmem>>, vector<16xf32>,
    %add3A_811 = arith.addf %div3A_806, %get3A_810 : vector<16xf32>
    %convert_element_type3A_812 = arith.fptosi %add3A_811 : vector<16xf32> to vector<16xi32>
    %jit3A_813 = arith.constant 0 : i32
    %jit3A_814 = arith.constant 127 : i32
    %max3A_815 = vector.broadcast %jit3A_813 : i32 to vector<16xi32>
    %max3A_816 = arith.maxsi %max3A_815, %convert_element_type3A_812 : vector<16xi32>
    %min3A_817 = vector.broadcast %jit3A_814 : i32 to vector<16xi32>
    %min3A_818 = arith.minsi %min3A_817, %max3A_816 : vector<16xi32>
    %get3A_819 = arith.constant 7 : i32
    %get3A_820 = arith.index_cast %get3A_819 : i32 to index
    %get3A_821 = arith.constant 0 : index
    %get3A_822 = tpu.vector_load %arg13[%get3A_820, %get3A_821] {strides = array<i32>} : memref<8x16xf32, #tpu.memory_space<vmem>>, vector<16xf32>,
    %div3A_823 = arith.divf %get3A_797, %get3A_822 : vector<16xf32>
    %get3A_824 = arith.constant 7 : i32
    %get3A_825 = arith.index_cast %get3A_824 : i32 to index
    %get3A_826 = arith.constant 0 : index
    %get3A_827 = tpu.vector_load %arg15[%get3A_825, %get3A_826] {strides = array<i32>} : memref<8x16xf32, #tpu.memory_space<vmem>>, vector<16xf32>,
    %add3A_828 = arith.addf %div3A_823, %get3A_827 : vector<16xf32>
    %convert_element_type3A_829 = arith.fptosi %add3A_828 : vector<16xf32> to vector<16xi32>
    %jit3A_830 = arith.constant 0 : i32
    %jit3A_831 = arith.constant 127 : i32
    %max3A_832 = vector.broadcast %jit3A_830 : i32 to vector<16xi32>
    %max3A_833 = arith.maxsi %max3A_832, %convert_element_type3A_829 : vector<16xi32>
    %min3A_834 = vector.broadcast %jit3A_831 : i32 to vector<16xi32>
    %min3A_835 = arith.minsi %min3A_834, %max3A_833 : vector<16xi32>
    %ge3A_836 = arith.constant 0 : i32
    %ge3A_837 = vector.broadcast %ge3A_836 : i32 to vector<16xi32>
    %ge3A_838 = arith.cmpi sge, %min3A_818, %ge3A_837 : vector<16xi32>
    %lt3A_839 = arith.constant 32 : i32
    %lt3A_840 = vector.broadcast %lt3A_839 : i32 to vector<16xi32>
    %lt3A_841 = arith.cmpi slt, %min3A_818, %lt3A_840 : vector<16xi32>
    %and3A_842 = arith.andi %ge3A_838, %lt3A_841 : vector<16xi1>
    %sub3A_843 = arith.constant 0 : i32
    %sub3A_844 = vector.broadcast %sub3A_843 : i32 to vector<16xi32>
    %sub3A_845 = arith.subi %min3A_818, %sub3A_844 : vector<16xi32>
    %jit3A_846 = arith.constant 0 : i32
    %jit3A_847 = arith.constant 31 : i32
    %max3A_848 = vector.broadcast %jit3A_846 : i32 to vector<16xi32>
    %max3A_849 = arith.maxsi %max3A_848, %sub3A_845 : vector<16xi32>
    %min3A_850 = vector.broadcast %jit3A_847 : i32 to vector<16xi32>
    %min3A_851 = arith.minsi %min3A_850, %max3A_849 : vector<16xi32>
    tpu.vector_store_idx %arg16[%min3A_851, %iota3A, %min3A_835], %broadcast_in_dim3A_3 masked %and3A_842 : memref<32x16x128xf32, #tpu.memory_space<vmem>>[vector<16xi32>, vector<16xi32>, vector<16xi32>], vector<16xf32>, vector<16xi1>
    %add3A_852 = arith.constant 7 : i32
    %add3A_853 = arith.addi %mul3A_2, %add3A_852 : i32
    "tpu.region"() ({
      %run_scoped3A = tpu.sem_alloc : memref<!tpu.dma_semaphore, #tpu.memory_space<semaphore_mem>>
      %dma_start3A = arith.constant 0 : i32
      %dma_start3A_908 = arith.constant 0 : i32
      %dma_start3A_909 = arith.constant 0 : i32
      %dma_start3A_910 = tpu.memref_slice %arg9[%add3A_853, %dma_start3A, %dma_start3A_908, %dma_start3A_909] : memref<256x128x16x128xf32, #tpu.memory_space<hbm>> -> memref<1x32x16x128xf32, #tpu.memory_space<hbm>>
      %dma_start3A_911 = tpu.memref_squeeze %dma_start3A_910 : memref<1x32x16x128xf32, #tpu.memory_space<hbm>> -> memref<32x16x128xf32, #tpu.memory_space<hbm>>
      %dma_start3A_912 = arith.constant 0 : i32
      %dma_start3A_913 = arith.constant 0 : i32
      %dma_start3A_914 = arith.constant 0 : i32
      %dma_start3A_915 = tpu.memref_slice %arg9[%add3A_853, %dma_start3A_912, %dma_start3A_913, %dma_start3A_914] : memref<256x128x16x128xf32, #tpu.memory_space<hbm>> -> memref<1x32x16x128xf32, #tpu.memory_space<hbm>>
      %dma_start3A_916 = tpu.memref_squeeze %dma_start3A_915 : memref<1x32x16x128xf32, #tpu.memory_space<hbm>> -> memref<32x16x128xf32, #tpu.memory_space<hbm>>
      tpu.enqueue_dma source(%arg16 : memref<32x16x128xf32, #tpu.memory_space<vmem>>) target(%dma_start3A_916 : memref<32x16x128xf32, #tpu.memory_space<hbm>>) target_semaphore(%run_scoped3A : memref<!tpu.dma_semaphore, #tpu.memory_space<semaphore_mem>>)
      %dma_wait3A = arith.constant 0 : i32
      %dma_wait3A_917 = arith.constant 0 : i32
      %dma_wait3A_918 = arith.constant 0 : i32
      %dma_wait3A_919 = tpu.memref_slice %arg9[%add3A_853, %dma_wait3A, %dma_wait3A_917, %dma_wait3A_918] : memref<256x128x16x128xf32, #tpu.memory_space<hbm>> -> memref<1x32x16x128xf32, #tpu.memory_space<hbm>>
      %dma_wait3A_920 = tpu.memref_squeeze %dma_wait3A_919 : memref<1x32x16x128xf32, #tpu.memory_space<hbm>> -> memref<32x16x128xf32, #tpu.memory_space<hbm>>
      %dma_wait3A_921 = arith.constant 0 : i32
      %dma_wait3A_922 = arith.constant 0 : i32
      %dma_wait3A_923 = arith.constant 0 : i32
      %dma_wait3A_924 = tpu.memref_slice %arg9[%add3A_853, %dma_wait3A_921, %dma_wait3A_922, %dma_wait3A_923] : memref<256x128x16x128xf32, #tpu.memory_space<hbm>> -> memref<1x32x16x128xf32, #tpu.memory_space<hbm>>
      %dma_wait3A_925 = tpu.memref_squeeze %dma_wait3A_924 : memref<1x32x16x128xf32, #tpu.memory_space<hbm>> -> memref<32x16x128xf32, #tpu.memory_space<hbm>>
      tpu.wait_dma2 semaphore(%run_scoped3A : memref<!tpu.dma_semaphore, #tpu.memory_space<semaphore_mem>>) src(%arg16 : memref<32x16x128xf32, #tpu.memory_space<vmem>>) dst(%dma_wait3A_925 : memref<32x16x128xf32, #tpu.memory_space<hbm>>)
      tpu.yield
    }) : () -> ()
    tpu.vector_store_idx %arg16[%min3A_851, %iota3A, %min3A_835], %broadcast_in_dim3A_5 masked %and3A_842 : memref<32x16x128xf32, #tpu.memory_space<vmem>>[vector<16xi32>, vector<16xi32>, vector<16xi32>], vector<16xf32>, vector<16xi1>
    %ge3A_854 = arith.constant 32 : i32
    %ge3A_855 = vector.broadcast %ge3A_854 : i32 to vector<16xi32>
    %ge3A_856 = arith.cmpi sge, %min3A_818, %ge3A_855 : vector<16xi32>
    %lt3A_857 = arith.constant 64 : i32
    %lt3A_858 = vector.broadcast %lt3A_857 : i32 to vector<16xi32>
    %lt3A_859 = arith.cmpi slt, %min3A_818, %lt3A_858 : vector<16xi32>
    %and3A_860 = arith.andi %ge3A_856, %lt3A_859 : vector<16xi1>
    %sub3A_861 = arith.constant 32 : i32
    %sub3A_862 = vector.broadcast %sub3A_861 : i32 to vector<16xi32>
    %sub3A_863 = arith.subi %min3A_818, %sub3A_862 : vector<16xi32>
    %jit3A_864 = arith.constant 0 : i32
    %jit3A_865 = arith.constant 31 : i32
    %max3A_866 = vector.broadcast %jit3A_864 : i32 to vector<16xi32>
    %max3A_867 = arith.maxsi %max3A_866, %sub3A_863 : vector<16xi32>
    %min3A_868 = vector.broadcast %jit3A_865 : i32 to vector<16xi32>
    %min3A_869 = arith.minsi %min3A_868, %max3A_867 : vector<16xi32>
    tpu.vector_store_idx %arg16[%min3A_869, %iota3A, %min3A_835], %broadcast_in_dim3A_3 masked %and3A_860 : memref<32x16x128xf32, #tpu.memory_space<vmem>>[vector<16xi32>, vector<16xi32>, vector<16xi32>], vector<16xf32>, vector<16xi1>
    %add3A_870 = arith.constant 7 : i32
    %add3A_871 = arith.addi %mul3A_2, %add3A_870 : i32
    "tpu.region"() ({
      %run_scoped3A = tpu.sem_alloc : memref<!tpu.dma_semaphore, #tpu.memory_space<semaphore_mem>>
      %dma_start3A = arith.constant 32 : i32
      %dma_start3A_908 = arith.constant 0 : i32
      %dma_start3A_909 = arith.constant 0 : i32
      %dma_start3A_910 = tpu.memref_slice %arg9[%add3A_871, %dma_start3A, %dma_start3A_908, %dma_start3A_909] : memref<256x128x16x128xf32, #tpu.memory_space<hbm>> -> memref<1x32x16x128xf32, #tpu.memory_space<hbm>>
      %dma_start3A_911 = tpu.memref_squeeze %dma_start3A_910 : memref<1x32x16x128xf32, #tpu.memory_space<hbm>> -> memref<32x16x128xf32, #tpu.memory_space<hbm>>
      %dma_start3A_912 = arith.constant 32 : i32
      %dma_start3A_913 = arith.constant 0 : i32
      %dma_start3A_914 = arith.constant 0 : i32
      %dma_start3A_915 = tpu.memref_slice %arg9[%add3A_871, %dma_start3A_912, %dma_start3A_913, %dma_start3A_914] : memref<256x128x16x128xf32, #tpu.memory_space<hbm>> -> memref<1x32x16x128xf32, #tpu.memory_space<hbm>>
      %dma_start3A_916 = tpu.memref_squeeze %dma_start3A_915 : memref<1x32x16x128xf32, #tpu.memory_space<hbm>> -> memref<32x16x128xf32, #tpu.memory_space<hbm>>
      tpu.enqueue_dma source(%arg16 : memref<32x16x128xf32, #tpu.memory_space<vmem>>) target(%dma_start3A_916 : memref<32x16x128xf32, #tpu.memory_space<hbm>>) target_semaphore(%run_scoped3A : memref<!tpu.dma_semaphore, #tpu.memory_space<semaphore_mem>>)
      %dma_wait3A = arith.constant 32 : i32
      %dma_wait3A_917 = arith.constant 0 : i32
      %dma_wait3A_918 = arith.constant 0 : i32
      %dma_wait3A_919 = tpu.memref_slice %arg9[%add3A_871, %dma_wait3A, %dma_wait3A_917, %dma_wait3A_918] : memref<256x128x16x128xf32, #tpu.memory_space<hbm>> -> memref<1x32x16x128xf32, #tpu.memory_space<hbm>>
      %dma_wait3A_920 = tpu.memref_squeeze %dma_wait3A_919 : memref<1x32x16x128xf32, #tpu.memory_space<hbm>> -> memref<32x16x128xf32, #tpu.memory_space<hbm>>
      %dma_wait3A_921 = arith.constant 32 : i32
      %dma_wait3A_922 = arith.constant 0 : i32
      %dma_wait3A_923 = arith.constant 0 : i32
      %dma_wait3A_924 = tpu.memref_slice %arg9[%add3A_871, %dma_wait3A_921, %dma_wait3A_922, %dma_wait3A_923] : memref<256x128x16x128xf32, #tpu.memory_space<hbm>> -> memref<1x32x16x128xf32, #tpu.memory_space<hbm>>
      %dma_wait3A_925 = tpu.memref_squeeze %dma_wait3A_924 : memref<1x32x16x128xf32, #tpu.memory_space<hbm>> -> memref<32x16x128xf32, #tpu.memory_space<hbm>>
      tpu.wait_dma2 semaphore(%run_scoped3A : memref<!tpu.dma_semaphore, #tpu.memory_space<semaphore_mem>>) src(%arg16 : memref<32x16x128xf32, #tpu.memory_space<vmem>>) dst(%dma_wait3A_925 : memref<32x16x128xf32, #tpu.memory_space<hbm>>)
      tpu.yield
    }) : () -> ()
    tpu.vector_store_idx %arg16[%min3A_869, %iota3A, %min3A_835], %broadcast_in_dim3A_5 masked %and3A_860 : memref<32x16x128xf32, #tpu.memory_space<vmem>>[vector<16xi32>, vector<16xi32>, vector<16xi32>], vector<16xf32>, vector<16xi1>
    %ge3A_872 = arith.constant 64 : i32
    %ge3A_873 = vector.broadcast %ge3A_872 : i32 to vector<16xi32>
    %ge3A_874 = arith.cmpi sge, %min3A_818, %ge3A_873 : vector<16xi32>
    %lt3A_875 = arith.constant 96 : i32
    %lt3A_876 = vector.broadcast %lt3A_875 : i32 to vector<16xi32>
    %lt3A_877 = arith.cmpi slt, %min3A_818, %lt3A_876 : vector<16xi32>
    %and3A_878 = arith.andi %ge3A_874, %lt3A_877 : vector<16xi1>
    %sub3A_879 = arith.constant 64 : i32
    %sub3A_880 = vector.broadcast %sub3A_879 : i32 to vector<16xi32>
    %sub3A_881 = arith.subi %min3A_818, %sub3A_880 : vector<16xi32>
    %jit3A_882 = arith.constant 0 : i32
    %jit3A_883 = arith.constant 31 : i32
    %max3A_884 = vector.broadcast %jit3A_882 : i32 to vector<16xi32>
    %max3A_885 = arith.maxsi %max3A_884, %sub3A_881 : vector<16xi32>
    %min3A_886 = vector.broadcast %jit3A_883 : i32 to vector<16xi32>
    %min3A_887 = arith.minsi %min3A_886, %max3A_885 : vector<16xi32>
    tpu.vector_store_idx %arg16[%min3A_887, %iota3A, %min3A_835], %broadcast_in_dim3A_3 masked %and3A_878 : memref<32x16x128xf32, #tpu.memory_space<vmem>>[vector<16xi32>, vector<16xi32>, vector<16xi32>], vector<16xf32>, vector<16xi1>
    %add3A_888 = arith.constant 7 : i32
    %add3A_889 = arith.addi %mul3A_2, %add3A_888 : i32
    "tpu.region"() ({
      %run_scoped3A = tpu.sem_alloc : memref<!tpu.dma_semaphore, #tpu.memory_space<semaphore_mem>>
      %dma_start3A = arith.constant 64 : i32
      %dma_start3A_908 = arith.constant 0 : i32
      %dma_start3A_909 = arith.constant 0 : i32
      %dma_start3A_910 = tpu.memref_slice %arg9[%add3A_889, %dma_start3A, %dma_start3A_908, %dma_start3A_909] : memref<256x128x16x128xf32, #tpu.memory_space<hbm>> -> memref<1x32x16x128xf32, #tpu.memory_space<hbm>>
      %dma_start3A_911 = tpu.memref_squeeze %dma_start3A_910 : memref<1x32x16x128xf32, #tpu.memory_space<hbm>> -> memref<32x16x128xf32, #tpu.memory_space<hbm>>
      %dma_start3A_912 = arith.constant 64 : i32
      %dma_start3A_913 = arith.constant 0 : i32
      %dma_start3A_914 = arith.constant 0 : i32
      %dma_start3A_915 = tpu.memref_slice %arg9[%add3A_889, %dma_start3A_912, %dma_start3A_913, %dma_start3A_914] : memref<256x128x16x128xf32, #tpu.memory_space<hbm>> -> memref<1x32x16x128xf32, #tpu.memory_space<hbm>>
      %dma_start3A_916 = tpu.memref_squeeze %dma_start3A_915 : memref<1x32x16x128xf32, #tpu.memory_space<hbm>> -> memref<32x16x128xf32, #tpu.memory_space<hbm>>
      tpu.enqueue_dma source(%arg16 : memref<32x16x128xf32, #tpu.memory_space<vmem>>) target(%dma_start3A_916 : memref<32x16x128xf32, #tpu.memory_space<hbm>>) target_semaphore(%run_scoped3A : memref<!tpu.dma_semaphore, #tpu.memory_space<semaphore_mem>>)
      %dma_wait3A = arith.constant 64 : i32
      %dma_wait3A_917 = arith.constant 0 : i32
      %dma_wait3A_918 = arith.constant 0 : i32
      %dma_wait3A_919 = tpu.memref_slice %arg9[%add3A_889, %dma_wait3A, %dma_wait3A_917, %dma_wait3A_918] : memref<256x128x16x128xf32, #tpu.memory_space<hbm>> -> memref<1x32x16x128xf32, #tpu.memory_space<hbm>>
      %dma_wait3A_920 = tpu.memref_squeeze %dma_wait3A_919 : memref<1x32x16x128xf32, #tpu.memory_space<hbm>> -> memref<32x16x128xf32, #tpu.memory_space<hbm>>
      %dma_wait3A_921 = arith.constant 64 : i32
      %dma_wait3A_922 = arith.constant 0 : i32
      %dma_wait3A_923 = arith.constant 0 : i32
      %dma_wait3A_924 = tpu.memref_slice %arg9[%add3A_889, %dma_wait3A_921, %dma_wait3A_922, %dma_wait3A_923] : memref<256x128x16x128xf32, #tpu.memory_space<hbm>> -> memref<1x32x16x128xf32, #tpu.memory_space<hbm>>
      %dma_wait3A_925 = tpu.memref_squeeze %dma_wait3A_924 : memref<1x32x16x128xf32, #tpu.memory_space<hbm>> -> memref<32x16x128xf32, #tpu.memory_space<hbm>>
      tpu.wait_dma2 semaphore(%run_scoped3A : memref<!tpu.dma_semaphore, #tpu.memory_space<semaphore_mem>>) src(%arg16 : memref<32x16x128xf32, #tpu.memory_space<vmem>>) dst(%dma_wait3A_925 : memref<32x16x128xf32, #tpu.memory_space<hbm>>)
      tpu.yield
    }) : () -> ()
    tpu.vector_store_idx %arg16[%min3A_887, %iota3A, %min3A_835], %broadcast_in_dim3A_5 masked %and3A_878 : memref<32x16x128xf32, #tpu.memory_space<vmem>>[vector<16xi32>, vector<16xi32>, vector<16xi32>], vector<16xf32>, vector<16xi1>
    %ge3A_890 = arith.constant 96 : i32
    %ge3A_891 = vector.broadcast %ge3A_890 : i32 to vector<16xi32>
    %ge3A_892 = arith.cmpi sge, %min3A_818, %ge3A_891 : vector<16xi32>
    %lt3A_893 = arith.constant 128 : i32
    %lt3A_894 = vector.broadcast %lt3A_893 : i32 to vector<16xi32>
    %lt3A_895 = arith.cmpi slt, %min3A_818, %lt3A_894 : vector<16xi32>
    %and3A_896 = arith.andi %ge3A_892, %lt3A_895 : vector<16xi1>
    %sub3A_897 = arith.constant 96 : i32
    %sub3A_898 = vector.broadcast %sub3A_897 : i32 to vector<16xi32>
    %sub3A_899 = arith.subi %min3A_818, %sub3A_898 : vector<16xi32>
    %jit3A_900 = arith.constant 0 : i32
    %jit3A_901 = arith.constant 31 : i32
    %max3A_902 = vector.broadcast %jit3A_900 : i32 to vector<16xi32>
    %max3A_903 = arith.maxsi %max3A_902, %sub3A_899 : vector<16xi32>
    %min3A_904 = vector.broadcast %jit3A_901 : i32 to vector<16xi32>
    %min3A_905 = arith.minsi %min3A_904, %max3A_903 : vector<16xi32>
    tpu.vector_store_idx %arg16[%min3A_905, %iota3A, %min3A_835], %broadcast_in_dim3A_3 masked %and3A_896 : memref<32x16x128xf32, #tpu.memory_space<vmem>>[vector<16xi32>, vector<16xi32>, vector<16xi32>], vector<16xf32>, vector<16xi1>
    %add3A_906 = arith.constant 7 : i32
    %add3A_907 = arith.addi %mul3A_2, %add3A_906 : i32
    "tpu.region"() ({
      %run_scoped3A = tpu.sem_alloc : memref<!tpu.dma_semaphore, #tpu.memory_space<semaphore_mem>>
      %dma_start3A = arith.constant 96 : i32
      %dma_start3A_908 = arith.constant 0 : i32
      %dma_start3A_909 = arith.constant 0 : i32
      %dma_start3A_910 = tpu.memref_slice %arg9[%add3A_907, %dma_start3A, %dma_start3A_908, %dma_start3A_909] : memref<256x128x16x128xf32, #tpu.memory_space<hbm>> -> memref<1x32x16x128xf32, #tpu.memory_space<hbm>>
      %dma_start3A_911 = tpu.memref_squeeze %dma_start3A_910 : memref<1x32x16x128xf32, #tpu.memory_space<hbm>> -> memref<32x16x128xf32, #tpu.memory_space<hbm>>
      %dma_start3A_912 = arith.constant 96 : i32
      %dma_start3A_913 = arith.constant 0 : i32
      %dma_start3A_914 = arith.constant 0 : i32
      %dma_start3A_915 = tpu.memref_slice %arg9[%add3A_907, %dma_start3A_912, %dma_start3A_913, %dma_start3A_914] : memref<256x128x16x128xf32, #tpu.memory_space<hbm>> -> memref<1x32x16x128xf32, #tpu.memory_space<hbm>>
      %dma_start3A_916 = tpu.memref_squeeze %dma_start3A_915 : memref<1x32x16x128xf32, #tpu.memory_space<hbm>> -> memref<32x16x128xf32, #tpu.memory_space<hbm>>
      tpu.enqueue_dma source(%arg16 : memref<32x16x128xf32, #tpu.memory_space<vmem>>) target(%dma_start3A_916 : memref<32x16x128xf32, #tpu.memory_space<hbm>>) target_semaphore(%run_scoped3A : memref<!tpu.dma_semaphore, #tpu.memory_space<semaphore_mem>>)
      %dma_wait3A = arith.constant 96 : i32
      %dma_wait3A_917 = arith.constant 0 : i32
      %dma_wait3A_918 = arith.constant 0 : i32
      %dma_wait3A_919 = tpu.memref_slice %arg9[%add3A_907, %dma_wait3A, %dma_wait3A_917, %dma_wait3A_918] : memref<256x128x16x128xf32, #tpu.memory_space<hbm>> -> memref<1x32x16x128xf32, #tpu.memory_space<hbm>>
      %dma_wait3A_920 = tpu.memref_squeeze %dma_wait3A_919 : memref<1x32x16x128xf32, #tpu.memory_space<hbm>> -> memref<32x16x128xf32, #tpu.memory_space<hbm>>
      %dma_wait3A_921 = arith.constant 96 : i32
      %dma_wait3A_922 = arith.constant 0 : i32
      %dma_wait3A_923 = arith.constant 0 : i32
      %dma_wait3A_924 = tpu.memref_slice %arg9[%add3A_907, %dma_wait3A_921, %dma_wait3A_922, %dma_wait3A_923] : memref<256x128x16x128xf32, #tpu.memory_space<hbm>> -> memref<1x32x16x128xf32, #tpu.memory_space<hbm>>
      %dma_wait3A_925 = tpu.memref_squeeze %dma_wait3A_924 : memref<1x32x16x128xf32, #tpu.memory_space<hbm>> -> memref<32x16x128xf32, #tpu.memory_space<hbm>>
      tpu.wait_dma2 semaphore(%run_scoped3A : memref<!tpu.dma_semaphore, #tpu.memory_space<semaphore_mem>>) src(%arg16 : memref<32x16x128xf32, #tpu.memory_space<vmem>>) dst(%dma_wait3A_925 : memref<32x16x128xf32, #tpu.memory_space<hbm>>)
      tpu.yield
    }) : () -> ()
    tpu.vector_store_idx %arg16[%min3A_905, %iota3A, %min3A_835], %broadcast_in_dim3A_5 masked %and3A_896 : memref<32x16x128xf32, #tpu.memory_space<vmem>>[vector<16xi32>, vector<16xi32>, vector<16xi32>], vector<16xf32>, vector<16xi1>
    return
  }
}

</mosaic_0001>

<sc_bundles>
// kernel: kernel.3.cloned.1.call-start
scs
__scs_entry_jumppad:
0x0: {  	(pc) =	sbr.rel $0x88, $3  }
0x1: {  	(tag) =	ssettag $0x0;
	lr =	simm.s32 $0x1  }
0x2: {  	[smem:$0x3F9E] =	sst lr;
	_ =	strace $0xD0000000  }
0x3: {  	_ = 	snop  }
0x4: {  	_ = 	snop  }
0x5: {  	_ = 	snop  }
0x6: {  	_ = 	snop  }
0x7: {  	_ = 	snop  }
__scs_overlays_trampoline_lowered:
0x8: {  	[smem:$0x3FAD] =	sst s0  }
0x9: {  	[smem:$0x3FAE] =	sst s1  }
0xa: {  	[smem:$0x3FAF] =	sst s2  }
0xb: {  	[smem:$0x3FB0] =	sst s3  }
0xc: {  	[smem:$0x3FB1] =	sst s4  }
0xd: {  	[smem:$0x3FB2] =	sst s5  }
0xe: {  	[smem:$0x3FB3] =	sst s6  }
0xf: {  	[smem:$0x3FB4] =	sst s7  }
0x10: {  	[smem:$0x3FB5] =	sst s8  }
0x11: {  	[smem:$0x3FB6] =	sst s9;
	s0 =	simm.s32 @!p0 $0x0  }
0x12: {  	s1 =	sld [smem:$0x3F9C];
	s0 =	simm.s32 @p0 $0x1  }
0x13: {  	[smem:$0x3FB7] =	sst s0;
	s0 =	simm.s32 @!p1 $0x0  }
0x14: {  	s2 =	sld [smem:$0x3F9B];
	s0 =	simm.s32 @p1 $0x1  }
0x15: {  	[smem:$0x3FB8] =	sst s0;
	s0 =	simm.s32 @!p2 $0x0  }
0x16: {  	s3 =	sld [smem:$0x3FDB];
	s0 =	simm.s32 @p2 $0x1  }
0x17: {  	s4 =	simm.s32 $0x1BF5;
	[smem:$0x3FBA] =	sst s0  }
0x18: {  	s0 =	sld [smem:$0x3F9D];
	_ =	swait.ge [sflag:s4], $0x0  }
0x19: {  	s7 =	sld [smem:$0x3F9E]  }
0x1a: {  	s8 =	sadd.s32 $0xFFFFE003, lr  }
0x1b: {  	s9 =	sadd.s32 $0xFFFFFEF7, lr;
	s5 =	simm.s32 $0xFFFFFFFF;
	p2 =	slt.u32 s8, $0xFFFFF086  }
0x1c: {  	p1 =	slt.u32 s9, $0xF7A;
	s5 =	simm.s32 @!p2 $0x0  }
0x1d: {  	s5 =	simm.s32 @p1 $0x1;
	p0 =	seq.s32 s7, s2  }
0x1e: {  	s7 =	smul.u32 @!p0 $0xF7A, s2;
	p2 =	seq.s32 @!p0 s5, $0x0  }
0x1f: {  	s9 =	smul.u32 $0xF7A, s1;
	s8 =	simm.s32 @!p0 $0x1BF5;
	p2 =	por !p2, p0  }
0x20: {  	[sflag:s8] =	ssyncset.s32 @!p0 $0xFFFFF086;
	s6 =	sadd.s32 @!p0 s3, s7;
	s7 =	simm.s32 @!p0 $0x108  }
0x21: {  	s3 =	sadd.s32 s3, s9;
	s6 =	sadd.s32 @!p0 $0x88, s6;
	s7 =	simm.s32 @p2 $0x1082  }
0x22: {  	[simem:s7], [sflag:s8] =	dma.local @!p0 [hbm:s6], $0xF7A  }
0x23: {  	s9 =	sor.u32 $0xD0000000, s2;
	s6 =	simm.s32 $0x108;
	_ =	swait.ge @!p0 [sflag:s8], $0x0  }
0x24: {  	s3 =	sadd.s32 $0x88, s3;
	s6 =	simm.s32 @!p1 $0x1082;
	[sflag:s4] =	ssyncset.s32 $0xFFFFF086  }
0x25: {  	[simem:s6], [sflag:s4] =	dma.local [hbm:s3], $0xF7A  }
0x26: {  	[smem:$0x3F9E] =	sst s1;
	(tag) =	ssettag s2;
	_ =	strace s9  }
0x27: {  	s1 =	sld [smem:$0x3FAE]  }
0x28: {  	s2 =	sld [smem:$0x3FAF]  }
0x29: {  	s4 =	sld [smem:$0x3FB1]  }
0x2a: {  	p0 =	seq.s32 s5, $0x0;
	s5 =	sld [smem:$0x3FB2]  }
0x2b: {  	s6 =	sld [smem:$0x3FB3]  }
0x2c: {  	s7 =	sld [smem:$0x3FB4]  }
0x2d: {  	s3 =	simm.s32 $0x108;
	s8 =	sld [smem:$0x3FB5]  }
0x2e: {  	s3 =	simm.s32 @!p0 $0x1082;
	s9 =	sld [smem:$0x3FB6]  }
0x2f: {  	lr =	sadd.s32 s0, s3;
	s0 =	sld [smem:$0x3FAD]  }
0x30: {  	s3 =	sld [smem:$0x3FB0]  }
0x31: {  	[smem:$0x3FB9] =	sst s10  }
0x32: {  	s10 =	sld [smem:$0x3FB7];
	_ =	sdelay $0x3  }
0x33: {  	p0 =	seq.s32 s10, $0x1;
	s10 =	sld [smem:$0x3FB9];
	_ =	sdelay $0x3  }
0x34: {  	[smem:$0x3FB9] =	sst s10  }
0x35: {  	s10 =	sld [smem:$0x3FB8];
	_ =	sdelay $0x3  }
0x36: {  	p1 =	seq.s32 s10, $0x1;
	s10 =	sld [smem:$0x3FB9];
	_ =	sdelay $0x3  }
0x37: {  	[smem:$0x3FB9] =	sst s10  }
0x38: {  	s10 =	sld [smem:$0x3FBA]  }
0x39: {  	_ = 	snop;
	(pc) =	sbr.ind lr, $3  }
0x3a: {  	_ = 	snop  }
0x3b: {  	_ = 	snop  }
0x3c: {  	p2 =	seq.s32 s10, $0x1;
	s10 =	sld [smem:$0x3FB9]  }
0x3d: {  	_ =	shalt  }
0x3e: {  	_ =	shalt  }
0x3f: {  	_ =	shalt  }
0x40: {  	_ =	shalt  }
0x41: {  	_ =	shalt  }
0x42: {  	_ =	shalt  }
0x43: {  	_ =	shalt  }
0x44: {  	_ =	shalt  }
0x45: {  	_ =	shalt  }
0x46: {  	_ =	shalt  }
0x47: {  	_ =	shalt  }
0x48: {  	_ =	shalt  }
0x49: {  	_ =	shalt  }
0x4a: {  	_ =	shalt  }
0x4b: {  	_ =	shalt  }
0x4c: {  	_ =	shalt  }
0x4d: {  	_ =	shalt  }
0x4e: {  	_ =	shalt  }
0x4f: {  	_ =	shalt  }
0x50: {  	_ =	shalt  }
0x51: {  	_ =	shalt  }
0x52: {  	_ =	shalt  }
0x53: {  	_ =	shalt  }
0x54: {  	_ =	shalt  }
0x55: {  	_ =	shalt  }
0x56: {  	_ =	shalt  }
0x57: {  	_ =	shalt  }
0x58: {  	_ =	shalt  }
0x59: {  	_ =	shalt  }
0x5a: {  	_ =	shalt  }
0x5b: {  	_ =	shalt  }
0x5c: {  	_ =	shalt  }
0x5d: {  	_ =	shalt  }
0x5e: {  	_ =	shalt  }
0x5f: {  	_ =	shalt  }
0x60: {  	_ =	shalt  }
0x61: {  	_ =	shalt  }
0x62: {  	_ =	shalt  }
0x63: {  	_ =	shalt  }
0x64: {  	_ =	shalt  }
0x65: {  	_ =	shalt  }
0x66: {  	_ =	shalt  }
0x67: {  	_ =	shalt  }
0x68: {  	_ =	shalt  }
0x69: {  	_ =	shalt  }
0x6a: {  	_ =	shalt  }
0x6b: {  	_ =	shalt  }
0x6c: {  	_ =	shalt  }
0x6d: {  	_ =	shalt  }
0x6e: {  	_ =	shalt  }
0x6f: {  	_ =	shalt  }
0x70: {  	_ =	shalt  }
0x71: {  	_ =	shalt  }
0x72: {  	_ =	shalt  }
0x73: {  	_ =	shalt  }
0x74: {  	_ =	shalt  }
0x75: {  	_ =	shalt  }
0x76: {  	_ =	shalt  }
0x77: {  	_ =	shalt  }
0x78: {  	_ =	shalt  }
0x79: {  	_ =	shalt  }
0x7a: {  	_ =	shalt  }
0x7b: {  	_ =	shalt  }
0x7c: {  	_ =	shalt  }
0x7d: {  	_ =	shalt  }
0x7e: {  	_ =	shalt  }
0x7f: {  	_ =	shalt  }
0x80: {  	_ =	shalt  }
0x81: {  	_ =	shalt  }
0x82: {  	_ =	shalt  }
0x83: {  	_ =	shalt  }
0x84: {  	_ =	shalt  }
0x85: {  	_ =	shalt  }
0x86: {  	_ =	shalt  }
0x87: {  	_ =	shalt  }
.Lfunc_end0:
.L_simem_size_0:
called_computation_lowered:
.L_overlay_start_0:
0x88: {  	s2 =	sld [smem:$0x3FD9]  }
0x89: {  	s3 =	sld [smem:$0x3FFE];
	_ =	sdelay $0x1  }
0x8a: {  	s1 =	srdreg.scid  }
0x8b: {  	s0 =	sand.u32 $0x1, s1  }
0x8c: {  	s17 =	sshll.u32 s0, $0xA;
	s2 =	sadd.s32 s3, s2  }
0x8d: {  	s2 =	sadd.s32 s2, s17  }
0x8e: {  	[smem:$0x3FC5] =	sst s2  }
0x8f: {  	_ = 	snop  }
0x90: {  	s2 =	sld [smem:$0x3FD0];
	(tm) =	ssettm $0x1  }
0x91: {  	s18 =	sld [smem:$0x3FFB];
	_ =	sdelay $0x3  }
0x92: {  	_ =	strace s18  }
0x93: {  	s3 =	sld [smem:$0x3FFC];
	_ =	sdelay $0x3  }
0x94: {  	_ =	strace s3  }
0x95: {  	s3 =	sld [smem:$0x3FFD];
	_ =	sdelay $0x3  }
0x96: {  	_ =	strace s3  }
0x97: {  	_ =	strace $0x8FFFFFFF  }
0x98: {  	s19 =	sld [smem:$0x3FDB];
	_ =	sdelay $0x1  }
0x99: {  	s4 =	simm.s32 $_scs_section_size  }
0x9a: {  	s5 =	simm.s32 $_size__tile_overlayer_lowered;
	s6 =	simm.s32 $_tile_overlayer_lowered  }
0x9b: {  	s22 =	simm.s32 $0x1BFF;
	s21 =	sshll.u32 s6, $0x1;
	s3 =	sadd.s32 s4, s19  }
0x9c: {  	s7 =	simm.s32 $0x0;
	s20 =	sshll.u32 s5, $0x1;
	s5 =	sadd.s32 s21, s3  }
0x9d: {  	[timem:s7], [sflag:s22] =	dma.local [hbm:s5], s20  }
0x9e: {  	_ =	swait.ge [sflag:s22], s20  }
0x9f: {  	s4 =	ssub.s32 $0x0, s20;
	[sflag:s22] =	ssyncset.done $0x0  }
0xa0: {  	[sflag:s22] =	ssyncadd.s32 s4;
	_ =	sdelay $0x1  }
0xa1: {  	s23 =	simm.s32 $0x1B8B  }
0xa2: {  	_ =	swait.ge [sflag:s23], $0x1  }
0xa3: {  	[sflag:s23] =	ssyncset.done $0x0  }
0xa4: {  	s25 =	simm.s32 $0x1B8E;
	s24 =	sld [smem:$0x3FFE];
	[sflag:s23] =	ssyncadd.s32 $0xFFFFFFFF  }
0xa5: {  	s26 =	simm.s32 $execute0_lowered;
	[smem:$0x3FD2] =	sst s25  }
0xa6: {  	s5 =	sshll.u32 s26, $0x1;
	_ =	strace $0x80000046;
	[dreg:$0x1] =	wrdreg $0xFFFFFFFF  }
0xa7: {  	s28 =	simm.s32 $_size_execute0_lowered;
	s3 =	sadd.s32 s3, s5;
	[dreg:$0x0] =	wrdreg $0x0  }
0xa8: {  	s5 =	sshll.u32 s28, $0x1;
	[dreg:$0x2] =	wrdreg s3  }
0xa9: {  	[dreg:$0x3] =	wrdreg s5  }
0xaa: {  	[dreg:$0x4] =	wrdreg $0xC0  }
0xab: {  	_ =	task [dreg:s7], $0x5FFFF  }
0xac: {  	[dreg:$0x1] =	wrdreg $0xFFFFFFFF  }
0xad: {  	[dreg:$0x0] =	wrdreg $0x60  }
0xae: {  	[dreg:$0x2] =	wrdreg s24  }
0xaf: {  	[dreg:$0x3] =	wrdreg s2  }
0xb0: {  	[dreg:$0x4] =	wrdreg $0x9  }
0xb1: {  	_ =	task.clear_ibuf [dreg:s7], $0x5FFFF;
	_ =	strace $0x90000046  }
0xb2: {  	s29 =	simm.s32 $0x9;
	_ =	strace $0x80000048  }
0xb3: {  	_ =	swait.ge [sflag:s29], $0x1  }
0xb4: {  	[sflag:s29] =	ssyncadd.s32 $0xFFFFFFFF  }
0xb5: {  	_ =	strace $0x90000048  }
0xb6: {  	_ =	sfence  }
0xb7: {  	s30 =	sld [smem:$0x0];
	_ =	sdelay $0x2  }
0xb8: {  	s31 =	sshll.u32 s1, $0xD;
	s1 =	sshrl.u32 s1, $0x2  }
0xb9: {  	s3 =	sand.u32 $0x4000, s31;
	s1 =	sadd.s32 s1, s30  }
0xba: {  	s0 =	sor.u32 s3, s0;
	s1 =	sshll.u32 s1, $0x11  }
0xbb: {  	s0 =	sor.u32 s1, s0  }
0xbc: {  	s0 =	sadd.s32 $0x8F2B, s0  }
0xbd: {  	[sflag:s0] =	ssyncadd.remote.s32 $0x1  }
0xbe: {  	_ =	sfence.sel $0xFFFF  }
0xbf: {  	[dreg:$0x0] =	wrdreg $0xFFFFFFFF;
	(pc) =	sbr.abs _section_cstart, $3  }
0xc0: {  	[dreg:$0x1] =	wrdreg $0xFFFFFFFF  }
0xc1: {  	_ =	task.clear_ibuf [dreg:s7], $0x2FFFF;
	_ =	strace $0x9FFFFFFF  }
0xc2: {  	(tm) =	ssettm $0x7FFFFFFF  }
0xc3: {  	_ =	shalt  }
tec
execute0_lowered:
.L_overlay_start_1:
0x0: {  	(tag) =	ssettag $0x1  }
0x1: {  	s1 =	srdreg.scid  }
0x2: {  	s3 =	rddreg [dreg:$0x0];
	s0 =	stileid.u32;
	s1 =	sand.u32 $0x1, s1  }
0x3: {  	s4 =	rddreg [dreg:$0x1];
	s5 =	sshll.u32 s0, $0x4;
	s6 =	sshll.u32 s1, $0x3  }
0x4: {  	s2 =	simm.s32 $0x0;
	s28 =	simm.s32 $0x800;
	s5 =	sor.u32 s6, s5  }
0x5: {  	s29 =	simm.s32 $0xC00;
	s30 =	simm.s32 $0x1000;
	s6 =	sshll.u32 s5, $0x4  }
0x6: {  	[smem:$0x7FF] =	sst s2;
	s6 =	sadd.s32 s6, s3;
	s3 =	sadd.s32 $0x6A00, s3  }
0x7: {  	_ =	strace $0x80000047;
	[dreg:$0x3] =	wrdreg s3;
	s11 =	sadd.s32 $0x1A00, s6  }
0x8: {  	s31 =	simm.s32 $0x1400;
	s12 =	sadd.s32 $0xA00, s6;
	[dreg:$0x4] =	wrdreg s11  }
0x9: {  	s1 =	ssub.s32 $0x2, s1;
	s13 =	sadd.s32 $0x4A00, s6;
	[dreg:$0x5] =	wrdreg s12  }
0xa: {  	s25 =	sshrl.u32 s1, $0x1;
	s14 =	sadd.s32 $0x5A00, s6;
	[dreg:$0x6] =	wrdreg s13  }
0xb: {  	s5 =	sshll.u32 s5, $0xF;
	s15 =	sadd.s32 $0x2A00, s6;
	[dreg:$0x7] =	wrdreg s14  }
0xc: {  	s6 =	sadd.s32 $0x3A00, s6;
	s3 =	sadd.s32 s4, s5;
	[dreg:$0x8] =	wrdreg s15  }
0xd: {  	s1 =	ssub.s32 s1, s25;
	[dreg:$0x9] =	wrdreg s6;
	s4 =	sadd.s32 $0x2000, s3  }
0xe: {  	s25 =	simm.s32 $0x1;
	s16 =	sadd.s32 $0x4000, s3;
	[dreg:$0xa] =	wrdreg s4  }
0xf: {  	s17 =	sadd.s32 $0x6000, s3;
	s18 =	sadd.s32 $0x8000, s3;
	[dreg:$0xb] =	wrdreg s16  }
0x10: {  	s19 =	sadd.s32 $0xA000, s3;
	s20 =	sadd.s32 $0xC000, s3;
	[dreg:$0xc] =	wrdreg s17  }
0x11: {  	s21 =	sadd.s32 $0xE000, s3;
	s22 =	sadd.s32 $0x10000, s3;
	[dreg:$0xd] =	wrdreg s18  }
0x12: {  	s23 =	sadd.s32 $0x12000, s3;
	s24 =	sadd.s32 $0x14000, s3;
	[dreg:$0xe] =	wrdreg s19  }
0x13: {  	s26 =	sadd.s32 $0x16000, s3;
	s5 =	sadd.s32 $0x1A000, s3;
	[dreg:$0xf] =	wrdreg s20  }
0x14: {  	s6 =	sadd.s32 $0x1C000, s3;
	s7 =	sadd.s32 $0x1E000, s3;
	[dreg:$0x10] =	wrdreg s21  }
0x15: {  	s8 =	sadd.s32 $0x20000, s3;
	s9 =	sadd.s32 $0x22000, s3;
	[dreg:$0x11] =	wrdreg s22  }
0x16: {  	s10 =	sadd.s32 $0x24000, s3;
	s11 =	sadd.s32 $0x26000, s3;
	[dreg:$0x12] =	wrdreg s23  }
0x17: {  	s12 =	sadd.s32 $0x28000, s3;
	s13 =	sadd.s32 $0x2A000, s3;
	[dreg:$0x13] =	wrdreg s24  }
0x18: {  	s14 =	sadd.s32 $0x2C000, s3;
	s15 =	sadd.s32 $0x2E000, s3;
	[dreg:$0x14] =	wrdreg s26  }
0x19: {  	v0 =	vlaneseq.u32;
	s4 =	sadd.s32 $0x18000, s3;
	s16 =	sadd.s32 $0x30000, s3;
	s17 =	sadd.s32 $0x32000, s3  }
0x1a: {  	v0 =	vmul.u32 $0x80, v0;
	s18 =	sadd.s32 $0x34000, s3;
	s19 =	sadd.s32 $0x36000, s3;
	s20 =	sadd.s32 $0x38000, s3  }
0x1b: {  	v1 =	vimm.f32 $1.000000000e+00;
	v2 =	vimm.f32 $0.0e+00;
	s21 =	sadd.s32 $0x3A000, s3;
	s22 =	sadd.s32 $0x3C000, s3;
	s23 =	sadd.s32 $0x3E000, s3  }
0x1c: {  	v3 =	vor.u32 $0xFFFF0000, v0;
	v4 =	vor.u32 $0xFFFE0000, v0;
	v5 =	vor.u32 $0xFFFD0000, v0;
	s24 =	smax.u32 s1, $0x1;
	s26 =	simm.s32 $0x400;
	s1 =	simm.s32 $0x1800  }
.LBB2_1:
0x1d: {  	s0 =	rddreg [dreg:$0x4]  }
0x1e: {  	[tilespmem:s2], [sflag:$0x1] =	stream.linear.gather [hbm4b:s0+s2], $0x400, $0x38;
	[tilespmem:$0x11800] =	vst v63  }
0x1f: {  	_ =	swait.ge [sflag:s25], $0x400  }
0x20: {  	[sflag:s25] =	ssyncset.done $0x0  }
0x21: {  	s0 =	rddreg [dreg:$0x5];
	[sflag:s25] =	ssyncadd.s32 $0xFFFFFC00  }
0x22: {  	[tilespmem:s26], [sflag:$0x1] =	stream.linear.gather [hbm4b:s0+s2], $0x400, $0x38;
	[tilespmem:$0x11800] =	vst v63  }
0x23: {  	_ =	swait.ge [sflag:s25], $0x400  }
0x24: {  	[sflag:s25] =	ssyncset.done $0x0  }
0x25: {  	s0 =	rddreg [dreg:$0x6];
	[sflag:s25] =	ssyncadd.s32 $0xFFFFFC00  }
0x26: {  	[tilespmem:s28], [sflag:$0x1] =	stream.linear.gather [hbm4b:s0+s2], $0x400, $0x38;
	[tilespmem:$0x11800] =	vst v63  }
0x27: {  	_ =	swait.ge [sflag:s25], $0x400  }
0x28: {  	[sflag:s25] =	ssyncset.done $0x0  }
0x29: {  	s0 =	rddreg [dreg:$0x7];
	[sflag:s25] =	ssyncadd.s32 $0xFFFFFC00  }
0x2a: {  	[tilespmem:s29], [sflag:$0x1] =	stream.linear.gather [hbm4b:s0+s2], $0x400, $0x38;
	[tilespmem:$0x11800] =	vst v63  }
0x2b: {  	_ =	swait.ge [sflag:s25], $0x400  }
0x2c: {  	[sflag:s25] =	ssyncset.done $0x0  }
0x2d: {  	s0 =	rddreg [dreg:$0x8];
	[sflag:s25] =	ssyncadd.s32 $0xFFFFFC00  }
0x2e: {  	[tilespmem:s30], [sflag:$0x1] =	stream.linear.gather [hbm4b:s0+s2], $0x400, $0x38;
	[tilespmem:$0x11800] =	vst v63  }
0x2f: {  	_ =	swait.ge [sflag:s25], $0x400  }
0x30: {  	[sflag:s25] =	ssyncset.done $0x0  }
0x31: {  	s0 =	rddreg [dreg:$0x9];
	[sflag:s25] =	ssyncadd.s32 $0xFFFFFC00  }
0x32: {  	[tilespmem:s31], [sflag:$0x1] =	stream.linear.gather [hbm4b:s0+s2], $0x400, $0x38;
	[tilespmem:$0x11800] =	vst v63  }
0x33: {  	_ =	swait.ge [sflag:s25], $0x400  }
0x34: {  	[sflag:s25] =	ssyncset.done $0x0  }
0x35: {  	s0 =	rddreg [dreg:$0x3];
	[sflag:s25] =	ssyncadd.s32 $0xFFFFFC00  }
0x36: {  	[tilespmem:s1], [sflag:$0x1] =	stream.linear.gather [hbm4b:s0+s2], $0x10000, $0x38;
	[tilespmem:$0x11800] =	vst v63  }
0x37: {  	_ =	swait.ge [sflag:s25], $0x10000  }
0x38: {  	[sflag:s25] =	ssyncset.done $0x0  }
0x39: {  	[sflag:s25] =	ssyncadd.s32 $0xFFFF0000  }
0x3a: {  	v6 =	vld [tilespmem:$0x800]  }
0x3b: {  	v7 =	vld [tilespmem:$0xC00];
	_ =	sdelay $0x3  }
0x3c: {  	(erf) = vrcp.f32 v6  }
0x3d: {  	(erf) = vrcp.f32 v7;
	_ =	sdelay $0x3  }
0x3e: {  	v6 =	vld [tilespmem:$0x400]  }
0x3f: {  	v7 =	vld [tilespmem:$0x0]  }
0x40: {  	v8 =	vld [tilespmem:$0x1000]  }
0x41: {  	v9 =	vld [tilespmem:$0x1400]  }
0x42: {  	v10 =	vpop (erf)  }
0x43: {  	v6 =	vmul.f32 v10, v6;
	v40 =	vpop (erf)  }
0x44: {  	v7 =	vmul.f32 v40, v7  }
0x45: {  	v6 =	vadd.f32 v6, v8  }
0x46: {  	v7 =	vadd.f32 v7, v9  }
0x47: {  	v6 =	vtrunc.f32 v6  }
0x48: {  	v6 =	vcvt.f32.s32 v6;
	v7 =	vtrunc.f32 v7  }
0x49: {  	v7 =	vcvt.f32.s32 v7  }
0x4a: {  	vm0 =	vgt.s32 v6, $0x0  }
0x4b: {  	v41 =	vnsel vm0, $0x0, v6;
	vm6 =	vgt.s32 v7, $0x0  }
0x4c: {  	v7 =	vnsel vm6, $0x0, v7;
	v42 =	vmin.u32 v41, $0x1F  }
0x4d: {  	v7 =	vmin.u32 v7, $0x7F;
	v9 =	vshll.u32 v42, $0xB  }
0x4e: {  	vm7 =	vlt.s32 v6, $0x20;
	v9 =	vor.u32 v7, v9  }
0x4f: {  	v9 =	vor.u32 v0, v9  }
0x50: {  	v8 =	vmin.u32 v41, $0x7F  }
0x51: {  	v43 =	vmax.u32 v8, $0x20  }
0x52: {  	v10 =	vmin.u32 v43, $0x3F  }
0x53: {  	v11 =	vand.u32 $0xFFFFFFE0, v6;
	v10 =	vshll.u32 v10, $0xB  }
0x54: {  	vm1 =	veq.s32 v11, $0x20;
	v10 =	vor.u32 v7, v10;
	[tilespmem:v9+s1+$0x0] =	vst.idx.msk vm7, v1  }
0x55: {  	v10 =	vadd.s32 v3, v10;
	[hbm4b:s3+s2] =	stream.linear.scatter [tilespmem:s1], [sflag:$0x1], $0x10000, $0x38;
	[tilespmem:$0x11800] =	vst v63  }
0x56: {  	_ =	swait.ge [sflag:s25], $0x10000  }
0x57: {  	v12 =	vmax.u32 v8, $0x40;
	[sflag:s25] =	ssyncset.done $0x0  }
0x58: {  	v12 =	vmin.u32 v12, $0x5F;
	[sflag:s25] =	ssyncadd.s32 $0xFFFF0000  }
0x59: {  	v44 =	vshll.u32 v12, $0xB;
	[tilespmem:v9+s1+$0x0] =	vst.idx.msk vm7, v2  }
0x5a: {  	vm8 =	veq.s32 v11, $0x40;
	s0 =	rddreg [dreg:$0xa];
	v9 =	vor.u32 v7, v44;
	[tilespmem:v10+s1+$0x0] =	vst.idx.msk vm1, v1  }
0x5b: {  	v9 =	vadd.s32 v4, v9;
	[hbm4b:s0+s2] =	stream.linear.scatter [tilespmem:s1], [sflag:$0x1], $0x10000, $0x38;
	[tilespmem:$0x11800] =	vst v63  }
0x5c: {  	_ =	swait.ge [sflag:s25], $0x10000  }
0x5d: {  	[sflag:s25] =	ssyncset.done $0x0  }
0x5e: {  	v8 =	vmax.u32 v8, $0x60;
	[sflag:s25] =	ssyncadd.s32 $0xFFFF0000  }
0x5f: {  	v8 =	vshll.u32 v8, $0xB;
	[tilespmem:v10+s1+$0x0] =	vst.idx.msk vm1, v2  }
0x60: {  	vm9 =	vgt.s32 v6, $0x5F;
	v6 =	vor.u32 v7, v8;
	s0 =	rddreg [dreg:$0xb];
	[tilespmem:v9+s1+$0x0] =	vst.idx.msk vm8, v1  }
0x61: {  	v6 =	vadd.s32 v5, v6;
	[hbm4b:s0+s2] =	stream.linear.scatter [tilespmem:s1], [sflag:$0x1], $0x10000, $0x38;
	[tilespmem:$0x11800] =	vst v63  }
0x62: {  	_ =	swait.ge [sflag:s25], $0x10000  }
0x63: {  	[sflag:s25] =	ssyncset.done $0x0  }
0x64: {  	[sflag:s25] =	ssyncadd.s32 $0xFFFF0000  }
0x65: {  	[tilespmem:v9+s1+$0x0] =	vst.idx.msk vm8, v2  }
0x66: {  	s0 =	rddreg [dreg:$0xc];
	[tilespmem:v6+s1+$0x0] =	vst.idx.msk vm9, v1  }
0x67: {  	[hbm4b:s0+s2] =	stream.linear.scatter [tilespmem:s1], [sflag:$0x1], $0x10000, $0x38;
	[tilespmem:$0x11800] =	vst v63  }
0x68: {  	_ =	swait.ge [sflag:s25], $0x10000  }
0x69: {  	[sflag:s25] =	ssyncset.done $0x0  }
0x6a: {  	[sflag:s25] =	ssyncadd.s32 $0xFFFF0000  }
0x6b: {  	[tilespmem:v6+s1+$0x0] =	vst.idx.msk vm9, v2  }
0x6c: {  	v6 =	vld [tilespmem:$0x880]  }
0x6d: {  	v7 =	vld [tilespmem:$0xC80];
	_ =	sdelay $0x3  }
0x6e: {  	(erf) = vrcp.f32 v6  }
0x6f: {  	(erf) = vrcp.f32 v7;
	_ =	sdelay $0x3  }
0x70: {  	v6 =	vld [tilespmem:$0x480]  }
0x71: {  	v7 =	vld [tilespmem:$0x80]  }
0x72: {  	v45 =	vld [tilespmem:$0x1080]  }
0x73: {  	v46 =	vld [tilespmem:$0x1480]  }
0x74: {  	v47 =	vpop (erf)  }
0x75: {  	v6 =	vmul.f32 v47, v6;
	v48 =	vpop (erf)  }
0x76: {  	v7 =	vmul.f32 v48, v7  }
0x77: {  	v6 =	vadd.f32 v6, v45  }
0x78: {  	v7 =	vadd.f32 v7, v46  }
0x79: {  	v6 =	vtrunc.f32 v6  }
0x7a: {  	v6 =	vcvt.f32.s32 v6;
	v7 =	vtrunc.f32 v7  }
0x7b: {  	v7 =	vcvt.f32.s32 v7  }
0x7c: {  	vm10 =	vgt.s32 v6, $0x0  }
0x7d: {  	v49 =	vnsel vm10, $0x0, v6;
	vm11 =	vgt.s32 v7, $0x0  }
0x7e: {  	v7 =	vnsel vm11, $0x0, v7;
	v50 =	vmin.u32 v49, $0x1F  }
0x7f: {  	v7 =	vmin.u32 v7, $0x7F;
	v9 =	vshll.u32 v50, $0xB  }
0x80: {  	vm12 =	vlt.s32 v6, $0x20;
	v9 =	vor.u32 v7, v9  }
0x81: {  	v9 =	vor.u32 v0, v9  }
0x82: {  	v8 =	vmin.u32 v49, $0x7F  }
0x83: {  	v51 =	vmax.u32 v8, $0x20  }
0x84: {  	v10 =	vmin.u32 v51, $0x3F  }
0x85: {  	v52 =	vand.u32 $0xFFFFFFE0, v6;
	v10 =	vshll.u32 v10, $0xB  }
0x86: {  	s0 =	rddreg [dreg:$0xd];
	vm13 =	veq.s32 v52, $0x20;
	v10 =	vor.u32 v7, v10;
	[tilespmem:v9+s1+$0x0] =	vst.idx.msk vm12, v1  }
0x87: {  	v10 =	vadd.s32 v3, v10;
	[hbm4b:s0+s2] =	stream.linear.scatter [tilespmem:s1], [sflag:$0x1], $0x10000, $0x38;
	[tilespmem:$0x11800] =	vst v63  }
0x88: {  	_ =	swait.ge [sflag:s25], $0x10000  }
0x89: {  	v53 =	vmax.u32 v8, $0x40;
	[sflag:s25] =	ssyncset.done $0x0  }
0x8a: {  	v12 =	vmin.u32 v53, $0x5F;
	[sflag:s25] =	ssyncadd.s32 $0xFFFF0000  }
0x8b: {  	v54 =	vshll.u32 v12, $0xB;
	[tilespmem:v9+s1+$0x0] =	vst.idx.msk vm12, v2  }
0x8c: {  	vm14 =	veq.s32 v52, $0x40;
	s0 =	rddreg [dreg:$0xe];
	v9 =	vor.u32 v7, v54;
	[tilespmem:v10+s1+$0x0] =	vst.idx.msk vm13, v1  }
0x8d: {  	v9 =	vadd.s32 v4, v9;
	[hbm4b:s0+s2] =	stream.linear.scatter [tilespmem:s1], [sflag:$0x1], $0x10000, $0x38;
	[tilespmem:$0x11800] =	vst v63  }
0x8e: {  	_ =	swait.ge [sflag:s25], $0x10000  }
0x8f: {  	[sflag:s25] =	ssyncset.done $0x0  }
0x90: {  	v8 =	vmax.u32 v8, $0x60;
	[sflag:s25] =	ssyncadd.s32 $0xFFFF0000  }
0x91: {  	v8 =	vshll.u32 v8, $0xB;
	[tilespmem:v10+s1+$0x0] =	vst.idx.msk vm13, v2  }
0x92: {  	vm15 =	vgt.s32 v6, $0x5F;
	v6 =	vor.u32 v7, v8;
	s0 =	rddreg [dreg:$0xf];
	[tilespmem:v9+s1+$0x0] =	vst.idx.msk vm14, v1  }
0x93: {  	v6 =	vadd.s32 v5, v6;
	[hbm4b:s0+s2] =	stream.linear.scatter [tilespmem:s1], [sflag:$0x1], $0x10000, $0x38;
	[tilespmem:$0x11800] =	vst v63  }
0x94: {  	_ =	swait.ge [sflag:s25], $0x10000  }
0x95: {  	[sflag:s25] =	ssyncset.done $0x0  }
0x96: {  	[sflag:s25] =	ssyncadd.s32 $0xFFFF0000  }
0x97: {  	[tilespmem:v9+s1+$0x0] =	vst.idx.msk vm14, v2  }
0x98: {  	s0 =	rddreg [dreg:$0x10];
	[tilespmem:v6+s1+$0x0] =	vst.idx.msk vm15, v1  }
0x99: {  	[hbm4b:s0+s2] =	stream.linear.scatter [tilespmem:s1], [sflag:$0x1], $0x10000, $0x38;
	[tilespmem:$0x11800] =	vst v63  }
0x9a: {  	_ =	swait.ge [sflag:s25], $0x10000  }
0x9b: {  	[sflag:s25] =	ssyncset.done $0x0  }
0x9c: {  	[sflag:s25] =	ssyncadd.s32 $0xFFFF0000  }
0x9d: {  	[tilespmem:v6+s1+$0x0] =	vst.idx.msk vm15, v2  }
0x9e: {  	v6 =	vld [tilespmem:$0x900]  }
0x9f: {  	v7 =	vld [tilespmem:$0xD00];
	_ =	sdelay $0x3  }
0xa0: {  	(erf) = vrcp.f32 v6  }
0xa1: {  	(erf) = vrcp.f32 v7;
	_ =	sdelay $0x3  }
0xa2: {  	v6 =	vld [tilespmem:$0x500]  }
0xa3: {  	v7 =	vld [tilespmem:$0x100]  }
0xa4: {  	v55 =	vld [tilespmem:$0x1100]  }
0xa5: {  	v56 =	vld [tilespmem:$0x1500]  }
0xa6: {  	v57 =	vpop (erf)  }
0xa7: {  	v6 =	vmul.f32 v57, v6;
	v58 =	vpop (erf)  }
0xa8: {  	v7 =	vmul.f32 v58, v7  }
0xa9: {  	v6 =	vadd.f32 v6, v55  }
0xaa: {  	v7 =	vadd.f32 v7, v56  }
0xab: {  	v6 =	vtrunc.f32 v6  }
0xac: {  	v6 =	vcvt.f32.s32 v6;
	v7 =	vtrunc.f32 v7  }
0xad: {  	v7 =	vcvt.f32.s32 v7  }
0xae: {  	vm4 =	vgt.s32 v6, $0x0  }
0xaf: {  	v59 =	vnsel vm4, $0x0, v6;
	vm5 =	vgt.s32 v7, $0x0  }
0xb0: {  	v7 =	vnsel vm5, $0x0, v7;
	v60 =	vmin.u32 v59, $0x1F  }
0xb1: {  	v7 =	vmin.u32 v7, $0x7F;
	v9 =	vshll.u32 v60, $0xB  }
0xb2: {  	vm6 =	vlt.s32 v6, $0x20;
	v9 =	vor.u32 v7, v9  }
0xb3: {  	v9 =	vor.u32 v0, v9  }
0xb4: {  	v8 =	vmin.u32 v59, $0x7F  }
0xb5: {  	v61 =	vmax.u32 v8, $0x20  }
0xb6: {  	v10 =	vmin.u32 v61, $0x3F  }
0xb7: {  	v62 =	vand.u32 $0xFFFFFFE0, v6;
	v10 =	vshll.u32 v10, $0xB  }
0xb8: {  	s0 =	rddreg [dreg:$0x11];
	vm7 =	veq.s32 v62, $0x20;
	v10 =	vor.u32 v7, v10;
	[tilespmem:v9+s1+$0x0] =	vst.idx.msk vm6, v1  }
0xb9: {  	v10 =	vadd.s32 v3, v10;
	[hbm4b:s0+s2] =	stream.linear.scatter [tilespmem:s1], [sflag:$0x1], $0x10000, $0x38;
	[tilespmem:$0x11800] =	vst v63  }
0xba: {  	_ =	swait.ge [sflag:s25], $0x10000  }
0xbb: {  	v63 =	vmax.u32 v8, $0x40;
	[sflag:s25] =	ssyncset.done $0x0  }
0xbc: {  	v12 =	vmin.u32 v63, $0x5F;
	[sflag:s25] =	ssyncadd.s32 $0xFFFF0000  }
0xbd: {  	v13 =	vshll.u32 v12, $0xB;
	[tilespmem:v9+s1+$0x0] =	vst.idx.msk vm6, v2  }
0xbe: {  	vm8 =	veq.s32 v62, $0x40;
	s0 =	rddreg [dreg:$0x12];
	v9 =	vor.u32 v7, v13;
	[tilespmem:v10+s1+$0x0] =	vst.idx.msk vm7, v1  }
0xbf: {  	v9 =	vadd.s32 v4, v9;
	[hbm4b:s0+s2] =	stream.linear.scatter [tilespmem:s1], [sflag:$0x1], $0x10000, $0x38;
	[tilespmem:$0x11800] =	vst v63  }
0xc0: {  	_ =	swait.ge [sflag:s25], $0x10000  }
0xc1: {  	[sflag:s25] =	ssyncset.done $0x0  }
0xc2: {  	v8 =	vmax.u32 v8, $0x60;
	[sflag:s25] =	ssyncadd.s32 $0xFFFF0000  }
0xc3: {  	v8 =	vshll.u32 v8, $0xB;
	[tilespmem:v10+s1+$0x0] =	vst.idx.msk vm7, v2  }
0xc4: {  	vm9 =	vgt.s32 v6, $0x5F;
	v6 =	vor.u32 v7, v8;
	s0 =	rddreg [dreg:$0x13];
	[tilespmem:v9+s1+$0x0] =	vst.idx.msk vm8, v1  }
0xc5: {  	v6 =	vadd.s32 v5, v6;
	[hbm4b:s0+s2] =	stream.linear.scatter [tilespmem:s1], [sflag:$0x1], $0x10000, $0x38;
	[tilespmem:$0x11800] =	vst v63  }
0xc6: {  	_ =	swait.ge [sflag:s25], $0x10000  }
0xc7: {  	[sflag:s25] =	ssyncset.done $0x0  }
0xc8: {  	[sflag:s25] =	ssyncadd.s32 $0xFFFF0000  }
0xc9: {  	[tilespmem:v9+s1+$0x0] =	vst.idx.msk vm8, v2  }
0xca: {  	s0 =	rddreg [dreg:$0x14];
	[tilespmem:v6+s1+$0x0] =	vst.idx.msk vm9, v1  }
0xcb: {  	[hbm4b:s0+s2] =	stream.linear.scatter [tilespmem:s1], [sflag:$0x1], $0x10000, $0x38;
	[tilespmem:$0x11800] =	vst v63  }
0xcc: {  	_ =	swait.ge [sflag:s25], $0x10000  }
0xcd: {  	[sflag:s25] =	ssyncset.done $0x0  }
0xce: {  	[sflag:s25] =	ssyncadd.s32 $0xFFFF0000  }
0xcf: {  	[tilespmem:v6+s1+$0x0] =	vst.idx.msk vm9, v2  }
0xd0: {  	v6 =	vld [tilespmem:$0x980]  }
0xd1: {  	v7 =	vld [tilespmem:$0xD80];
	_ =	sdelay $0x3  }
0xd2: {  	(erf) = vrcp.f32 v6  }
0xd3: {  	(erf) = vrcp.f32 v7;
	_ =	sdelay $0x3  }
0xd4: {  	v6 =	vld [tilespmem:$0x580]  }
0xd5: {  	v7 =	vld [tilespmem:$0x180]  }
0xd6: {  	v14 =	vld [tilespmem:$0x1180]  }
0xd7: {  	v15 =	vld [tilespmem:$0x1580]  }
0xd8: {  	v16 =	vpop (erf)  }
0xd9: {  	v6 =	vmul.f32 v16, v6;
	v17 =	vpop (erf)  }
0xda: {  	v7 =	vmul.f32 v17, v7  }
0xdb: {  	v6 =	vadd.f32 v6, v14  }
0xdc: {  	v7 =	vadd.f32 v7, v15  }
0xdd: {  	v6 =	vtrunc.f32 v6  }
0xde: {  	v6 =	vcvt.f32.s32 v6;
	v7 =	vtrunc.f32 v7  }
0xdf: {  	v7 =	vcvt.f32.s32 v7  }
0xe0: {  	vm10 =	vgt.s32 v6, $0x0  }
0xe1: {  	v18 =	vnsel vm10, $0x0, v6;
	vm11 =	vgt.s32 v7, $0x0  }
0xe2: {  	v7 =	vnsel vm11, $0x0, v7;
	v19 =	vmin.u32 v18, $0x1F  }
0xe3: {  	v7 =	vmin.u32 v7, $0x7F;
	v9 =	vshll.u32 v19, $0xB  }
0xe4: {  	vm12 =	vlt.s32 v6, $0x20;
	v9 =	vor.u32 v7, v9  }
0xe5: {  	v9 =	vor.u32 v0, v9  }
0xe6: {  	v8 =	vmin.u32 v18, $0x7F  }
0xe7: {  	v20 =	vmax.u32 v8, $0x20  }
0xe8: {  	v10 =	vmin.u32 v20, $0x3F  }
0xe9: {  	v21 =	vand.u32 $0xFFFFFFE0, v6;
	v10 =	vshll.u32 v10, $0xB  }
0xea: {  	vm13 =	veq.s32 v21, $0x20;
	v10 =	vor.u32 v7, v10;
	[tilespmem:v9+s1+$0x0] =	vst.idx.msk vm12, v1  }
0xeb: {  	v10 =	vadd.s32 v3, v10;
	[hbm4b:s4+s2] =	stream.linear.scatter [tilespmem:s1], [sflag:$0x1], $0x10000, $0x38;
	[tilespmem:$0x11800] =	vst v63  }
0xec: {  	_ =	swait.ge [sflag:s25], $0x10000  }
0xed: {  	v22 =	vmax.u32 v8, $0x40;
	[sflag:s25] =	ssyncset.done $0x0  }
0xee: {  	v12 =	vmin.u32 v22, $0x5F;
	[sflag:s25] =	ssyncadd.s32 $0xFFFF0000  }
0xef: {  	v23 =	vshll.u32 v12, $0xB;
	[tilespmem:v9+s1+$0x0] =	vst.idx.msk vm12, v2  }
0xf0: {  	vm14 =	veq.s32 v21, $0x40;
	v9 =	vor.u32 v7, v23;
	[tilespmem:v10+s1+$0x0] =	vst.idx.msk vm13, v1  }
0xf1: {  	v9 =	vadd.s32 v4, v9;
	[hbm4b:s5+s2] =	stream.linear.scatter [tilespmem:s1], [sflag:$0x1], $0x10000, $0x38;
	[tilespmem:$0x11800] =	vst v63  }
0xf2: {  	_ =	swait.ge [sflag:s25], $0x10000  }
0xf3: {  	[sflag:s25] =	ssyncset.done $0x0  }
0xf4: {  	v8 =	vmax.u32 v8, $0x60;
	[sflag:s25] =	ssyncadd.s32 $0xFFFF0000  }
0xf5: {  	v8 =	vshll.u32 v8, $0xB;
	[tilespmem:v10+s1+$0x0] =	vst.idx.msk vm13, v2  }
0xf6: {  	vm15 =	vgt.s32 v6, $0x5F;
	v6 =	vor.u32 v7, v8;
	[tilespmem:v9+s1+$0x0] =	vst.idx.msk vm14, v1  }
0xf7: {  	v6 =	vadd.s32 v5, v6;
	[hbm4b:s6+s2] =	stream.linear.scatter [tilespmem:s1], [sflag:$0x1], $0x10000, $0x38;
	[tilespmem:$0x11800] =	vst v63  }
0xf8: {  	_ =	swait.ge [sflag:s25], $0x10000  }
0xf9: {  	[sflag:s25] =	ssyncset.done $0x0  }
0xfa: {  	[sflag:s25] =	ssyncadd.s32 $0xFFFF0000  }
0xfb: {  	[tilespmem:v9+s1+$0x0] =	vst.idx.msk vm14, v2  }
0xfc: {  	[tilespmem:v6+s1+$0x0] =	vst.idx.msk vm15, v1  }
0xfd: {  	[hbm4b:s7+s2] =	stream.linear.scatter [tilespmem:s1], [sflag:$0x1], $0x10000, $0x38;
	[tilespmem:$0x11800] =	vst v63  }
0xfe: {  	_ =	swait.ge [sflag:s25], $0x10000  }
0xff: {  	[sflag:s25] =	ssyncset.done $0x0  }
0x100: {  	[sflag:s25] =	ssyncadd.s32 $0xFFFF0000  }
0x101: {  	[tilespmem:v6+s1+$0x0] =	vst.idx.msk vm15, v2  }
0x102: {  	v6 =	vld [tilespmem:$0xA00]  }
0x103: {  	v7 =	vld [tilespmem:$0xE00];
	_ =	sdelay $0x3  }
0x104: {  	(erf) = vrcp.f32 v6  }
0x105: {  	(erf) = vrcp.f32 v7;
	_ =	sdelay $0x3  }
0x106: {  	v6 =	vld [tilespmem:$0x600]  }
0x107: {  	v7 =	vld [tilespmem:$0x200]  }
0x108: {  	v24 =	vld [tilespmem:$0x1200]  }
0x109: {  	v25 =	vld [tilespmem:$0x1600]  }
0x10a: {  	v26 =	vpop (erf)  }
0x10b: {  	v6 =	vmul.f32 v26, v6;
	v27 =	vpop (erf)  }
0x10c: {  	v7 =	vmul.f32 v27, v7  }
0x10d: {  	v6 =	vadd.f32 v6, v24  }
0x10e: {  	v7 =	vadd.f32 v7, v25  }
0x10f: {  	v6 =	vtrunc.f32 v6  }
0x110: {  	v6 =	vcvt.f32.s32 v6;
	v7 =	vtrunc.f32 v7  }
0x111: {  	v7 =	vcvt.f32.s32 v7  }
0x112: {  	vm4 =	vgt.s32 v6, $0x0  }
0x113: {  	v28 =	vnsel vm4, $0x0, v6;
	vm5 =	vgt.s32 v7, $0x0  }
0x114: {  	v7 =	vnsel vm5, $0x0, v7;
	v29 =	vmin.u32 v28, $0x1F  }
0x115: {  	v7 =	vmin.u32 v7, $0x7F;
	v9 =	vshll.u32 v29, $0xB  }
0x116: {  	vm6 =	vlt.s32 v6, $0x20;
	v9 =	vor.u32 v7, v9  }
0x117: {  	v9 =	vor.u32 v0, v9  }
0x118: {  	v8 =	vmin.u32 v28, $0x7F  }
0x119: {  	v30 =	vmax.u32 v8, $0x20  }
0x11a: {  	v10 =	vmin.u32 v30, $0x3F  }
0x11b: {  	v31 =	vand.u32 $0xFFFFFFE0, v6;
	v10 =	vshll.u32 v10, $0xB  }
0x11c: {  	vm7 =	veq.s32 v31, $0x20;
	v10 =	vor.u32 v7, v10;
	[tilespmem:v9+s1+$0x0] =	vst.idx.msk vm6, v1  }
0x11d: {  	v10 =	vadd.s32 v3, v10;
	[hbm4b:s8+s2] =	stream.linear.scatter [tilespmem:s1], [sflag:$0x1], $0x10000, $0x38;
	[tilespmem:$0x11800] =	vst v63  }
0x11e: {  	_ =	swait.ge [sflag:s25], $0x10000  }
0x11f: {  	v32 =	vmax.u32 v8, $0x40;
	[sflag:s25] =	ssyncset.done $0x0  }
0x120: {  	v12 =	vmin.u32 v32, $0x5F;
	[sflag:s25] =	ssyncadd.s32 $0xFFFF0000  }
0x121: {  	v33 =	vshll.u32 v12, $0xB;
	[tilespmem:v9+s1+$0x0] =	vst.idx.msk vm6, v2  }
0x122: {  	vm8 =	veq.s32 v31, $0x40;
	v9 =	vor.u32 v7, v33;
	[tilespmem:v10+s1+$0x0] =	vst.idx.msk vm7, v1  }
0x123: {  	v9 =	vadd.s32 v4, v9;
	[hbm4b:s9+s2] =	stream.linear.scatter [tilespmem:s1], [sflag:$0x1], $0x10000, $0x38;
	[tilespmem:$0x11800] =	vst v63  }
0x124: {  	_ =	swait.ge [sflag:s25], $0x10000  }
0x125: {  	[sflag:s25] =	ssyncset.done $0x0  }
0x126: {  	v8 =	vmax.u32 v8, $0x60;
	[sflag:s25] =	ssyncadd.s32 $0xFFFF0000  }
0x127: {  	v8 =	vshll.u32 v8, $0xB;
	[tilespmem:v10+s1+$0x0] =	vst.idx.msk vm7, v2  }
0x128: {  	vm9 =	vgt.s32 v6, $0x5F;
	v6 =	vor.u32 v7, v8;
	[tilespmem:v9+s1+$0x0] =	vst.idx.msk vm8, v1  }
0x129: {  	v6 =	vadd.s32 v5, v6;
	[hbm4b:s10+s2] =	stream.linear.scatter [tilespmem:s1], [sflag:$0x1], $0x10000, $0x38;
	[tilespmem:$0x11800] =	vst v63  }
0x12a: {  	_ =	swait.ge [sflag:s25], $0x10000  }
0x12b: {  	[sflag:s25] =	ssyncset.done $0x0  }
0x12c: {  	[sflag:s25] =	ssyncadd.s32 $0xFFFF0000  }
0x12d: {  	[tilespmem:v9+s1+$0x0] =	vst.idx.msk vm8, v2  }
0x12e: {  	[tilespmem:v6+s1+$0x0] =	vst.idx.msk vm9, v1  }
0x12f: {  	[hbm4b:s11+s2] =	stream.linear.scatter [tilespmem:s1], [sflag:$0x1], $0x10000, $0x38;
	[tilespmem:$0x11800] =	vst v63  }
0x130: {  	_ =	swait.ge [sflag:s25], $0x10000  }
0x131: {  	[sflag:s25] =	ssyncset.done $0x0  }
0x132: {  	[sflag:s25] =	ssyncadd.s32 $0xFFFF0000  }
0x133: {  	[tilespmem:v6+s1+$0x0] =	vst.idx.msk vm9, v2  }
0x134: {  	v6 =	vld [tilespmem:$0xA80]  }
0x135: {  	v7 =	vld [tilespmem:$0xE80];
	_ =	sdelay $0x3  }
0x136: {  	(erf) = vrcp.f32 v6  }
0x137: {  	(erf) = vrcp.f32 v7;
	_ =	sdelay $0x3  }
0x138: {  	v6 =	vld [tilespmem:$0x680]  }
0x139: {  	v7 =	vld [tilespmem:$0x280]  }
0x13a: {  	v34 =	vld [tilespmem:$0x1280]  }
0x13b: {  	v35 =	vld [tilespmem:$0x1680]  }
0x13c: {  	v36 =	vpop (erf)  }
0x13d: {  	v6 =	vmul.f32 v36, v6;
	v37 =	vpop (erf)  }
0x13e: {  	v7 =	vmul.f32 v37, v7  }
0x13f: {  	v6 =	vadd.f32 v6, v34  }
0x140: {  	v7 =	vadd.f32 v7, v35  }
0x141: {  	v6 =	vtrunc.f32 v6  }
0x142: {  	v6 =	vcvt.f32.s32 v6;
	v7 =	vtrunc.f32 v7  }
0x143: {  	v7 =	vcvt.f32.s32 v7  }
0x144: {  	vm10 =	vgt.s32 v6, $0x0  }
0x145: {  	v38 =	vnsel vm10, $0x0, v6;
	vm11 =	vgt.s32 v7, $0x0  }
0x146: {  	v7 =	vnsel vm11, $0x0, v7;
	v39 =	vmin.u32 v38, $0x1F  }
0x147: {  	v7 =	vmin.u32 v7, $0x7F;
	v9 =	vshll.u32 v39, $0xB  }
0x148: {  	vm12 =	vlt.s32 v6, $0x20;
	v9 =	vor.u32 v7, v9  }
0x149: {  	v9 =	vor.u32 v0, v9  }
0x14a: {  	v8 =	vmin.u32 v38, $0x7F  }
0x14b: {  	v40 =	vmax.u32 v8, $0x20  }
0x14c: {  	v10 =	vmin.u32 v40, $0x3F  }
0x14d: {  	v41 =	vand.u32 $0xFFFFFFE0, v6;
	v10 =	vshll.u32 v10, $0xB  }
0x14e: {  	vm13 =	veq.s32 v41, $0x20;
	v10 =	vor.u32 v7, v10;
	[tilespmem:v9+s1+$0x0] =	vst.idx.msk vm12, v1  }
0x14f: {  	v10 =	vadd.s32 v3, v10;
	[hbm4b:s12+s2] =	stream.linear.scatter [tilespmem:s1], [sflag:$0x1], $0x10000, $0x38;
	[tilespmem:$0x11800] =	vst v63  }
0x150: {  	_ =	swait.ge [sflag:s25], $0x10000  }
0x151: {  	v42 =	vmax.u32 v8, $0x40;
	[sflag:s25] =	ssyncset.done $0x0  }
0x152: {  	v12 =	vmin.u32 v42, $0x5F;
	[sflag:s25] =	ssyncadd.s32 $0xFFFF0000  }
0x153: {  	v43 =	vshll.u32 v12, $0xB;
	[tilespmem:v9+s1+$0x0] =	vst.idx.msk vm12, v2  }
0x154: {  	vm14 =	veq.s32 v41, $0x40;
	v9 =	vor.u32 v7, v43;
	[tilespmem:v10+s1+$0x0] =	vst.idx.msk vm13, v1  }
0x155: {  	v9 =	vadd.s32 v4, v9;
	[hbm4b:s13+s2] =	stream.linear.scatter [tilespmem:s1], [sflag:$0x1], $0x10000, $0x38;
	[tilespmem:$0x11800] =	vst v63  }
0x156: {  	_ =	swait.ge [sflag:s25], $0x10000  }
0x157: {  	[sflag:s25] =	ssyncset.done $0x0  }
0x158: {  	v8 =	vmax.u32 v8, $0x60;
	[sflag:s25] =	ssyncadd.s32 $0xFFFF0000  }
0x159: {  	v8 =	vshll.u32 v8, $0xB;
	[tilespmem:v10+s1+$0x0] =	vst.idx.msk vm13, v2  }
0x15a: {  	vm15 =	vgt.s32 v6, $0x5F;
	v6 =	vor.u32 v7, v8;
	[tilespmem:v9+s1+$0x0] =	vst.idx.msk vm14, v1  }
0x15b: {  	v6 =	vadd.s32 v5, v6;
	[hbm4b:s14+s2] =	stream.linear.scatter [tilespmem:s1], [sflag:$0x1], $0x10000, $0x38;
	[tilespmem:$0x11800] =	vst v63  }
0x15c: {  	_ =	swait.ge [sflag:s25], $0x10000  }
0x15d: {  	[sflag:s25] =	ssyncset.done $0x0  }
0x15e: {  	[sflag:s25] =	ssyncadd.s32 $0xFFFF0000  }
0x15f: {  	[tilespmem:v9+s1+$0x0] =	vst.idx.msk vm14, v2  }
0x160: {  	[tilespmem:v6+s1+$0x0] =	vst.idx.msk vm15, v1  }
0x161: {  	[hbm4b:s15+s2] =	stream.linear.scatter [tilespmem:s1], [sflag:$0x1], $0x10000, $0x38;
	[tilespmem:$0x11800] =	vst v63  }
0x162: {  	_ =	swait.ge [sflag:s25], $0x10000  }
0x163: {  	[sflag:s25] =	ssyncset.done $0x0  }
0x164: {  	[sflag:s25] =	ssyncadd.s32 $0xFFFF0000  }
0x165: {  	[tilespmem:v6+s1+$0x0] =	vst.idx.msk vm15, v2  }
0x166: {  	v6 =	vld [tilespmem:$0xB00]  }
0x167: {  	v7 =	vld [tilespmem:$0xF00];
	_ =	sdelay $0x3  }
0x168: {  	(erf) = vrcp.f32 v6  }
0x169: {  	(erf) = vrcp.f32 v7;
	_ =	sdelay $0x3  }
0x16a: {  	v6 =	vld [tilespmem:$0x700]  }
0x16b: {  	v7 =	vld [tilespmem:$0x300]  }
0x16c: {  	v44 =	vld [tilespmem:$0x1300]  }
0x16d: {  	v45 =	vld [tilespmem:$0x1700]  }
0x16e: {  	v46 =	vpop (erf)  }
0x16f: {  	v6 =	vmul.f32 v46, v6;
	v47 =	vpop (erf)  }
0x170: {  	v7 =	vmul.f32 v47, v7  }
0x171: {  	v6 =	vadd.f32 v6, v44  }
0x172: {  	v7 =	vadd.f32 v7, v45  }
0x173: {  	v6 =	vtrunc.f32 v6  }
0x174: {  	v6 =	vcvt.f32.s32 v6;
	v7 =	vtrunc.f32 v7  }
0x175: {  	v7 =	vcvt.f32.s32 v7  }
0x176: {  	vm4 =	vgt.s32 v6, $0x0  }
0x177: {  	v48 =	vnsel vm4, $0x0, v6;
	vm5 =	vgt.s32 v7, $0x0  }
0x178: {  	v7 =	vnsel vm5, $0x0, v7;
	v49 =	vmin.u32 v48, $0x1F  }
0x179: {  	v7 =	vmin.u32 v7, $0x7F;
	v9 =	vshll.u32 v49, $0xB  }
0x17a: {  	vm6 =	vlt.s32 v6, $0x20;
	v9 =	vor.u32 v7, v9  }
0x17b: {  	v9 =	vor.u32 v0, v9  }
0x17c: {  	v8 =	vmin.u32 v48, $0x7F  }
0x17d: {  	v50 =	vmax.u32 v8, $0x20  }
0x17e: {  	v10 =	vmin.u32 v50, $0x3F  }
0x17f: {  	v51 =	vand.u32 $0xFFFFFFE0, v6;
	v10 =	vshll.u32 v10, $0xB  }
0x180: {  	vm7 =	veq.s32 v51, $0x20;
	v10 =	vor.u32 v7, v10;
	[tilespmem:v9+s1+$0x0] =	vst.idx.msk vm6, v1  }
0x181: {  	v10 =	vadd.s32 v3, v10;
	[hbm4b:s16+s2] =	stream.linear.scatter [tilespmem:s1], [sflag:$0x1], $0x10000, $0x38;
	[tilespmem:$0x11800] =	vst v63  }
0x182: {  	_ =	swait.ge [sflag:s25], $0x10000  }
0x183: {  	v52 =	vmax.u32 v8, $0x40;
	[sflag:s25] =	ssyncset.done $0x0  }
0x184: {  	v12 =	vmin.u32 v52, $0x5F;
	[sflag:s25] =	ssyncadd.s32 $0xFFFF0000  }
0x185: {  	v53 =	vshll.u32 v12, $0xB;
	[tilespmem:v9+s1+$0x0] =	vst.idx.msk vm6, v2  }
0x186: {  	vm8 =	veq.s32 v51, $0x40;
	v9 =	vor.u32 v7, v53;
	[tilespmem:v10+s1+$0x0] =	vst.idx.msk vm7, v1  }
0x187: {  	v9 =	vadd.s32 v4, v9;
	[hbm4b:s17+s2] =	stream.linear.scatter [tilespmem:s1], [sflag:$0x1], $0x10000, $0x38;
	[tilespmem:$0x11800] =	vst v63  }
0x188: {  	_ =	swait.ge [sflag:s25], $0x10000  }
0x189: {  	[sflag:s25] =	ssyncset.done $0x0  }
0x18a: {  	v8 =	vmax.u32 v8, $0x60;
	[sflag:s25] =	ssyncadd.s32 $0xFFFF0000  }
0x18b: {  	v8 =	vshll.u32 v8, $0xB;
	[tilespmem:v10+s1+$0x0] =	vst.idx.msk vm7, v2  }
0x18c: {  	vm9 =	vgt.s32 v6, $0x5F;
	v6 =	vor.u32 v7, v8;
	[tilespmem:v9+s1+$0x0] =	vst.idx.msk vm8, v1  }
0x18d: {  	v6 =	vadd.s32 v5, v6;
	[hbm4b:s18+s2] =	stream.linear.scatter [tilespmem:s1], [sflag:$0x1], $0x10000, $0x38;
	[tilespmem:$0x11800] =	vst v63  }
0x18e: {  	_ =	swait.ge [sflag:s25], $0x10000  }
0x18f: {  	[sflag:s25] =	ssyncset.done $0x0  }
0x190: {  	[sflag:s25] =	ssyncadd.s32 $0xFFFF0000  }
0x191: {  	[tilespmem:v9+s1+$0x0] =	vst.idx.msk vm8, v2  }
0x192: {  	[tilespmem:v6+s1+$0x0] =	vst.idx.msk vm9, v1  }
0x193: {  	[hbm4b:s19+s2] =	stream.linear.scatter [tilespmem:s1], [sflag:$0x1], $0x10000, $0x38;
	[tilespmem:$0x11800] =	vst v63  }
0x194: {  	_ =	swait.ge [sflag:s25], $0x10000  }
0x195: {  	[sflag:s25] =	ssyncset.done $0x0  }
0x196: {  	[sflag:s25] =	ssyncadd.s32 $0xFFFF0000  }
0x197: {  	[tilespmem:v6+s1+$0x0] =	vst.idx.msk vm9, v2  }
0x198: {  	v6 =	vld [tilespmem:$0xB80]  }
0x199: {  	v7 =	vld [tilespmem:$0xF80];
	_ =	sdelay $0x3  }
0x19a: {  	(erf) = vrcp.f32 v6  }
0x19b: {  	(erf) = vrcp.f32 v7;
	_ =	sdelay $0x3  }
0x19c: {  	v6 =	vld [tilespmem:$0x780]  }
0x19d: {  	v7 =	vld [tilespmem:$0x380]  }
0x19e: {  	v54 =	vld [tilespmem:$0x1380]  }
0x19f: {  	v55 =	vld [tilespmem:$0x1780]  }
0x1a0: {  	v56 =	vpop (erf)  }
0x1a1: {  	v6 =	vmul.f32 v56, v6;
	v57 =	vpop (erf)  }
0x1a2: {  	v7 =	vmul.f32 v57, v7  }
0x1a3: {  	v6 =	vadd.f32 v6, v54  }
0x1a4: {  	v7 =	vadd.f32 v7, v55  }
0x1a5: {  	v6 =	vtrunc.f32 v6  }
0x1a6: {  	v6 =	vcvt.f32.s32 v6;
	v7 =	vtrunc.f32 v7  }
0x1a7: {  	v7 =	vcvt.f32.s32 v7  }
0x1a8: {  	vm10 =	vgt.s32 v6, $0x0  }
0x1a9: {  	v58 =	vnsel vm10, $0x0, v6;
	vm11 =	vgt.s32 v7, $0x0  }
0x1aa: {  	v7 =	vnsel vm11, $0x0, v7;
	v59 =	vmin.u32 v58, $0x1F  }
0x1ab: {  	v7 =	vmin.u32 v7, $0x7F;
	v9 =	vshll.u32 v59, $0xB  }
0x1ac: {  	vm12 =	vlt.s32 v6, $0x20;
	v9 =	vor.u32 v7, v9  }
0x1ad: {  	v9 =	vor.u32 v0, v9  }
0x1ae: {  	v8 =	vmin.u32 v58, $0x7F  }
0x1af: {  	v60 =	vmax.u32 v8, $0x20  }
0x1b0: {  	v10 =	vmin.u32 v60, $0x3F  }
0x1b1: {  	v61 =	vand.u32 $0xFFFFFFE0, v6;
	v10 =	vshll.u32 v10, $0xB  }
0x1b2: {  	vm13 =	veq.s32 v61, $0x20;
	v10 =	vor.u32 v7, v10;
	[tilespmem:v9+s1+$0x0] =	vst.idx.msk vm12, v1  }
0x1b3: {  	v10 =	vadd.s32 v3, v10;
	[hbm4b:s20+s2] =	stream.linear.scatter [tilespmem:s1], [sflag:$0x1], $0x10000, $0x38;
	[tilespmem:$0x11800] =	vst v63  }
0x1b4: {  	_ =	swait.ge [sflag:s25], $0x10000  }
0x1b5: {  	v62 =	vmax.u32 v8, $0x40;
	[sflag:s25] =	ssyncset.done $0x0  }
0x1b6: {  	v12 =	vmin.u32 v62, $0x5F;
	[sflag:s25] =	ssyncadd.s32 $0xFFFF0000  }
0x1b7: {  	v63 =	vshll.u32 v12, $0xB;
	[tilespmem:v9+s1+$0x0] =	vst.idx.msk vm12, v2  }
0x1b8: {  	vm14 =	veq.s32 v61, $0x40;
	v9 =	vor.u32 v7, v63;
	[tilespmem:v10+s1+$0x0] =	vst.idx.msk vm13, v1  }
0x1b9: {  	v9 =	vadd.s32 v4, v9;
	[hbm4b:s21+s2] =	stream.linear.scatter [tilespmem:s1], [sflag:$0x1], $0x10000, $0x38;
	[tilespmem:$0x11800] =	vst v63  }
0x1ba: {  	_ =	swait.ge [sflag:s25], $0x10000  }
0x1bb: {  	[sflag:s25] =	ssyncset.done $0x0  }
0x1bc: {  	v8 =	vmax.u32 v8, $0x60;
	[sflag:s25] =	ssyncadd.s32 $0xFFFF0000  }
0x1bd: {  	v8 =	vshll.u32 v8, $0xB;
	[tilespmem:v10+s1+$0x0] =	vst.idx.msk vm13, v2  }
0x1be: {  	vm15 =	vgt.s32 v6, $0x5F;
	v6 =	vor.u32 v7, v8;
	[tilespmem:v9+s1+$0x0] =	vst.idx.msk vm14, v1  }
0x1bf: {  	v6 =	vadd.s32 v5, v6;
	[hbm4b:s22+s2] =	stream.linear.scatter [tilespmem:s1], [sflag:$0x1], $0x10000, $0x38;
	[tilespmem:$0x11800] =	vst v63  }
0x1c0: {  	_ =	swait.ge [sflag:s25], $0x10000  }
0x1c1: {  	[sflag:s25] =	ssyncset.done $0x0  }
0x1c2: {  	[sflag:s25] =	ssyncadd.s32 $0xFFFF0000  }
0x1c3: {  	[tilespmem:v9+s1+$0x0] =	vst.idx.msk vm14, v2  }
0x1c4: {  	p0 =	sne.s32 s24, $0x1;
	[tilespmem:v6+s1+$0x0] =	vst.idx.msk vm15, v1  }
0x1c5: {  	[hbm4b:s23+s2] =	stream.linear.scatter [tilespmem:s1], [sflag:$0x1], $0x10000, $0x38;
	[tilespmem:$0x11800] =	vst v63  }
.Ltmp0:
0x1c6: {  	_ = 	snop;
	(pc) =	sbr.rel @p0 .LBB2_1-.Ltmp0, $4  }
0x1c7: {  	_ =	swait.ge [sflag:s25], $0x10000  }
0x1c8: {  	[sflag:s25] =	ssyncset.done $0x0  }
0x1c9: {  	[sflag:s25] =	ssyncadd.s32 $0xFFFF0000  }
0x1ca: {  	s24 =	sadd.s32 $0xFFFFFFFF, s24;
	[tilespmem:v6+s1+$0x0] =	vst.idx.msk vm15, v2  }
0x1cb: {  	_ =	sfence.sel $0x180000  }
0x1cc: {  	[bflag:$0x0] =	sbarrier.arrive $0xFFFF  }
0x1cd: {  	_ =	strace $0x90000047  }
0x1ce: {  	s0 =	stileid.u32;
	[bflag:$0x2] =	sbarrier.arrive $0xFFFF  }
0x1cf: {  	p0 =	sne.s32 s0, $0x0;
	s0 =	rddreg [dreg:$0x2]  }
0x1d0: {  	s0 =	sadd.s32 @!p0 $0x100000, s0  }
0x1d1: {  	[sflag:s0] =	ssyncadd.tile.s32 @!p0 $0x1;
	_ =	shalt  }
.Lfunc_end2:
_tile_overlayer_lowered:
.L_overlay_start_2:
0x1d2: {  	(tag) =	ssettag $0x2  }
0x1d3: {  	s0 =	rddreg [dreg:$0x0];
	s2 =	stileid.u32  }
0x1d4: {  	s1 =	rddreg [dreg:$0x1];
	p0 =	sne.s32 s2, $0x0  }
0x1d5: {  	s3 =	rddreg [dreg:$0x2];
	[bflag:$0x3] =	sbarrier.arrive $0xFFFF;
	s2 =	simm.s32 @!p0 $0x1C01  }
0x1d6: {  	[timem:s3], [sflag:s2] =	dma.local @!p0 [hbm:s0], s1  }
0x1d7: {  	s0 =	simm.s32 @!p0 $0x1  }
0x1d8: {  	_ =	swait.ge @!p0 [sflag:s0], s1  }
0x1d9: {  	s1 =	ssub.s32 @!p0 $0x0, s1;
	[sflag:s0] =	ssyncset.done @!p0 $0x0  }
0x1da: {  	[sflag:s0] =	ssyncadd.s32 @!p0 s1  }
0x1db: {  	[bflag:$0x3] =	sbarrier.arrive $0xFFFF  }
0x1dc: {  	_ =	shalt  }

</sc_bundles>
